<compile_context>
chip_gen: v7x
topology: tpu7x:2x2x1
jax: 0.10.2.dev20260603
libtpu: 0.0.44.dev20260713+nightly
codegen_flags: <defaults>
</compile_context>

<pallas_src>
import jax
import jax.numpy as jnp
from jax import lax
from jax.experimental import pallas as pl
from jax.experimental.pallas import tpu as pltpu
from jax.experimental.pallas import tpu_sc as plsc

_NC = 2
_NS = 16
_LANES = 16


def kernel(x, emb_weight, cls_token):
    b, L = x.shape
    D = emb_weight.shape[1]
    LD = (L + 1) * D
    nw = _NC * _NS
    rows_per_w = b // nw
    Lp = -(-(L + 1) // 8) * 8
    xa = jnp.concatenate(
        [x, jnp.ones((b, 1), jnp.float32), jnp.zeros((b, Lp - L - 1), jnp.float32)],
        axis=1,
    )
    wflat = jnp.concatenate(
        [
            emb_weight[1 : L + 1].reshape(L * D),
            cls_token.reshape(D),
            jnp.zeros((Lp - L - 1) * D, jnp.float32),
        ],
        axis=0,
    )
    LDp = Lp * D
    n_chunks = Lp // _LANES

    mesh = plsc.VectorSubcoreMesh(core_axis_name="c", subcore_axis_name="s")

    @pl.kernel(
        mesh=mesh,
        out_type=jax.ShapeDtypeStruct((b * LD,), jnp.float32),
        scratch_types=[
            pltpu.VMEM((rows_per_w * Lp,), jnp.float32),
            pltpu.VMEM((LDp,), jnp.float32),
            pltpu.VMEM((LDp,), jnp.float32),
            pltpu.VMEM((LDp,), jnp.float32),
            pltpu.SemaphoreType.DMA,
        ],
    )
    def sc_emb(xa_hbm, w_hbm, out_hbm, x_v, w_v, row_v0, row_v1, sem):
        wid = lax.axis_index("s") * _NC + lax.axis_index("c")
        base = wid * rows_per_w
        pltpu.sync_copy(xa_hbm.at[pl.ds(base * Lp, rows_per_w * Lp)], x_v)
        pltpu.sync_copy(w_hbm, w_v)

        def compute_row(r, buf):
            def chunk_body(k, carry2):
                xvec = x_v[pl.ds(r * Lp + k * _LANES, _LANES)]
                xvec = jnp.where(xvec != xvec, jnp.float32(0.0), xvec)
                coff = k * _LANES * D
                for i in range(_LANES):
                    sv = jnp.full((_LANES,), xvec[i], jnp.float32)
                    for v in range(D // _LANES):
                        off = coff + i * D + v * _LANES
                        buf[pl.ds(off, _LANES)] = sv * w_v[pl.ds(off, _LANES)]
                return carry2

            lax.fori_loop(0, n_chunks, chunk_body, 0)

        def start_out(r, buf):
            pltpu.make_async_copy(
                buf.at[pl.ds(0, LD)], out_hbm.at[pl.ds((base + r) * LD, LD)], sem
            ).start()

        def drain_one():
            pltpu.make_async_copy(
                row_v0.at[pl.ds(0, LD)], out_hbm.at[pl.ds(0, LD)], sem
            ).wait()

        def pair_body(p, carry):
            r0 = 2 * p
            compute_row(r0, row_v0)

            compute_row(r0 + 1, row_v1)
            return carry

        lax.fori_loop(0, rows_per_w // 2, pair_body, 0)
        start_out(0, row_v0)
        drain_one()

    out_flat = sc_emb(xa.reshape(b * Lp), wflat)
    return out_flat.reshape(b, L + 1, D)

# --- scband reference (transcript-rebuilt; emitter-appended) ---
"""Pipeline reference for scband-scalar-embedding-9981503996171 (READ-ONLY COPY).

The authoritative reference and input builder live on the scoring server;
editing this copy changes nothing except your own understanding.
"""

import jax, jax.numpy as jnp
import numpy as np

CONFIG_VOCAB_SIZE = 1000
DIM = 64
EOS = True
B = 4096
L = 200


def setup_inputs(seed: int = 0) -> dict:
    key = jax.random.key(seed)
    k1, k2, k3 = jax.random.split(key, 3)
    x = jax.random.normal(k1, (B, L), dtype=jnp.float32)
    emb_weight = jax.random.normal(k2, (CONFIG_VOCAB_SIZE + 1, DIM), dtype=jnp.float32) * 0.02
    cls_token = jax.random.normal(k3, (1, 1, DIM), dtype=jnp.float32)
    return {"x": x, "emb_weight": emb_weight, "cls_token": cls_token}


def reference(x, emb_weight, cls_token):
    b, L_ = x.shape
    mask = jnp.isnan(x)
    ind = jnp.broadcast_to(jnp.arange(1, L_ + 1, dtype=jnp.int32)[None, :], (b, L_))
    token = jnp.where(mask, jnp.zeros_like(ind), ind)
    # torch uses x.clone().detach() -> no gradient flows through x
    x_ = jax.lax.stop_gradient(jnp.where(mask, jnp.zeros_like(x), x))
    emb = jnp.take(emb_weight, token, axis=0) * x_[..., None]
    if EOS:
        cls_tokens = jnp.broadcast_to(cls_token, (b, 1, cls_token.shape[-1]))
        emb = jnp.concatenate([emb, cls_tokens], axis=1)
    return emb

if __name__ == "__main__":
    import jax
    _d = setup_inputs()
    print(jax.jit(kernel)(*tuple(_d.values())))

</pallas_src>

<mosaic_0001>
#map = affine_map<(d0, d1) -> (0)>
module attributes {stable_mosaic.version = 14 : i64} {
  func.func @sc_emb(%arg0: i32, %arg1: i32, %arg2: memref<851968xf32, #tpu.memory_space<hbm>>, %arg3: memref<13312xf32, #tpu.memory_space<hbm>>, %arg4: memref<52690944xf32, #tpu.memory_space<hbm>>, %arg5: memref<26624xf32, #tpu.memory_space<vmem>>, %arg6: memref<13312xf32, #tpu.memory_space<vmem>>, %arg7: memref<13312xf32, #tpu.memory_space<vmem>>, %arg8: memref<13312xf32, #tpu.memory_space<vmem>>, %arg9: memref<!tpu.dma_semaphore, #tpu.memory_space<semaphore_mem>>) attributes {dimension_semantics = [#tpu.dimension_semantics<core_parallel>, #tpu.dimension_semantics<subcore_parallel>], iteration_bounds = array<i64: 2, 16>, scalar_prefetch = 0 : i64, scratch_operands = 5 : i64, tpu.core_type = #tpu.core_type<sc_vector_subcore>, window_params = [{transform_indices = #map}, {transform_indices = #map}, {transform_indices = #map}]} {
    %mul3A = arith.constant 2 : i32
    %mul3A_0 = arith.muli %arg1, %mul3A : i32
    %add3A = arith.addi %mul3A_0, %arg0 : i32
    %mul3A_1 = arith.constant 128 : i32
    %mul3A_2 = arith.muli %add3A, %mul3A_1 : i32
    %mul3A_3 = arith.constant 208 : i32
    %mul3A_4 = arith.muli %mul3A_2, %mul3A_3 : i32
    "tpu.region"() ({
      %run_scoped3A = tpu.sem_alloc : memref<!tpu.dma_semaphore, #tpu.memory_space<semaphore_mem>>
      %dma_start3A_26 = tpu.memref_slice %arg2[%mul3A_4] : memref<851968xf32, #tpu.memory_space<hbm>> -> memref<26624xf32, #tpu.memory_space<hbm>>
      %dma_start3A_27 = tpu.memref_slice %arg2[%mul3A_4] : memref<851968xf32, #tpu.memory_space<hbm>> -> memref<26624xf32, #tpu.memory_space<hbm>>
      tpu.enqueue_dma source(%dma_start3A_27 : memref<26624xf32, #tpu.memory_space<hbm>>) target(%arg5 : memref<26624xf32, #tpu.memory_space<vmem>>) target_semaphore(%run_scoped3A : memref<!tpu.dma_semaphore, #tpu.memory_space<semaphore_mem>>)
      %dma_wait3A_28 = tpu.memref_slice %arg2[%mul3A_4] : memref<851968xf32, #tpu.memory_space<hbm>> -> memref<26624xf32, #tpu.memory_space<hbm>>
      %dma_wait3A_29 = tpu.memref_slice %arg2[%mul3A_4] : memref<851968xf32, #tpu.memory_space<hbm>> -> memref<26624xf32, #tpu.memory_space<hbm>>
      tpu.wait_dma2 semaphore(%run_scoped3A : memref<!tpu.dma_semaphore, #tpu.memory_space<semaphore_mem>>) src(%dma_wait3A_29 : memref<26624xf32, #tpu.memory_space<hbm>>) dst(%arg5 : memref<26624xf32, #tpu.memory_space<vmem>>)
      tpu.yield
    }) : () -> ()
    "tpu.region"() ({
      %run_scoped3A = tpu.sem_alloc : memref<!tpu.dma_semaphore, #tpu.memory_space<semaphore_mem>>
      tpu.enqueue_dma source(%arg3 : memref<13312xf32, #tpu.memory_space<hbm>>) target(%arg6 : memref<13312xf32, #tpu.memory_space<vmem>>) target_semaphore(%run_scoped3A : memref<!tpu.dma_semaphore, #tpu.memory_space<semaphore_mem>>)
      tpu.wait_dma2 semaphore(%run_scoped3A : memref<!tpu.dma_semaphore, #tpu.memory_space<semaphore_mem>>) src(%arg3 : memref<13312xf32, #tpu.memory_space<hbm>>) dst(%arg6 : memref<13312xf32, #tpu.memory_space<vmem>>)
      tpu.yield
    }) : () -> ()
    %scan3A = arith.constant 0 : i32
    %scan3A_5 = arith.constant 0 : i32
    %scan3A_6 = arith.constant 64 : i32
    %scan3A_7 = arith.addi %scan3A_5, %scan3A_6 : i32
    %scan3A_8 = arith.constant 1 : i32
    scf.for %scan3A_26 = %scan3A_5 to %scan3A_7 step %scan3A_8  : i32 {
      %mul3A_27 = arith.constant 2 : i32
      %mul3A_28 = arith.muli %mul3A_27, %scan3A_26 : i32
      %scan3A_29 = arith.constant 0 : i32
      %scan3A_30 = arith.constant 0 : i32
      %scan3A_31 = arith.constant 13 : i32
      %scan3A_32 = arith.addi %scan3A_30, %scan3A_31 : i32
      %scan3A_33 = arith.constant 1 : i32
      scf.for %scan3A_43 = %scan3A_30 to %scan3A_32 step %scan3A_33  : i32 {
        %mul3A_44 = arith.constant 208 : i32
        %mul3A_45 = arith.muli %mul3A_28, %mul3A_44 : i32
        %mul3A_46 = arith.constant 16 : i32
        %mul3A_47 = arith.muli %scan3A_43, %mul3A_46 : i32
        %add3A_48 = arith.addi %mul3A_45, %mul3A_47 : i32
        %get3A = arith.index_cast %add3A_48 : i32 to index
        %get3A_49 = tpu.vector_load %arg5[%get3A] {strides = array<i32>} : memref<26624xf32, #tpu.memory_space<vmem>>, vector<16xf32>,
        %get3A_50 = vector.shape_cast %get3A_49 : vector<16xf32> to vector<16xf32>
        %ne3A = arith.cmpf one, %get3A_50, %get3A_50 : vector<16xf32>
        %jit3A = arith.constant 0.000000e+00 : f32
        %broadcast_in_dim3A = vector.broadcast %jit3A : f32 to vector<16xf32>
        %select_n3A = arith.select %ne3A, %broadcast_in_dim3A, %get3A_50 : vector<16xi1>, vector<16xf32>
        %mul3A_51 = arith.constant 16 : i32
        %mul3A_52 = arith.muli %scan3A_43, %mul3A_51 : i32
        %mul3A_53 = arith.constant 64 : i32
        %mul3A_54 = arith.muli %mul3A_52, %mul3A_53 : i32
        %slice3A = vector.extract_strided_slice %select_n3A {offsets = [0], sizes = [1], strides = [1]} : vector<16xf32> to vector<1xf32>
        %squeeze3A = vector.extract %slice3A[0] : f32 from vector<1xf32>
        %broadcast_in_dim3A_55 = vector.broadcast %squeeze3A : f32 to vector<16xf32>
        %add3A_56 = arith.constant 0 : i32
        %add3A_57 = arith.addi %mul3A_54, %add3A_56 : i32
        %add3A_58 = arith.constant 0 : i32
        %add3A_59 = arith.addi %add3A_57, %add3A_58 : i32
        %get3A_60 = arith.index_cast %add3A_59 : i32 to index
        %get3A_61 = tpu.vector_load %arg6[%get3A_60] {strides = array<i32>} : memref<13312xf32, #tpu.memory_space<vmem>>, vector<16xf32>,
        %get3A_62 = vector.shape_cast %get3A_61 : vector<16xf32> to vector<16xf32>
        %mul3A_63 = arith.mulf %broadcast_in_dim3A_55, %get3A_62 : vector<16xf32>
        %swap3A = arith.index_cast %add3A_59 : i32 to index
        %swap3A_64 = tpu.vector_load %arg7[%swap3A] {strides = array<i32>} : memref<13312xf32, #tpu.memory_space<vmem>>, vector<16xf32>,
        %swap3A_65 = vector.shape_cast %swap3A_64 : vector<16xf32> to vector<16xf32>
        %swap3A_66 = vector.shape_cast %mul3A_63 : vector<16xf32> to vector<16xf32>
        tpu.vector_store %arg7[%swap3A], %swap3A_66 {strides = array<i32>} : memref<13312xf32, #tpu.memory_space<vmem>>, vector<16xf32>,
        %add3A_67 = arith.constant 0 : i32
        %add3A_68 = arith.addi %mul3A_54, %add3A_67 : i32
        %add3A_69 = arith.constant 16 : i32
        %add3A_70 = arith.addi %add3A_68, %add3A_69 : i32
        %get3A_71 = arith.index_cast %add3A_70 : i32 to index
        %get3A_72 = tpu.vector_load %arg6[%get3A_71] {strides = array<i32>} : memref<13312xf32, #tpu.memory_space<vmem>>, vector<16xf32>,
        %get3A_73 = vector.shape_cast %get3A_72 : vector<16xf32> to vector<16xf32>
        %mul3A_74 = arith.mulf %broadcast_in_dim3A_55, %get3A_73 : vector<16xf32>
        %swap3A_75 = arith.index_cast %add3A_70 : i32 to index
        %swap3A_76 = tpu.vector_load %arg7[%swap3A_75] {strides = array<i32>} : memref<13312xf32, #tpu.memory_space<vmem>>, vector<16xf32>,
        %swap3A_77 = vector.shape_cast %swap3A_76 : vector<16xf32> to vector<16xf32>
        %swap3A_78 = vector.shape_cast %mul3A_74 : vector<16xf32> to vector<16xf32>
        tpu.vector_store %arg7[%swap3A_75], %swap3A_78 {strides = array<i32>} : memref<13312xf32, #tpu.memory_space<vmem>>, vector<16xf32>,
        %add3A_79 = arith.constant 0 : i32
        %add3A_80 = arith.addi %mul3A_54, %add3A_79 : i32
        %add3A_81 = arith.constant 32 : i32
        %add3A_82 = arith.addi %add3A_80, %add3A_81 : i32
        %get3A_83 = arith.index_cast %add3A_82 : i32 to index
        %get3A_84 = tpu.vector_load %arg6[%get3A_83] {strides = array<i32>} : memref<13312xf32, #tpu.memory_space<vmem>>, vector<16xf32>,
        %get3A_85 = vector.shape_cast %get3A_84 : vector<16xf32> to vector<16xf32>
        %mul3A_86 = arith.mulf %broadcast_in_dim3A_55, %get3A_85 : vector<16xf32>
        %swap3A_87 = arith.index_cast %add3A_82 : i32 to index
        %swap3A_88 = tpu.vector_load %arg7[%swap3A_87] {strides = array<i32>} : memref<13312xf32, #tpu.memory_space<vmem>>, vector<16xf32>,
        %swap3A_89 = vector.shape_cast %swap3A_88 : vector<16xf32> to vector<16xf32>
        %swap3A_90 = vector.shape_cast %mul3A_86 : vector<16xf32> to vector<16xf32>
        tpu.vector_store %arg7[%swap3A_87], %swap3A_90 {strides = array<i32>} : memref<13312xf32, #tpu.memory_space<vmem>>, vector<16xf32>,
        %add3A_91 = arith.constant 0 : i32
        %add3A_92 = arith.addi %mul3A_54, %add3A_91 : i32
        %add3A_93 = arith.constant 48 : i32
        %add3A_94 = arith.addi %add3A_92, %add3A_93 : i32
        %get3A_95 = arith.index_cast %add3A_94 : i32 to index
        %get3A_96 = tpu.vector_load %arg6[%get3A_95] {strides = array<i32>} : memref<13312xf32, #tpu.memory_space<vmem>>, vector<16xf32>,
        %get3A_97 = vector.shape_cast %get3A_96 : vector<16xf32> to vector<16xf32>
        %mul3A_98 = arith.mulf %broadcast_in_dim3A_55, %get3A_97 : vector<16xf32>
        %swap3A_99 = arith.index_cast %add3A_94 : i32 to index
        %swap3A_100 = tpu.vector_load %arg7[%swap3A_99] {strides = array<i32>} : memref<13312xf32, #tpu.memory_space<vmem>>, vector<16xf32>,
        %swap3A_101 = vector.shape_cast %swap3A_100 : vector<16xf32> to vector<16xf32>
        %swap3A_102 = vector.shape_cast %mul3A_98 : vector<16xf32> to vector<16xf32>
        tpu.vector_store %arg7[%swap3A_99], %swap3A_102 {strides = array<i32>} : memref<13312xf32, #tpu.memory_space<vmem>>, vector<16xf32>,
        %slice3A_103 = vector.extract_strided_slice %select_n3A {offsets = [1], sizes = [1], strides = [1]} : vector<16xf32> to vector<1xf32>
        %squeeze3A_104 = vector.extract %slice3A_103[0] : f32 from vector<1xf32>
        %broadcast_in_dim3A_105 = vector.broadcast %squeeze3A_104 : f32 to vector<16xf32>
        %add3A_106 = arith.constant 64 : i32
        %add3A_107 = arith.addi %mul3A_54, %add3A_106 : i32
        %add3A_108 = arith.constant 0 : i32
        %add3A_109 = arith.addi %add3A_107, %add3A_108 : i32
        %get3A_110 = arith.index_cast %add3A_109 : i32 to index
        %get3A_111 = tpu.vector_load %arg6[%get3A_110] {strides = array<i32>} : memref<13312xf32, #tpu.memory_space<vmem>>, vector<16xf32>,
        %get3A_112 = vector.shape_cast %get3A_111 : vector<16xf32> to vector<16xf32>
        %mul3A_113 = arith.mulf %broadcast_in_dim3A_105, %get3A_112 : vector<16xf32>
        %swap3A_114 = arith.index_cast %add3A_109 : i32 to index
        %swap3A_115 = tpu.vector_load %arg7[%swap3A_114] {strides = array<i32>} : memref<13312xf32, #tpu.memory_space<vmem>>, vector<16xf32>,
        %swap3A_116 = vector.shape_cast %swap3A_115 : vector<16xf32> to vector<16xf32>
        %swap3A_117 = vector.shape_cast %mul3A_113 : vector<16xf32> to vector<16xf32>
        tpu.vector_store %arg7[%swap3A_114], %swap3A_117 {strides = array<i32>} : memref<13312xf32, #tpu.memory_space<vmem>>, vector<16xf32>,
        %add3A_118 = arith.constant 64 : i32
        %add3A_119 = arith.addi %mul3A_54, %add3A_118 : i32
        %add3A_120 = arith.constant 16 : i32
        %add3A_121 = arith.addi %add3A_119, %add3A_120 : i32
        %get3A_122 = arith.index_cast %add3A_121 : i32 to index
        %get3A_123 = tpu.vector_load %arg6[%get3A_122] {strides = array<i32>} : memref<13312xf32, #tpu.memory_space<vmem>>, vector<16xf32>,
        %get3A_124 = vector.shape_cast %get3A_123 : vector<16xf32> to vector<16xf32>
        %mul3A_125 = arith.mulf %broadcast_in_dim3A_105, %get3A_124 : vector<16xf32>
        %swap3A_126 = arith.index_cast %add3A_121 : i32 to index
        %swap3A_127 = tpu.vector_load %arg7[%swap3A_126] {strides = array<i32>} : memref<13312xf32, #tpu.memory_space<vmem>>, vector<16xf32>,
        %swap3A_128 = vector.shape_cast %swap3A_127 : vector<16xf32> to vector<16xf32>
        %swap3A_129 = vector.shape_cast %mul3A_125 : vector<16xf32> to vector<16xf32>
        tpu.vector_store %arg7[%swap3A_126], %swap3A_129 {strides = array<i32>} : memref<13312xf32, #tpu.memory_space<vmem>>, vector<16xf32>,
        %add3A_130 = arith.constant 64 : i32
        %add3A_131 = arith.addi %mul3A_54, %add3A_130 : i32
        %add3A_132 = arith.constant 32 : i32
        %add3A_133 = arith.addi %add3A_131, %add3A_132 : i32
        %get3A_134 = arith.index_cast %add3A_133 : i32 to index
        %get3A_135 = tpu.vector_load %arg6[%get3A_134] {strides = array<i32>} : memref<13312xf32, #tpu.memory_space<vmem>>, vector<16xf32>,
        %get3A_136 = vector.shape_cast %get3A_135 : vector<16xf32> to vector<16xf32>
        %mul3A_137 = arith.mulf %broadcast_in_dim3A_105, %get3A_136 : vector<16xf32>
        %swap3A_138 = arith.index_cast %add3A_133 : i32 to index
        %swap3A_139 = tpu.vector_load %arg7[%swap3A_138] {strides = array<i32>} : memref<13312xf32, #tpu.memory_space<vmem>>, vector<16xf32>,
        %swap3A_140 = vector.shape_cast %swap3A_139 : vector<16xf32> to vector<16xf32>
        %swap3A_141 = vector.shape_cast %mul3A_137 : vector<16xf32> to vector<16xf32>
        tpu.vector_store %arg7[%swap3A_138], %swap3A_141 {strides = array<i32>} : memref<13312xf32, #tpu.memory_space<vmem>>, vector<16xf32>,
        %add3A_142 = arith.constant 64 : i32
        %add3A_143 = arith.addi %mul3A_54, %add3A_142 : i32
        %add3A_144 = arith.constant 48 : i32
        %add3A_145 = arith.addi %add3A_143, %add3A_144 : i32
        %get3A_146 = arith.index_cast %add3A_145 : i32 to index
        %get3A_147 = tpu.vector_load %arg6[%get3A_146] {strides = array<i32>} : memref<13312xf32, #tpu.memory_space<vmem>>, vector<16xf32>,
        %get3A_148 = vector.shape_cast %get3A_147 : vector<16xf32> to vector<16xf32>
        %mul3A_149 = arith.mulf %broadcast_in_dim3A_105, %get3A_148 : vector<16xf32>
        %swap3A_150 = arith.index_cast %add3A_145 : i32 to index
        %swap3A_151 = tpu.vector_load %arg7[%swap3A_150] {strides = array<i32>} : memref<13312xf32, #tpu.memory_space<vmem>>, vector<16xf32>,
        %swap3A_152 = vector.shape_cast %swap3A_151 : vector<16xf32> to vector<16xf32>
        %swap3A_153 = vector.shape_cast %mul3A_149 : vector<16xf32> to vector<16xf32>
        tpu.vector_store %arg7[%swap3A_150], %swap3A_153 {strides = array<i32>} : memref<13312xf32, #tpu.memory_space<vmem>>, vector<16xf32>,
        %slice3A_154 = vector.extract_strided_slice %select_n3A {offsets = [2], sizes = [1], strides = [1]} : vector<16xf32> to vector<1xf32>
        %squeeze3A_155 = vector.extract %slice3A_154[0] : f32 from vector<1xf32>
        %broadcast_in_dim3A_156 = vector.broadcast %squeeze3A_155 : f32 to vector<16xf32>
        %add3A_157 = arith.constant 128 : i32
        %add3A_158 = arith.addi %mul3A_54, %add3A_157 : i32
        %add3A_159 = arith.constant 0 : i32
        %add3A_160 = arith.addi %add3A_158, %add3A_159 : i32
        %get3A_161 = arith.index_cast %add3A_160 : i32 to index
        %get3A_162 = tpu.vector_load %arg6[%get3A_161] {strides = array<i32>} : memref<13312xf32, #tpu.memory_space<vmem>>, vector<16xf32>,
        %get3A_163 = vector.shape_cast %get3A_162 : vector<16xf32> to vector<16xf32>
        %mul3A_164 = arith.mulf %broadcast_in_dim3A_156, %get3A_163 : vector<16xf32>
        %swap3A_165 = arith.index_cast %add3A_160 : i32 to index
        %swap3A_166 = tpu.vector_load %arg7[%swap3A_165] {strides = array<i32>} : memref<13312xf32, #tpu.memory_space<vmem>>, vector<16xf32>,
        %swap3A_167 = vector.shape_cast %swap3A_166 : vector<16xf32> to vector<16xf32>
        %swap3A_168 = vector.shape_cast %mul3A_164 : vector<16xf32> to vector<16xf32>
        tpu.vector_store %arg7[%swap3A_165], %swap3A_168 {strides = array<i32>} : memref<13312xf32, #tpu.memory_space<vmem>>, vector<16xf32>,
        %add3A_169 = arith.constant 128 : i32
        %add3A_170 = arith.addi %mul3A_54, %add3A_169 : i32
        %add3A_171 = arith.constant 16 : i32
        %add3A_172 = arith.addi %add3A_170, %add3A_171 : i32
        %get3A_173 = arith.index_cast %add3A_172 : i32 to index
        %get3A_174 = tpu.vector_load %arg6[%get3A_173] {strides = array<i32>} : memref<13312xf32, #tpu.memory_space<vmem>>, vector<16xf32>,
        %get3A_175 = vector.shape_cast %get3A_174 : vector<16xf32> to vector<16xf32>
        %mul3A_176 = arith.mulf %broadcast_in_dim3A_156, %get3A_175 : vector<16xf32>
        %swap3A_177 = arith.index_cast %add3A_172 : i32 to index
        %swap3A_178 = tpu.vector_load %arg7[%swap3A_177] {strides = array<i32>} : memref<13312xf32, #tpu.memory_space<vmem>>, vector<16xf32>,
        %swap3A_179 = vector.shape_cast %swap3A_178 : vector<16xf32> to vector<16xf32>
        %swap3A_180 = vector.shape_cast %mul3A_176 : vector<16xf32> to vector<16xf32>
        tpu.vector_store %arg7[%swap3A_177], %swap3A_180 {strides = array<i32>} : memref<13312xf32, #tpu.memory_space<vmem>>, vector<16xf32>,
        %add3A_181 = arith.constant 128 : i32
        %add3A_182 = arith.addi %mul3A_54, %add3A_181 : i32
        %add3A_183 = arith.constant 32 : i32
        %add3A_184 = arith.addi %add3A_182, %add3A_183 : i32
        %get3A_185 = arith.index_cast %add3A_184 : i32 to index
        %get3A_186 = tpu.vector_load %arg6[%get3A_185] {strides = array<i32>} : memref<13312xf32, #tpu.memory_space<vmem>>, vector<16xf32>,
        %get3A_187 = vector.shape_cast %get3A_186 : vector<16xf32> to vector<16xf32>
        %mul3A_188 = arith.mulf %broadcast_in_dim3A_156, %get3A_187 : vector<16xf32>
        %swap3A_189 = arith.index_cast %add3A_184 : i32 to index
        %swap3A_190 = tpu.vector_load %arg7[%swap3A_189] {strides = array<i32>} : memref<13312xf32, #tpu.memory_space<vmem>>, vector<16xf32>,
        %swap3A_191 = vector.shape_cast %swap3A_190 : vector<16xf32> to vector<16xf32>
        %swap3A_192 = vector.shape_cast %mul3A_188 : vector<16xf32> to vector<16xf32>
        tpu.vector_store %arg7[%swap3A_189], %swap3A_192 {strides = array<i32>} : memref<13312xf32, #tpu.memory_space<vmem>>, vector<16xf32>,
        %add3A_193 = arith.constant 128 : i32
        %add3A_194 = arith.addi %mul3A_54, %add3A_193 : i32
        %add3A_195 = arith.constant 48 : i32
        %add3A_196 = arith.addi %add3A_194, %add3A_195 : i32
        %get3A_197 = arith.index_cast %add3A_196 : i32 to index
        %get3A_198 = tpu.vector_load %arg6[%get3A_197] {strides = array<i32>} : memref<13312xf32, #tpu.memory_space<vmem>>, vector<16xf32>,
        %get3A_199 = vector.shape_cast %get3A_198 : vector<16xf32> to vector<16xf32>
        %mul3A_200 = arith.mulf %broadcast_in_dim3A_156, %get3A_199 : vector<16xf32>
        %swap3A_201 = arith.index_cast %add3A_196 : i32 to index
        %swap3A_202 = tpu.vector_load %arg7[%swap3A_201] {strides = array<i32>} : memref<13312xf32, #tpu.memory_space<vmem>>, vector<16xf32>,
        %swap3A_203 = vector.shape_cast %swap3A_202 : vector<16xf32> to vector<16xf32>
        %swap3A_204 = vector.shape_cast %mul3A_200 : vector<16xf32> to vector<16xf32>
        tpu.vector_store %arg7[%swap3A_201], %swap3A_204 {strides = array<i32>} : memref<13312xf32, #tpu.memory_space<vmem>>, vector<16xf32>,
        %slice3A_205 = vector.extract_strided_slice %select_n3A {offsets = [3], sizes = [1], strides = [1]} : vector<16xf32> to vector<1xf32>
        %squeeze3A_206 = vector.extract %slice3A_205[0] : f32 from vector<1xf32>
        %broadcast_in_dim3A_207 = vector.broadcast %squeeze3A_206 : f32 to vector<16xf32>
        %add3A_208 = arith.constant 192 : i32
        %add3A_209 = arith.addi %mul3A_54, %add3A_208 : i32
        %add3A_210 = arith.constant 0 : i32
        %add3A_211 = arith.addi %add3A_209, %add3A_210 : i32
        %get3A_212 = arith.index_cast %add3A_211 : i32 to index
        %get3A_213 = tpu.vector_load %arg6[%get3A_212] {strides = array<i32>} : memref<13312xf32, #tpu.memory_space<vmem>>, vector<16xf32>,
        %get3A_214 = vector.shape_cast %get3A_213 : vector<16xf32> to vector<16xf32>
        %mul3A_215 = arith.mulf %broadcast_in_dim3A_207, %get3A_214 : vector<16xf32>
        %swap3A_216 = arith.index_cast %add3A_211 : i32 to index
        %swap3A_217 = tpu.vector_load %arg7[%swap3A_216] {strides = array<i32>} : memref<13312xf32, #tpu.memory_space<vmem>>, vector<16xf32>,
        %swap3A_218 = vector.shape_cast %swap3A_217 : vector<16xf32> to vector<16xf32>
        %swap3A_219 = vector.shape_cast %mul3A_215 : vector<16xf32> to vector<16xf32>
        tpu.vector_store %arg7[%swap3A_216], %swap3A_219 {strides = array<i32>} : memref<13312xf32, #tpu.memory_space<vmem>>, vector<16xf32>,
        %add3A_220 = arith.constant 192 : i32
        %add3A_221 = arith.addi %mul3A_54, %add3A_220 : i32
        %add3A_222 = arith.constant 16 : i32
        %add3A_223 = arith.addi %add3A_221, %add3A_222 : i32
        %get3A_224 = arith.index_cast %add3A_223 : i32 to index
        %get3A_225 = tpu.vector_load %arg6[%get3A_224] {strides = array<i32>} : memref<13312xf32, #tpu.memory_space<vmem>>, vector<16xf32>,
        %get3A_226 = vector.shape_cast %get3A_225 : vector<16xf32> to vector<16xf32>
        %mul3A_227 = arith.mulf %broadcast_in_dim3A_207, %get3A_226 : vector<16xf32>
        %swap3A_228 = arith.index_cast %add3A_223 : i32 to index
        %swap3A_229 = tpu.vector_load %arg7[%swap3A_228] {strides = array<i32>} : memref<13312xf32, #tpu.memory_space<vmem>>, vector<16xf32>,
        %swap3A_230 = vector.shape_cast %swap3A_229 : vector<16xf32> to vector<16xf32>
        %swap3A_231 = vector.shape_cast %mul3A_227 : vector<16xf32> to vector<16xf32>
        tpu.vector_store %arg7[%swap3A_228], %swap3A_231 {strides = array<i32>} : memref<13312xf32, #tpu.memory_space<vmem>>, vector<16xf32>,
        %add3A_232 = arith.constant 192 : i32
        %add3A_233 = arith.addi %mul3A_54, %add3A_232 : i32
        %add3A_234 = arith.constant 32 : i32
        %add3A_235 = arith.addi %add3A_233, %add3A_234 : i32
        %get3A_236 = arith.index_cast %add3A_235 : i32 to index
        %get3A_237 = tpu.vector_load %arg6[%get3A_236] {strides = array<i32>} : memref<13312xf32, #tpu.memory_space<vmem>>, vector<16xf32>,
        %get3A_238 = vector.shape_cast %get3A_237 : vector<16xf32> to vector<16xf32>
        %mul3A_239 = arith.mulf %broadcast_in_dim3A_207, %get3A_238 : vector<16xf32>
        %swap3A_240 = arith.index_cast %add3A_235 : i32 to index
        %swap3A_241 = tpu.vector_load %arg7[%swap3A_240] {strides = array<i32>} : memref<13312xf32, #tpu.memory_space<vmem>>, vector<16xf32>,
        %swap3A_242 = vector.shape_cast %swap3A_241 : vector<16xf32> to vector<16xf32>
        %swap3A_243 = vector.shape_cast %mul3A_239 : vector<16xf32> to vector<16xf32>
        tpu.vector_store %arg7[%swap3A_240], %swap3A_243 {strides = array<i32>} : memref<13312xf32, #tpu.memory_space<vmem>>, vector<16xf32>,
        %add3A_244 = arith.constant 192 : i32
        %add3A_245 = arith.addi %mul3A_54, %add3A_244 : i32
        %add3A_246 = arith.constant 48 : i32
        %add3A_247 = arith.addi %add3A_245, %add3A_246 : i32
        %get3A_248 = arith.index_cast %add3A_247 : i32 to index
        %get3A_249 = tpu.vector_load %arg6[%get3A_248] {strides = array<i32>} : memref<13312xf32, #tpu.memory_space<vmem>>, vector<16xf32>,
        %get3A_250 = vector.shape_cast %get3A_249 : vector<16xf32> to vector<16xf32>
        %mul3A_251 = arith.mulf %broadcast_in_dim3A_207, %get3A_250 : vector<16xf32>
        %swap3A_252 = arith.index_cast %add3A_247 : i32 to index
        %swap3A_253 = tpu.vector_load %arg7[%swap3A_252] {strides = array<i32>} : memref<13312xf32, #tpu.memory_space<vmem>>, vector<16xf32>,
        %swap3A_254 = vector.shape_cast %swap3A_253 : vector<16xf32> to vector<16xf32>
        %swap3A_255 = vector.shape_cast %mul3A_251 : vector<16xf32> to vector<16xf32>
        tpu.vector_store %arg7[%swap3A_252], %swap3A_255 {strides = array<i32>} : memref<13312xf32, #tpu.memory_space<vmem>>, vector<16xf32>,
        %slice3A_256 = vector.extract_strided_slice %select_n3A {offsets = [4], sizes = [1], strides = [1]} : vector<16xf32> to vector<1xf32>
        %squeeze3A_257 = vector.extract %slice3A_256[0] : f32 from vector<1xf32>
        %broadcast_in_dim3A_258 = vector.broadcast %squeeze3A_257 : f32 to vector<16xf32>
        %add3A_259 = arith.constant 256 : i32
        %add3A_260 = arith.addi %mul3A_54, %add3A_259 : i32
        %add3A_261 = arith.constant 0 : i32
        %add3A_262 = arith.addi %add3A_260, %add3A_261 : i32
        %get3A_263 = arith.index_cast %add3A_262 : i32 to index
        %get3A_264 = tpu.vector_load %arg6[%get3A_263] {strides = array<i32>} : memref<13312xf32, #tpu.memory_space<vmem>>, vector<16xf32>,
        %get3A_265 = vector.shape_cast %get3A_264 : vector<16xf32> to vector<16xf32>
        %mul3A_266 = arith.mulf %broadcast_in_dim3A_258, %get3A_265 : vector<16xf32>
        %swap3A_267 = arith.index_cast %add3A_262 : i32 to index
        %swap3A_268 = tpu.vector_load %arg7[%swap3A_267] {strides = array<i32>} : memref<13312xf32, #tpu.memory_space<vmem>>, vector<16xf32>,
        %swap3A_269 = vector.shape_cast %swap3A_268 : vector<16xf32> to vector<16xf32>
        %swap3A_270 = vector.shape_cast %mul3A_266 : vector<16xf32> to vector<16xf32>
        tpu.vector_store %arg7[%swap3A_267], %swap3A_270 {strides = array<i32>} : memref<13312xf32, #tpu.memory_space<vmem>>, vector<16xf32>,
        %add3A_271 = arith.constant 256 : i32
        %add3A_272 = arith.addi %mul3A_54, %add3A_271 : i32
        %add3A_273 = arith.constant 16 : i32
        %add3A_274 = arith.addi %add3A_272, %add3A_273 : i32
        %get3A_275 = arith.index_cast %add3A_274 : i32 to index
        %get3A_276 = tpu.vector_load %arg6[%get3A_275] {strides = array<i32>} : memref<13312xf32, #tpu.memory_space<vmem>>, vector<16xf32>,
        %get3A_277 = vector.shape_cast %get3A_276 : vector<16xf32> to vector<16xf32>
        %mul3A_278 = arith.mulf %broadcast_in_dim3A_258, %get3A_277 : vector<16xf32>
        %swap3A_279 = arith.index_cast %add3A_274 : i32 to index
        %swap3A_280 = tpu.vector_load %arg7[%swap3A_279] {strides = array<i32>} : memref<13312xf32, #tpu.memory_space<vmem>>, vector<16xf32>,
        %swap3A_281 = vector.shape_cast %swap3A_280 : vector<16xf32> to vector<16xf32>
        %swap3A_282 = vector.shape_cast %mul3A_278 : vector<16xf32> to vector<16xf32>
        tpu.vector_store %arg7[%swap3A_279], %swap3A_282 {strides = array<i32>} : memref<13312xf32, #tpu.memory_space<vmem>>, vector<16xf32>,
        %add3A_283 = arith.constant 256 : i32
        %add3A_284 = arith.addi %mul3A_54, %add3A_283 : i32
        %add3A_285 = arith.constant 32 : i32
        %add3A_286 = arith.addi %add3A_284, %add3A_285 : i32
        %get3A_287 = arith.index_cast %add3A_286 : i32 to index
        %get3A_288 = tpu.vector_load %arg6[%get3A_287] {strides = array<i32>} : memref<13312xf32, #tpu.memory_space<vmem>>, vector<16xf32>,
        %get3A_289 = vector.shape_cast %get3A_288 : vector<16xf32> to vector<16xf32>
        %mul3A_290 = arith.mulf %broadcast_in_dim3A_258, %get3A_289 : vector<16xf32>
        %swap3A_291 = arith.index_cast %add3A_286 : i32 to index
        %swap3A_292 = tpu.vector_load %arg7[%swap3A_291] {strides = array<i32>} : memref<13312xf32, #tpu.memory_space<vmem>>, vector<16xf32>,
        %swap3A_293 = vector.shape_cast %swap3A_292 : vector<16xf32> to vector<16xf32>
        %swap3A_294 = vector.shape_cast %mul3A_290 : vector<16xf32> to vector<16xf32>
        tpu.vector_store %arg7[%swap3A_291], %swap3A_294 {strides = array<i32>} : memref<13312xf32, #tpu.memory_space<vmem>>, vector<16xf32>,
        %add3A_295 = arith.constant 256 : i32
        %add3A_296 = arith.addi %mul3A_54, %add3A_295 : i32
        %add3A_297 = arith.constant 48 : i32
        %add3A_298 = arith.addi %add3A_296, %add3A_297 : i32
        %get3A_299 = arith.index_cast %add3A_298 : i32 to index
        %get3A_300 = tpu.vector_load %arg6[%get3A_299] {strides = array<i32>} : memref<13312xf32, #tpu.memory_space<vmem>>, vector<16xf32>,
        %get3A_301 = vector.shape_cast %get3A_300 : vector<16xf32> to vector<16xf32>
        %mul3A_302 = arith.mulf %broadcast_in_dim3A_258, %get3A_301 : vector<16xf32>
        %swap3A_303 = arith.index_cast %add3A_298 : i32 to index
        %swap3A_304 = tpu.vector_load %arg7[%swap3A_303] {strides = array<i32>} : memref<13312xf32, #tpu.memory_space<vmem>>, vector<16xf32>,
        %swap3A_305 = vector.shape_cast %swap3A_304 : vector<16xf32> to vector<16xf32>
        %swap3A_306 = vector.shape_cast %mul3A_302 : vector<16xf32> to vector<16xf32>
        tpu.vector_store %arg7[%swap3A_303], %swap3A_306 {strides = array<i32>} : memref<13312xf32, #tpu.memory_space<vmem>>, vector<16xf32>,
        %slice3A_307 = vector.extract_strided_slice %select_n3A {offsets = [5], sizes = [1], strides = [1]} : vector<16xf32> to vector<1xf32>
        %squeeze3A_308 = vector.extract %slice3A_307[0] : f32 from vector<1xf32>
        %broadcast_in_dim3A_309 = vector.broadcast %squeeze3A_308 : f32 to vector<16xf32>
        %add3A_310 = arith.constant 320 : i32
        %add3A_311 = arith.addi %mul3A_54, %add3A_310 : i32
        %add3A_312 = arith.constant 0 : i32
        %add3A_313 = arith.addi %add3A_311, %add3A_312 : i32
        %get3A_314 = arith.index_cast %add3A_313 : i32 to index
        %get3A_315 = tpu.vector_load %arg6[%get3A_314] {strides = array<i32>} : memref<13312xf32, #tpu.memory_space<vmem>>, vector<16xf32>,
        %get3A_316 = vector.shape_cast %get3A_315 : vector<16xf32> to vector<16xf32>
        %mul3A_317 = arith.mulf %broadcast_in_dim3A_309, %get3A_316 : vector<16xf32>
        %swap3A_318 = arith.index_cast %add3A_313 : i32 to index
        %swap3A_319 = tpu.vector_load %arg7[%swap3A_318] {strides = array<i32>} : memref<13312xf32, #tpu.memory_space<vmem>>, vector<16xf32>,
        %swap3A_320 = vector.shape_cast %swap3A_319 : vector<16xf32> to vector<16xf32>
        %swap3A_321 = vector.shape_cast %mul3A_317 : vector<16xf32> to vector<16xf32>
        tpu.vector_store %arg7[%swap3A_318], %swap3A_321 {strides = array<i32>} : memref<13312xf32, #tpu.memory_space<vmem>>, vector<16xf32>,
        %add3A_322 = arith.constant 320 : i32
        %add3A_323 = arith.addi %mul3A_54, %add3A_322 : i32
        %add3A_324 = arith.constant 16 : i32
        %add3A_325 = arith.addi %add3A_323, %add3A_324 : i32
        %get3A_326 = arith.index_cast %add3A_325 : i32 to index
        %get3A_327 = tpu.vector_load %arg6[%get3A_326] {strides = array<i32>} : memref<13312xf32, #tpu.memory_space<vmem>>, vector<16xf32>,
        %get3A_328 = vector.shape_cast %get3A_327 : vector<16xf32> to vector<16xf32>
        %mul3A_329 = arith.mulf %broadcast_in_dim3A_309, %get3A_328 : vector<16xf32>
        %swap3A_330 = arith.index_cast %add3A_325 : i32 to index
        %swap3A_331 = tpu.vector_load %arg7[%swap3A_330] {strides = array<i32>} : memref<13312xf32, #tpu.memory_space<vmem>>, vector<16xf32>,
        %swap3A_332 = vector.shape_cast %swap3A_331 : vector<16xf32> to vector<16xf32>
        %swap3A_333 = vector.shape_cast %mul3A_329 : vector<16xf32> to vector<16xf32>
        tpu.vector_store %arg7[%swap3A_330], %swap3A_333 {strides = array<i32>} : memref<13312xf32, #tpu.memory_space<vmem>>, vector<16xf32>,
        %add3A_334 = arith.constant 320 : i32
        %add3A_335 = arith.addi %mul3A_54, %add3A_334 : i32
        %add3A_336 = arith.constant 32 : i32
        %add3A_337 = arith.addi %add3A_335, %add3A_336 : i32
        %get3A_338 = arith.index_cast %add3A_337 : i32 to index
        %get3A_339 = tpu.vector_load %arg6[%get3A_338] {strides = array<i32>} : memref<13312xf32, #tpu.memory_space<vmem>>, vector<16xf32>,
        %get3A_340 = vector.shape_cast %get3A_339 : vector<16xf32> to vector<16xf32>
        %mul3A_341 = arith.mulf %broadcast_in_dim3A_309, %get3A_340 : vector<16xf32>
        %swap3A_342 = arith.index_cast %add3A_337 : i32 to index
        %swap3A_343 = tpu.vector_load %arg7[%swap3A_342] {strides = array<i32>} : memref<13312xf32, #tpu.memory_space<vmem>>, vector<16xf32>,
        %swap3A_344 = vector.shape_cast %swap3A_343 : vector<16xf32> to vector<16xf32>
        %swap3A_345 = vector.shape_cast %mul3A_341 : vector<16xf32> to vector<16xf32>
        tpu.vector_store %arg7[%swap3A_342], %swap3A_345 {strides = array<i32>} : memref<13312xf32, #tpu.memory_space<vmem>>, vector<16xf32>,
        %add3A_346 = arith.constant 320 : i32
        %add3A_347 = arith.addi %mul3A_54, %add3A_346 : i32
        %add3A_348 = arith.constant 48 : i32
        %add3A_349 = arith.addi %add3A_347, %add3A_348 : i32
        %get3A_350 = arith.index_cast %add3A_349 : i32 to index
        %get3A_351 = tpu.vector_load %arg6[%get3A_350] {strides = array<i32>} : memref<13312xf32, #tpu.memory_space<vmem>>, vector<16xf32>,
        %get3A_352 = vector.shape_cast %get3A_351 : vector<16xf32> to vector<16xf32>
        %mul3A_353 = arith.mulf %broadcast_in_dim3A_309, %get3A_352 : vector<16xf32>
        %swap3A_354 = arith.index_cast %add3A_349 : i32 to index
        %swap3A_355 = tpu.vector_load %arg7[%swap3A_354] {strides = array<i32>} : memref<13312xf32, #tpu.memory_space<vmem>>, vector<16xf32>,
        %swap3A_356 = vector.shape_cast %swap3A_355 : vector<16xf32> to vector<16xf32>
        %swap3A_357 = vector.shape_cast %mul3A_353 : vector<16xf32> to vector<16xf32>
        tpu.vector_store %arg7[%swap3A_354], %swap3A_357 {strides = array<i32>} : memref<13312xf32, #tpu.memory_space<vmem>>, vector<16xf32>,
        %slice3A_358 = vector.extract_strided_slice %select_n3A {offsets = [6], sizes = [1], strides = [1]} : vector<16xf32> to vector<1xf32>
        %squeeze3A_359 = vector.extract %slice3A_358[0] : f32 from vector<1xf32>
        %broadcast_in_dim3A_360 = vector.broadcast %squeeze3A_359 : f32 to vector<16xf32>
        %add3A_361 = arith.constant 384 : i32
        %add3A_362 = arith.addi %mul3A_54, %add3A_361 : i32
        %add3A_363 = arith.constant 0 : i32
        %add3A_364 = arith.addi %add3A_362, %add3A_363 : i32
        %get3A_365 = arith.index_cast %add3A_364 : i32 to index
        %get3A_366 = tpu.vector_load %arg6[%get3A_365] {strides = array<i32>} : memref<13312xf32, #tpu.memory_space<vmem>>, vector<16xf32>,
        %get3A_367 = vector.shape_cast %get3A_366 : vector<16xf32> to vector<16xf32>
        %mul3A_368 = arith.mulf %broadcast_in_dim3A_360, %get3A_367 : vector<16xf32>
        %swap3A_369 = arith.index_cast %add3A_364 : i32 to index
        %swap3A_370 = tpu.vector_load %arg7[%swap3A_369] {strides = array<i32>} : memref<13312xf32, #tpu.memory_space<vmem>>, vector<16xf32>,
        %swap3A_371 = vector.shape_cast %swap3A_370 : vector<16xf32> to vector<16xf32>
        %swap3A_372 = vector.shape_cast %mul3A_368 : vector<16xf32> to vector<16xf32>
        tpu.vector_store %arg7[%swap3A_369], %swap3A_372 {strides = array<i32>} : memref<13312xf32, #tpu.memory_space<vmem>>, vector<16xf32>,
        %add3A_373 = arith.constant 384 : i32
        %add3A_374 = arith.addi %mul3A_54, %add3A_373 : i32
        %add3A_375 = arith.constant 16 : i32
        %add3A_376 = arith.addi %add3A_374, %add3A_375 : i32
        %get3A_377 = arith.index_cast %add3A_376 : i32 to index
        %get3A_378 = tpu.vector_load %arg6[%get3A_377] {strides = array<i32>} : memref<13312xf32, #tpu.memory_space<vmem>>, vector<16xf32>,
        %get3A_379 = vector.shape_cast %get3A_378 : vector<16xf32> to vector<16xf32>
        %mul3A_380 = arith.mulf %broadcast_in_dim3A_360, %get3A_379 : vector<16xf32>
        %swap3A_381 = arith.index_cast %add3A_376 : i32 to index
        %swap3A_382 = tpu.vector_load %arg7[%swap3A_381] {strides = array<i32>} : memref<13312xf32, #tpu.memory_space<vmem>>, vector<16xf32>,
        %swap3A_383 = vector.shape_cast %swap3A_382 : vector<16xf32> to vector<16xf32>
        %swap3A_384 = vector.shape_cast %mul3A_380 : vector<16xf32> to vector<16xf32>
        tpu.vector_store %arg7[%swap3A_381], %swap3A_384 {strides = array<i32>} : memref<13312xf32, #tpu.memory_space<vmem>>, vector<16xf32>,
        %add3A_385 = arith.constant 384 : i32
        %add3A_386 = arith.addi %mul3A_54, %add3A_385 : i32
        %add3A_387 = arith.constant 32 : i32
        %add3A_388 = arith.addi %add3A_386, %add3A_387 : i32
        %get3A_389 = arith.index_cast %add3A_388 : i32 to index
        %get3A_390 = tpu.vector_load %arg6[%get3A_389] {strides = array<i32>} : memref<13312xf32, #tpu.memory_space<vmem>>, vector<16xf32>,
        %get3A_391 = vector.shape_cast %get3A_390 : vector<16xf32> to vector<16xf32>
        %mul3A_392 = arith.mulf %broadcast_in_dim3A_360, %get3A_391 : vector<16xf32>
        %swap3A_393 = arith.index_cast %add3A_388 : i32 to index
        %swap3A_394 = tpu.vector_load %arg7[%swap3A_393] {strides = array<i32>} : memref<13312xf32, #tpu.memory_space<vmem>>, vector<16xf32>,
        %swap3A_395 = vector.shape_cast %swap3A_394 : vector<16xf32> to vector<16xf32>
        %swap3A_396 = vector.shape_cast %mul3A_392 : vector<16xf32> to vector<16xf32>
        tpu.vector_store %arg7[%swap3A_393], %swap3A_396 {strides = array<i32>} : memref<13312xf32, #tpu.memory_space<vmem>>, vector<16xf32>,
        %add3A_397 = arith.constant 384 : i32
        %add3A_398 = arith.addi %mul3A_54, %add3A_397 : i32
        %add3A_399 = arith.constant 48 : i32
        %add3A_400 = arith.addi %add3A_398, %add3A_399 : i32
        %get3A_401 = arith.index_cast %add3A_400 : i32 to index
        %get3A_402 = tpu.vector_load %arg6[%get3A_401] {strides = array<i32>} : memref<13312xf32, #tpu.memory_space<vmem>>, vector<16xf32>,
        %get3A_403 = vector.shape_cast %get3A_402 : vector<16xf32> to vector<16xf32>
        %mul3A_404 = arith.mulf %broadcast_in_dim3A_360, %get3A_403 : vector<16xf32>
        %swap3A_405 = arith.index_cast %add3A_400 : i32 to index
        %swap3A_406 = tpu.vector_load %arg7[%swap3A_405] {strides = array<i32>} : memref<13312xf32, #tpu.memory_space<vmem>>, vector<16xf32>,
        %swap3A_407 = vector.shape_cast %swap3A_406 : vector<16xf32> to vector<16xf32>
        %swap3A_408 = vector.shape_cast %mul3A_404 : vector<16xf32> to vector<16xf32>
        tpu.vector_store %arg7[%swap3A_405], %swap3A_408 {strides = array<i32>} : memref<13312xf32, #tpu.memory_space<vmem>>, vector<16xf32>,
        %slice3A_409 = vector.extract_strided_slice %select_n3A {offsets = [7], sizes = [1], strides = [1]} : vector<16xf32> to vector<1xf32>
        %squeeze3A_410 = vector.extract %slice3A_409[0] : f32 from vector<1xf32>
        %broadcast_in_dim3A_411 = vector.broadcast %squeeze3A_410 : f32 to vector<16xf32>
        %add3A_412 = arith.constant 448 : i32
        %add3A_413 = arith.addi %mul3A_54, %add3A_412 : i32
        %add3A_414 = arith.constant 0 : i32
        %add3A_415 = arith.addi %add3A_413, %add3A_414 : i32
        %get3A_416 = arith.index_cast %add3A_415 : i32 to index
        %get3A_417 = tpu.vector_load %arg6[%get3A_416] {strides = array<i32>} : memref<13312xf32, #tpu.memory_space<vmem>>, vector<16xf32>,
        %get3A_418 = vector.shape_cast %get3A_417 : vector<16xf32> to vector<16xf32>
        %mul3A_419 = arith.mulf %broadcast_in_dim3A_411, %get3A_418 : vector<16xf32>
        %swap3A_420 = arith.index_cast %add3A_415 : i32 to index
        %swap3A_421 = tpu.vector_load %arg7[%swap3A_420] {strides = array<i32>} : memref<13312xf32, #tpu.memory_space<vmem>>, vector<16xf32>,
        %swap3A_422 = vector.shape_cast %swap3A_421 : vector<16xf32> to vector<16xf32>
        %swap3A_423 = vector.shape_cast %mul3A_419 : vector<16xf32> to vector<16xf32>
        tpu.vector_store %arg7[%swap3A_420], %swap3A_423 {strides = array<i32>} : memref<13312xf32, #tpu.memory_space<vmem>>, vector<16xf32>,
        %add3A_424 = arith.constant 448 : i32
        %add3A_425 = arith.addi %mul3A_54, %add3A_424 : i32
        %add3A_426 = arith.constant 16 : i32
        %add3A_427 = arith.addi %add3A_425, %add3A_426 : i32
        %get3A_428 = arith.index_cast %add3A_427 : i32 to index
        %get3A_429 = tpu.vector_load %arg6[%get3A_428] {strides = array<i32>} : memref<13312xf32, #tpu.memory_space<vmem>>, vector<16xf32>,
        %get3A_430 = vector.shape_cast %get3A_429 : vector<16xf32> to vector<16xf32>
        %mul3A_431 = arith.mulf %broadcast_in_dim3A_411, %get3A_430 : vector<16xf32>
        %swap3A_432 = arith.index_cast %add3A_427 : i32 to index
        %swap3A_433 = tpu.vector_load %arg7[%swap3A_432] {strides = array<i32>} : memref<13312xf32, #tpu.memory_space<vmem>>, vector<16xf32>,
        %swap3A_434 = vector.shape_cast %swap3A_433 : vector<16xf32> to vector<16xf32>
        %swap3A_435 = vector.shape_cast %mul3A_431 : vector<16xf32> to vector<16xf32>
        tpu.vector_store %arg7[%swap3A_432], %swap3A_435 {strides = array<i32>} : memref<13312xf32, #tpu.memory_space<vmem>>, vector<16xf32>,
        %add3A_436 = arith.constant 448 : i32
        %add3A_437 = arith.addi %mul3A_54, %add3A_436 : i32
        %add3A_438 = arith.constant 32 : i32
        %add3A_439 = arith.addi %add3A_437, %add3A_438 : i32
        %get3A_440 = arith.index_cast %add3A_439 : i32 to index
        %get3A_441 = tpu.vector_load %arg6[%get3A_440] {strides = array<i32>} : memref<13312xf32, #tpu.memory_space<vmem>>, vector<16xf32>,
        %get3A_442 = vector.shape_cast %get3A_441 : vector<16xf32> to vector<16xf32>
        %mul3A_443 = arith.mulf %broadcast_in_dim3A_411, %get3A_442 : vector<16xf32>
        %swap3A_444 = arith.index_cast %add3A_439 : i32 to index
        %swap3A_445 = tpu.vector_load %arg7[%swap3A_444] {strides = array<i32>} : memref<13312xf32, #tpu.memory_space<vmem>>, vector<16xf32>,
        %swap3A_446 = vector.shape_cast %swap3A_445 : vector<16xf32> to vector<16xf32>
        %swap3A_447 = vector.shape_cast %mul3A_443 : vector<16xf32> to vector<16xf32>
        tpu.vector_store %arg7[%swap3A_444], %swap3A_447 {strides = array<i32>} : memref<13312xf32, #tpu.memory_space<vmem>>, vector<16xf32>,
        %add3A_448 = arith.constant 448 : i32
        %add3A_449 = arith.addi %mul3A_54, %add3A_448 : i32
        %add3A_450 = arith.constant 48 : i32
        %add3A_451 = arith.addi %add3A_449, %add3A_450 : i32
        %get3A_452 = arith.index_cast %add3A_451 : i32 to index
        %get3A_453 = tpu.vector_load %arg6[%get3A_452] {strides = array<i32>} : memref<13312xf32, #tpu.memory_space<vmem>>, vector<16xf32>,
        %get3A_454 = vector.shape_cast %get3A_453 : vector<16xf32> to vector<16xf32>
        %mul3A_455 = arith.mulf %broadcast_in_dim3A_411, %get3A_454 : vector<16xf32>
        %swap3A_456 = arith.index_cast %add3A_451 : i32 to index
        %swap3A_457 = tpu.vector_load %arg7[%swap3A_456] {strides = array<i32>} : memref<13312xf32, #tpu.memory_space<vmem>>, vector<16xf32>,
        %swap3A_458 = vector.shape_cast %swap3A_457 : vector<16xf32> to vector<16xf32>
        %swap3A_459 = vector.shape_cast %mul3A_455 : vector<16xf32> to vector<16xf32>
        tpu.vector_store %arg7[%swap3A_456], %swap3A_459 {strides = array<i32>} : memref<13312xf32, #tpu.memory_space<vmem>>, vector<16xf32>,
        %slice3A_460 = vector.extract_strided_slice %select_n3A {offsets = [8], sizes = [1], strides = [1]} : vector<16xf32> to vector<1xf32>
        %squeeze3A_461 = vector.extract %slice3A_460[0] : f32 from vector<1xf32>
        %broadcast_in_dim3A_462 = vector.broadcast %squeeze3A_461 : f32 to vector<16xf32>
        %add3A_463 = arith.constant 512 : i32
        %add3A_464 = arith.addi %mul3A_54, %add3A_463 : i32
        %add3A_465 = arith.constant 0 : i32
        %add3A_466 = arith.addi %add3A_464, %add3A_465 : i32
        %get3A_467 = arith.index_cast %add3A_466 : i32 to index
        %get3A_468 = tpu.vector_load %arg6[%get3A_467] {strides = array<i32>} : memref<13312xf32, #tpu.memory_space<vmem>>, vector<16xf32>,
        %get3A_469 = vector.shape_cast %get3A_468 : vector<16xf32> to vector<16xf32>
        %mul3A_470 = arith.mulf %broadcast_in_dim3A_462, %get3A_469 : vector<16xf32>
        %swap3A_471 = arith.index_cast %add3A_466 : i32 to index
        %swap3A_472 = tpu.vector_load %arg7[%swap3A_471] {strides = array<i32>} : memref<13312xf32, #tpu.memory_space<vmem>>, vector<16xf32>,
        %swap3A_473 = vector.shape_cast %swap3A_472 : vector<16xf32> to vector<16xf32>
        %swap3A_474 = vector.shape_cast %mul3A_470 : vector<16xf32> to vector<16xf32>
        tpu.vector_store %arg7[%swap3A_471], %swap3A_474 {strides = array<i32>} : memref<13312xf32, #tpu.memory_space<vmem>>, vector<16xf32>,
        %add3A_475 = arith.constant 512 : i32
        %add3A_476 = arith.addi %mul3A_54, %add3A_475 : i32
        %add3A_477 = arith.constant 16 : i32
        %add3A_478 = arith.addi %add3A_476, %add3A_477 : i32
        %get3A_479 = arith.index_cast %add3A_478 : i32 to index
        %get3A_480 = tpu.vector_load %arg6[%get3A_479] {strides = array<i32>} : memref<13312xf32, #tpu.memory_space<vmem>>, vector<16xf32>,
        %get3A_481 = vector.shape_cast %get3A_480 : vector<16xf32> to vector<16xf32>
        %mul3A_482 = arith.mulf %broadcast_in_dim3A_462, %get3A_481 : vector<16xf32>
        %swap3A_483 = arith.index_cast %add3A_478 : i32 to index
        %swap3A_484 = tpu.vector_load %arg7[%swap3A_483] {strides = array<i32>} : memref<13312xf32, #tpu.memory_space<vmem>>, vector<16xf32>,
        %swap3A_485 = vector.shape_cast %swap3A_484 : vector<16xf32> to vector<16xf32>
        %swap3A_486 = vector.shape_cast %mul3A_482 : vector<16xf32> to vector<16xf32>
        tpu.vector_store %arg7[%swap3A_483], %swap3A_486 {strides = array<i32>} : memref<13312xf32, #tpu.memory_space<vmem>>, vector<16xf32>,
        %add3A_487 = arith.constant 512 : i32
        %add3A_488 = arith.addi %mul3A_54, %add3A_487 : i32
        %add3A_489 = arith.constant 32 : i32
        %add3A_490 = arith.addi %add3A_488, %add3A_489 : i32
        %get3A_491 = arith.index_cast %add3A_490 : i32 to index
        %get3A_492 = tpu.vector_load %arg6[%get3A_491] {strides = array<i32>} : memref<13312xf32, #tpu.memory_space<vmem>>, vector<16xf32>,
        %get3A_493 = vector.shape_cast %get3A_492 : vector<16xf32> to vector<16xf32>
        %mul3A_494 = arith.mulf %broadcast_in_dim3A_462, %get3A_493 : vector<16xf32>
        %swap3A_495 = arith.index_cast %add3A_490 : i32 to index
        %swap3A_496 = tpu.vector_load %arg7[%swap3A_495] {strides = array<i32>} : memref<13312xf32, #tpu.memory_space<vmem>>, vector<16xf32>,
        %swap3A_497 = vector.shape_cast %swap3A_496 : vector<16xf32> to vector<16xf32>
        %swap3A_498 = vector.shape_cast %mul3A_494 : vector<16xf32> to vector<16xf32>
        tpu.vector_store %arg7[%swap3A_495], %swap3A_498 {strides = array<i32>} : memref<13312xf32, #tpu.memory_space<vmem>>, vector<16xf32>,
        %add3A_499 = arith.constant 512 : i32
        %add3A_500 = arith.addi %mul3A_54, %add3A_499 : i32
        %add3A_501 = arith.constant 48 : i32
        %add3A_502 = arith.addi %add3A_500, %add3A_501 : i32
        %get3A_503 = arith.index_cast %add3A_502 : i32 to index
        %get3A_504 = tpu.vector_load %arg6[%get3A_503] {strides = array<i32>} : memref<13312xf32, #tpu.memory_space<vmem>>, vector<16xf32>,
        %get3A_505 = vector.shape_cast %get3A_504 : vector<16xf32> to vector<16xf32>
        %mul3A_506 = arith.mulf %broadcast_in_dim3A_462, %get3A_505 : vector<16xf32>
        %swap3A_507 = arith.index_cast %add3A_502 : i32 to index
        %swap3A_508 = tpu.vector_load %arg7[%swap3A_507] {strides = array<i32>} : memref<13312xf32, #tpu.memory_space<vmem>>, vector<16xf32>,
        %swap3A_509 = vector.shape_cast %swap3A_508 : vector<16xf32> to vector<16xf32>
        %swap3A_510 = vector.shape_cast %mul3A_506 : vector<16xf32> to vector<16xf32>
        tpu.vector_store %arg7[%swap3A_507], %swap3A_510 {strides = array<i32>} : memref<13312xf32, #tpu.memory_space<vmem>>, vector<16xf32>,
        %slice3A_511 = vector.extract_strided_slice %select_n3A {offsets = [9], sizes = [1], strides = [1]} : vector<16xf32> to vector<1xf32>
        %squeeze3A_512 = vector.extract %slice3A_511[0] : f32 from vector<1xf32>
        %broadcast_in_dim3A_513 = vector.broadcast %squeeze3A_512 : f32 to vector<16xf32>
        %add3A_514 = arith.constant 576 : i32
        %add3A_515 = arith.addi %mul3A_54, %add3A_514 : i32
        %add3A_516 = arith.constant 0 : i32
        %add3A_517 = arith.addi %add3A_515, %add3A_516 : i32
        %get3A_518 = arith.index_cast %add3A_517 : i32 to index
        %get3A_519 = tpu.vector_load %arg6[%get3A_518] {strides = array<i32>} : memref<13312xf32, #tpu.memory_space<vmem>>, vector<16xf32>,
        %get3A_520 = vector.shape_cast %get3A_519 : vector<16xf32> to vector<16xf32>
        %mul3A_521 = arith.mulf %broadcast_in_dim3A_513, %get3A_520 : vector<16xf32>
        %swap3A_522 = arith.index_cast %add3A_517 : i32 to index
        %swap3A_523 = tpu.vector_load %arg7[%swap3A_522] {strides = array<i32>} : memref<13312xf32, #tpu.memory_space<vmem>>, vector<16xf32>,
        %swap3A_524 = vector.shape_cast %swap3A_523 : vector<16xf32> to vector<16xf32>
        %swap3A_525 = vector.shape_cast %mul3A_521 : vector<16xf32> to vector<16xf32>
        tpu.vector_store %arg7[%swap3A_522], %swap3A_525 {strides = array<i32>} : memref<13312xf32, #tpu.memory_space<vmem>>, vector<16xf32>,
        %add3A_526 = arith.constant 576 : i32
        %add3A_527 = arith.addi %mul3A_54, %add3A_526 : i32
        %add3A_528 = arith.constant 16 : i32
        %add3A_529 = arith.addi %add3A_527, %add3A_528 : i32
        %get3A_530 = arith.index_cast %add3A_529 : i32 to index
        %get3A_531 = tpu.vector_load %arg6[%get3A_530] {strides = array<i32>} : memref<13312xf32, #tpu.memory_space<vmem>>, vector<16xf32>,
        %get3A_532 = vector.shape_cast %get3A_531 : vector<16xf32> to vector<16xf32>
        %mul3A_533 = arith.mulf %broadcast_in_dim3A_513, %get3A_532 : vector<16xf32>
        %swap3A_534 = arith.index_cast %add3A_529 : i32 to index
        %swap3A_535 = tpu.vector_load %arg7[%swap3A_534] {strides = array<i32>} : memref<13312xf32, #tpu.memory_space<vmem>>, vector<16xf32>,
        %swap3A_536 = vector.shape_cast %swap3A_535 : vector<16xf32> to vector<16xf32>
        %swap3A_537 = vector.shape_cast %mul3A_533 : vector<16xf32> to vector<16xf32>
        tpu.vector_store %arg7[%swap3A_534], %swap3A_537 {strides = array<i32>} : memref<13312xf32, #tpu.memory_space<vmem>>, vector<16xf32>,
        %add3A_538 = arith.constant 576 : i32
        %add3A_539 = arith.addi %mul3A_54, %add3A_538 : i32
        %add3A_540 = arith.constant 32 : i32
        %add3A_541 = arith.addi %add3A_539, %add3A_540 : i32
        %get3A_542 = arith.index_cast %add3A_541 : i32 to index
        %get3A_543 = tpu.vector_load %arg6[%get3A_542] {strides = array<i32>} : memref<13312xf32, #tpu.memory_space<vmem>>, vector<16xf32>,
        %get3A_544 = vector.shape_cast %get3A_543 : vector<16xf32> to vector<16xf32>
        %mul3A_545 = arith.mulf %broadcast_in_dim3A_513, %get3A_544 : vector<16xf32>
        %swap3A_546 = arith.index_cast %add3A_541 : i32 to index
        %swap3A_547 = tpu.vector_load %arg7[%swap3A_546] {strides = array<i32>} : memref<13312xf32, #tpu.memory_space<vmem>>, vector<16xf32>,
        %swap3A_548 = vector.shape_cast %swap3A_547 : vector<16xf32> to vector<16xf32>
        %swap3A_549 = vector.shape_cast %mul3A_545 : vector<16xf32> to vector<16xf32>
        tpu.vector_store %arg7[%swap3A_546], %swap3A_549 {strides = array<i32>} : memref<13312xf32, #tpu.memory_space<vmem>>, vector<16xf32>,
        %add3A_550 = arith.constant 576 : i32
        %add3A_551 = arith.addi %mul3A_54, %add3A_550 : i32
        %add3A_552 = arith.constant 48 : i32
        %add3A_553 = arith.addi %add3A_551, %add3A_552 : i32
        %get3A_554 = arith.index_cast %add3A_553 : i32 to index
        %get3A_555 = tpu.vector_load %arg6[%get3A_554] {strides = array<i32>} : memref<13312xf32, #tpu.memory_space<vmem>>, vector<16xf32>,
        %get3A_556 = vector.shape_cast %get3A_555 : vector<16xf32> to vector<16xf32>
        %mul3A_557 = arith.mulf %broadcast_in_dim3A_513, %get3A_556 : vector<16xf32>
        %swap3A_558 = arith.index_cast %add3A_553 : i32 to index
        %swap3A_559 = tpu.vector_load %arg7[%swap3A_558] {strides = array<i32>} : memref<13312xf32, #tpu.memory_space<vmem>>, vector<16xf32>,
        %swap3A_560 = vector.shape_cast %swap3A_559 : vector<16xf32> to vector<16xf32>
        %swap3A_561 = vector.shape_cast %mul3A_557 : vector<16xf32> to vector<16xf32>
        tpu.vector_store %arg7[%swap3A_558], %swap3A_561 {strides = array<i32>} : memref<13312xf32, #tpu.memory_space<vmem>>, vector<16xf32>,
        %slice3A_562 = vector.extract_strided_slice %select_n3A {offsets = [10], sizes = [1], strides = [1]} : vector<16xf32> to vector<1xf32>
        %squeeze3A_563 = vector.extract %slice3A_562[0] : f32 from vector<1xf32>
        %broadcast_in_dim3A_564 = vector.broadcast %squeeze3A_563 : f32 to vector<16xf32>
        %add3A_565 = arith.constant 640 : i32
        %add3A_566 = arith.addi %mul3A_54, %add3A_565 : i32
        %add3A_567 = arith.constant 0 : i32
        %add3A_568 = arith.addi %add3A_566, %add3A_567 : i32
        %get3A_569 = arith.index_cast %add3A_568 : i32 to index
        %get3A_570 = tpu.vector_load %arg6[%get3A_569] {strides = array<i32>} : memref<13312xf32, #tpu.memory_space<vmem>>, vector<16xf32>,
        %get3A_571 = vector.shape_cast %get3A_570 : vector<16xf32> to vector<16xf32>
        %mul3A_572 = arith.mulf %broadcast_in_dim3A_564, %get3A_571 : vector<16xf32>
        %swap3A_573 = arith.index_cast %add3A_568 : i32 to index
        %swap3A_574 = tpu.vector_load %arg7[%swap3A_573] {strides = array<i32>} : memref<13312xf32, #tpu.memory_space<vmem>>, vector<16xf32>,
        %swap3A_575 = vector.shape_cast %swap3A_574 : vector<16xf32> to vector<16xf32>
        %swap3A_576 = vector.shape_cast %mul3A_572 : vector<16xf32> to vector<16xf32>
        tpu.vector_store %arg7[%swap3A_573], %swap3A_576 {strides = array<i32>} : memref<13312xf32, #tpu.memory_space<vmem>>, vector<16xf32>,
        %add3A_577 = arith.constant 640 : i32
        %add3A_578 = arith.addi %mul3A_54, %add3A_577 : i32
        %add3A_579 = arith.constant 16 : i32
        %add3A_580 = arith.addi %add3A_578, %add3A_579 : i32
        %get3A_581 = arith.index_cast %add3A_580 : i32 to index
        %get3A_582 = tpu.vector_load %arg6[%get3A_581] {strides = array<i32>} : memref<13312xf32, #tpu.memory_space<vmem>>, vector<16xf32>,
        %get3A_583 = vector.shape_cast %get3A_582 : vector<16xf32> to vector<16xf32>
        %mul3A_584 = arith.mulf %broadcast_in_dim3A_564, %get3A_583 : vector<16xf32>
        %swap3A_585 = arith.index_cast %add3A_580 : i32 to index
        %swap3A_586 = tpu.vector_load %arg7[%swap3A_585] {strides = array<i32>} : memref<13312xf32, #tpu.memory_space<vmem>>, vector<16xf32>,
        %swap3A_587 = vector.shape_cast %swap3A_586 : vector<16xf32> to vector<16xf32>
        %swap3A_588 = vector.shape_cast %mul3A_584 : vector<16xf32> to vector<16xf32>
        tpu.vector_store %arg7[%swap3A_585], %swap3A_588 {strides = array<i32>} : memref<13312xf32, #tpu.memory_space<vmem>>, vector<16xf32>,
        %add3A_589 = arith.constant 640 : i32
        %add3A_590 = arith.addi %mul3A_54, %add3A_589 : i32
        %add3A_591 = arith.constant 32 : i32
        %add3A_592 = arith.addi %add3A_590, %add3A_591 : i32
        %get3A_593 = arith.index_cast %add3A_592 : i32 to index
        %get3A_594 = tpu.vector_load %arg6[%get3A_593] {strides = array<i32>} : memref<13312xf32, #tpu.memory_space<vmem>>, vector<16xf32>,
        %get3A_595 = vector.shape_cast %get3A_594 : vector<16xf32> to vector<16xf32>
        %mul3A_596 = arith.mulf %broadcast_in_dim3A_564, %get3A_595 : vector<16xf32>
        %swap3A_597 = arith.index_cast %add3A_592 : i32 to index
        %swap3A_598 = tpu.vector_load %arg7[%swap3A_597] {strides = array<i32>} : memref<13312xf32, #tpu.memory_space<vmem>>, vector<16xf32>,
        %swap3A_599 = vector.shape_cast %swap3A_598 : vector<16xf32> to vector<16xf32>
        %swap3A_600 = vector.shape_cast %mul3A_596 : vector<16xf32> to vector<16xf32>
        tpu.vector_store %arg7[%swap3A_597], %swap3A_600 {strides = array<i32>} : memref<13312xf32, #tpu.memory_space<vmem>>, vector<16xf32>,
        %add3A_601 = arith.constant 640 : i32
        %add3A_602 = arith.addi %mul3A_54, %add3A_601 : i32
        %add3A_603 = arith.constant 48 : i32
        %add3A_604 = arith.addi %add3A_602, %add3A_603 : i32
        %get3A_605 = arith.index_cast %add3A_604 : i32 to index
        %get3A_606 = tpu.vector_load %arg6[%get3A_605] {strides = array<i32>} : memref<13312xf32, #tpu.memory_space<vmem>>, vector<16xf32>,
        %get3A_607 = vector.shape_cast %get3A_606 : vector<16xf32> to vector<16xf32>
        %mul3A_608 = arith.mulf %broadcast_in_dim3A_564, %get3A_607 : vector<16xf32>
        %swap3A_609 = arith.index_cast %add3A_604 : i32 to index
        %swap3A_610 = tpu.vector_load %arg7[%swap3A_609] {strides = array<i32>} : memref<13312xf32, #tpu.memory_space<vmem>>, vector<16xf32>,
        %swap3A_611 = vector.shape_cast %swap3A_610 : vector<16xf32> to vector<16xf32>
        %swap3A_612 = vector.shape_cast %mul3A_608 : vector<16xf32> to vector<16xf32>
        tpu.vector_store %arg7[%swap3A_609], %swap3A_612 {strides = array<i32>} : memref<13312xf32, #tpu.memory_space<vmem>>, vector<16xf32>,
        %slice3A_613 = vector.extract_strided_slice %select_n3A {offsets = [11], sizes = [1], strides = [1]} : vector<16xf32> to vector<1xf32>
        %squeeze3A_614 = vector.extract %slice3A_613[0] : f32 from vector<1xf32>
        %broadcast_in_dim3A_615 = vector.broadcast %squeeze3A_614 : f32 to vector<16xf32>
        %add3A_616 = arith.constant 704 : i32
        %add3A_617 = arith.addi %mul3A_54, %add3A_616 : i32
        %add3A_618 = arith.constant 0 : i32
        %add3A_619 = arith.addi %add3A_617, %add3A_618 : i32
        %get3A_620 = arith.index_cast %add3A_619 : i32 to index
        %get3A_621 = tpu.vector_load %arg6[%get3A_620] {strides = array<i32>} : memref<13312xf32, #tpu.memory_space<vmem>>, vector<16xf32>,
        %get3A_622 = vector.shape_cast %get3A_621 : vector<16xf32> to vector<16xf32>
        %mul3A_623 = arith.mulf %broadcast_in_dim3A_615, %get3A_622 : vector<16xf32>
        %swap3A_624 = arith.index_cast %add3A_619 : i32 to index
        %swap3A_625 = tpu.vector_load %arg7[%swap3A_624] {strides = array<i32>} : memref<13312xf32, #tpu.memory_space<vmem>>, vector<16xf32>,
        %swap3A_626 = vector.shape_cast %swap3A_625 : vector<16xf32> to vector<16xf32>
        %swap3A_627 = vector.shape_cast %mul3A_623 : vector<16xf32> to vector<16xf32>
        tpu.vector_store %arg7[%swap3A_624], %swap3A_627 {strides = array<i32>} : memref<13312xf32, #tpu.memory_space<vmem>>, vector<16xf32>,
        %add3A_628 = arith.constant 704 : i32
        %add3A_629 = arith.addi %mul3A_54, %add3A_628 : i32
        %add3A_630 = arith.constant 16 : i32
        %add3A_631 = arith.addi %add3A_629, %add3A_630 : i32
        %get3A_632 = arith.index_cast %add3A_631 : i32 to index
        %get3A_633 = tpu.vector_load %arg6[%get3A_632] {strides = array<i32>} : memref<13312xf32, #tpu.memory_space<vmem>>, vector<16xf32>,
        %get3A_634 = vector.shape_cast %get3A_633 : vector<16xf32> to vector<16xf32>
        %mul3A_635 = arith.mulf %broadcast_in_dim3A_615, %get3A_634 : vector<16xf32>
        %swap3A_636 = arith.index_cast %add3A_631 : i32 to index
        %swap3A_637 = tpu.vector_load %arg7[%swap3A_636] {strides = array<i32>} : memref<13312xf32, #tpu.memory_space<vmem>>, vector<16xf32>,
        %swap3A_638 = vector.shape_cast %swap3A_637 : vector<16xf32> to vector<16xf32>
        %swap3A_639 = vector.shape_cast %mul3A_635 : vector<16xf32> to vector<16xf32>
        tpu.vector_store %arg7[%swap3A_636], %swap3A_639 {strides = array<i32>} : memref<13312xf32, #tpu.memory_space<vmem>>, vector<16xf32>,
        %add3A_640 = arith.constant 704 : i32
        %add3A_641 = arith.addi %mul3A_54, %add3A_640 : i32
        %add3A_642 = arith.constant 32 : i32
        %add3A_643 = arith.addi %add3A_641, %add3A_642 : i32
        %get3A_644 = arith.index_cast %add3A_643 : i32 to index
        %get3A_645 = tpu.vector_load %arg6[%get3A_644] {strides = array<i32>} : memref<13312xf32, #tpu.memory_space<vmem>>, vector<16xf32>,
        %get3A_646 = vector.shape_cast %get3A_645 : vector<16xf32> to vector<16xf32>
        %mul3A_647 = arith.mulf %broadcast_in_dim3A_615, %get3A_646 : vector<16xf32>
        %swap3A_648 = arith.index_cast %add3A_643 : i32 to index
        %swap3A_649 = tpu.vector_load %arg7[%swap3A_648] {strides = array<i32>} : memref<13312xf32, #tpu.memory_space<vmem>>, vector<16xf32>,
        %swap3A_650 = vector.shape_cast %swap3A_649 : vector<16xf32> to vector<16xf32>
        %swap3A_651 = vector.shape_cast %mul3A_647 : vector<16xf32> to vector<16xf32>
        tpu.vector_store %arg7[%swap3A_648], %swap3A_651 {strides = array<i32>} : memref<13312xf32, #tpu.memory_space<vmem>>, vector<16xf32>,
        %add3A_652 = arith.constant 704 : i32
        %add3A_653 = arith.addi %mul3A_54, %add3A_652 : i32
        %add3A_654 = arith.constant 48 : i32
        %add3A_655 = arith.addi %add3A_653, %add3A_654 : i32
        %get3A_656 = arith.index_cast %add3A_655 : i32 to index
        %get3A_657 = tpu.vector_load %arg6[%get3A_656] {strides = array<i32>} : memref<13312xf32, #tpu.memory_space<vmem>>, vector<16xf32>,
        %get3A_658 = vector.shape_cast %get3A_657 : vector<16xf32> to vector<16xf32>
        %mul3A_659 = arith.mulf %broadcast_in_dim3A_615, %get3A_658 : vector<16xf32>
        %swap3A_660 = arith.index_cast %add3A_655 : i32 to index
        %swap3A_661 = tpu.vector_load %arg7[%swap3A_660] {strides = array<i32>} : memref<13312xf32, #tpu.memory_space<vmem>>, vector<16xf32>,
        %swap3A_662 = vector.shape_cast %swap3A_661 : vector<16xf32> to vector<16xf32>
        %swap3A_663 = vector.shape_cast %mul3A_659 : vector<16xf32> to vector<16xf32>
        tpu.vector_store %arg7[%swap3A_660], %swap3A_663 {strides = array<i32>} : memref<13312xf32, #tpu.memory_space<vmem>>, vector<16xf32>,
        %slice3A_664 = vector.extract_strided_slice %select_n3A {offsets = [12], sizes = [1], strides = [1]} : vector<16xf32> to vector<1xf32>
        %squeeze3A_665 = vector.extract %slice3A_664[0] : f32 from vector<1xf32>
        %broadcast_in_dim3A_666 = vector.broadcast %squeeze3A_665 : f32 to vector<16xf32>
        %add3A_667 = arith.constant 768 : i32
        %add3A_668 = arith.addi %mul3A_54, %add3A_667 : i32
        %add3A_669 = arith.constant 0 : i32
        %add3A_670 = arith.addi %add3A_668, %add3A_669 : i32
        %get3A_671 = arith.index_cast %add3A_670 : i32 to index
        %get3A_672 = tpu.vector_load %arg6[%get3A_671] {strides = array<i32>} : memref<13312xf32, #tpu.memory_space<vmem>>, vector<16xf32>,
        %get3A_673 = vector.shape_cast %get3A_672 : vector<16xf32> to vector<16xf32>
        %mul3A_674 = arith.mulf %broadcast_in_dim3A_666, %get3A_673 : vector<16xf32>
        %swap3A_675 = arith.index_cast %add3A_670 : i32 to index
        %swap3A_676 = tpu.vector_load %arg7[%swap3A_675] {strides = array<i32>} : memref<13312xf32, #tpu.memory_space<vmem>>, vector<16xf32>,
        %swap3A_677 = vector.shape_cast %swap3A_676 : vector<16xf32> to vector<16xf32>
        %swap3A_678 = vector.shape_cast %mul3A_674 : vector<16xf32> to vector<16xf32>
        tpu.vector_store %arg7[%swap3A_675], %swap3A_678 {strides = array<i32>} : memref<13312xf32, #tpu.memory_space<vmem>>, vector<16xf32>,
        %add3A_679 = arith.constant 768 : i32
        %add3A_680 = arith.addi %mul3A_54, %add3A_679 : i32
        %add3A_681 = arith.constant 16 : i32
        %add3A_682 = arith.addi %add3A_680, %add3A_681 : i32
        %get3A_683 = arith.index_cast %add3A_682 : i32 to index
        %get3A_684 = tpu.vector_load %arg6[%get3A_683] {strides = array<i32>} : memref<13312xf32, #tpu.memory_space<vmem>>, vector<16xf32>,
        %get3A_685 = vector.shape_cast %get3A_684 : vector<16xf32> to vector<16xf32>
        %mul3A_686 = arith.mulf %broadcast_in_dim3A_666, %get3A_685 : vector<16xf32>
        %swap3A_687 = arith.index_cast %add3A_682 : i32 to index
        %swap3A_688 = tpu.vector_load %arg7[%swap3A_687] {strides = array<i32>} : memref<13312xf32, #tpu.memory_space<vmem>>, vector<16xf32>,
        %swap3A_689 = vector.shape_cast %swap3A_688 : vector<16xf32> to vector<16xf32>
        %swap3A_690 = vector.shape_cast %mul3A_686 : vector<16xf32> to vector<16xf32>
        tpu.vector_store %arg7[%swap3A_687], %swap3A_690 {strides = array<i32>} : memref<13312xf32, #tpu.memory_space<vmem>>, vector<16xf32>,
        %add3A_691 = arith.constant 768 : i32
        %add3A_692 = arith.addi %mul3A_54, %add3A_691 : i32
        %add3A_693 = arith.constant 32 : i32
        %add3A_694 = arith.addi %add3A_692, %add3A_693 : i32
        %get3A_695 = arith.index_cast %add3A_694 : i32 to index
        %get3A_696 = tpu.vector_load %arg6[%get3A_695] {strides = array<i32>} : memref<13312xf32, #tpu.memory_space<vmem>>, vector<16xf32>,
        %get3A_697 = vector.shape_cast %get3A_696 : vector<16xf32> to vector<16xf32>
        %mul3A_698 = arith.mulf %broadcast_in_dim3A_666, %get3A_697 : vector<16xf32>
        %swap3A_699 = arith.index_cast %add3A_694 : i32 to index
        %swap3A_700 = tpu.vector_load %arg7[%swap3A_699] {strides = array<i32>} : memref<13312xf32, #tpu.memory_space<vmem>>, vector<16xf32>,
        %swap3A_701 = vector.shape_cast %swap3A_700 : vector<16xf32> to vector<16xf32>
        %swap3A_702 = vector.shape_cast %mul3A_698 : vector<16xf32> to vector<16xf32>
        tpu.vector_store %arg7[%swap3A_699], %swap3A_702 {strides = array<i32>} : memref<13312xf32, #tpu.memory_space<vmem>>, vector<16xf32>,
        %add3A_703 = arith.constant 768 : i32
        %add3A_704 = arith.addi %mul3A_54, %add3A_703 : i32
        %add3A_705 = arith.constant 48 : i32
        %add3A_706 = arith.addi %add3A_704, %add3A_705 : i32
        %get3A_707 = arith.index_cast %add3A_706 : i32 to index
        %get3A_708 = tpu.vector_load %arg6[%get3A_707] {strides = array<i32>} : memref<13312xf32, #tpu.memory_space<vmem>>, vector<16xf32>,
        %get3A_709 = vector.shape_cast %get3A_708 : vector<16xf32> to vector<16xf32>
        %mul3A_710 = arith.mulf %broadcast_in_dim3A_666, %get3A_709 : vector<16xf32>
        %swap3A_711 = arith.index_cast %add3A_706 : i32 to index
        %swap3A_712 = tpu.vector_load %arg7[%swap3A_711] {strides = array<i32>} : memref<13312xf32, #tpu.memory_space<vmem>>, vector<16xf32>,
        %swap3A_713 = vector.shape_cast %swap3A_712 : vector<16xf32> to vector<16xf32>
        %swap3A_714 = vector.shape_cast %mul3A_710 : vector<16xf32> to vector<16xf32>
        tpu.vector_store %arg7[%swap3A_711], %swap3A_714 {strides = array<i32>} : memref<13312xf32, #tpu.memory_space<vmem>>, vector<16xf32>,
        %slice3A_715 = vector.extract_strided_slice %select_n3A {offsets = [13], sizes = [1], strides = [1]} : vector<16xf32> to vector<1xf32>
        %squeeze3A_716 = vector.extract %slice3A_715[0] : f32 from vector<1xf32>
        %broadcast_in_dim3A_717 = vector.broadcast %squeeze3A_716 : f32 to vector<16xf32>
        %add3A_718 = arith.constant 832 : i32
        %add3A_719 = arith.addi %mul3A_54, %add3A_718 : i32
        %add3A_720 = arith.constant 0 : i32
        %add3A_721 = arith.addi %add3A_719, %add3A_720 : i32
        %get3A_722 = arith.index_cast %add3A_721 : i32 to index
        %get3A_723 = tpu.vector_load %arg6[%get3A_722] {strides = array<i32>} : memref<13312xf32, #tpu.memory_space<vmem>>, vector<16xf32>,
        %get3A_724 = vector.shape_cast %get3A_723 : vector<16xf32> to vector<16xf32>
        %mul3A_725 = arith.mulf %broadcast_in_dim3A_717, %get3A_724 : vector<16xf32>
        %swap3A_726 = arith.index_cast %add3A_721 : i32 to index
        %swap3A_727 = tpu.vector_load %arg7[%swap3A_726] {strides = array<i32>} : memref<13312xf32, #tpu.memory_space<vmem>>, vector<16xf32>,
        %swap3A_728 = vector.shape_cast %swap3A_727 : vector<16xf32> to vector<16xf32>
        %swap3A_729 = vector.shape_cast %mul3A_725 : vector<16xf32> to vector<16xf32>
        tpu.vector_store %arg7[%swap3A_726], %swap3A_729 {strides = array<i32>} : memref<13312xf32, #tpu.memory_space<vmem>>, vector<16xf32>,
        %add3A_730 = arith.constant 832 : i32
        %add3A_731 = arith.addi %mul3A_54, %add3A_730 : i32
        %add3A_732 = arith.constant 16 : i32
        %add3A_733 = arith.addi %add3A_731, %add3A_732 : i32
        %get3A_734 = arith.index_cast %add3A_733 : i32 to index
        %get3A_735 = tpu.vector_load %arg6[%get3A_734] {strides = array<i32>} : memref<13312xf32, #tpu.memory_space<vmem>>, vector<16xf32>,
        %get3A_736 = vector.shape_cast %get3A_735 : vector<16xf32> to vector<16xf32>
        %mul3A_737 = arith.mulf %broadcast_in_dim3A_717, %get3A_736 : vector<16xf32>
        %swap3A_738 = arith.index_cast %add3A_733 : i32 to index
        %swap3A_739 = tpu.vector_load %arg7[%swap3A_738] {strides = array<i32>} : memref<13312xf32, #tpu.memory_space<vmem>>, vector<16xf32>,
        %swap3A_740 = vector.shape_cast %swap3A_739 : vector<16xf32> to vector<16xf32>
        %swap3A_741 = vector.shape_cast %mul3A_737 : vector<16xf32> to vector<16xf32>
        tpu.vector_store %arg7[%swap3A_738], %swap3A_741 {strides = array<i32>} : memref<13312xf32, #tpu.memory_space<vmem>>, vector<16xf32>,
        %add3A_742 = arith.constant 832 : i32
        %add3A_743 = arith.addi %mul3A_54, %add3A_742 : i32
        %add3A_744 = arith.constant 32 : i32
        %add3A_745 = arith.addi %add3A_743, %add3A_744 : i32
        %get3A_746 = arith.index_cast %add3A_745 : i32 to index
        %get3A_747 = tpu.vector_load %arg6[%get3A_746] {strides = array<i32>} : memref<13312xf32, #tpu.memory_space<vmem>>, vector<16xf32>,
        %get3A_748 = vector.shape_cast %get3A_747 : vector<16xf32> to vector<16xf32>
        %mul3A_749 = arith.mulf %broadcast_in_dim3A_717, %get3A_748 : vector<16xf32>
        %swap3A_750 = arith.index_cast %add3A_745 : i32 to index
        %swap3A_751 = tpu.vector_load %arg7[%swap3A_750] {strides = array<i32>} : memref<13312xf32, #tpu.memory_space<vmem>>, vector<16xf32>,
        %swap3A_752 = vector.shape_cast %swap3A_751 : vector<16xf32> to vector<16xf32>
        %swap3A_753 = vector.shape_cast %mul3A_749 : vector<16xf32> to vector<16xf32>
        tpu.vector_store %arg7[%swap3A_750], %swap3A_753 {strides = array<i32>} : memref<13312xf32, #tpu.memory_space<vmem>>, vector<16xf32>,
        %add3A_754 = arith.constant 832 : i32
        %add3A_755 = arith.addi %mul3A_54, %add3A_754 : i32
        %add3A_756 = arith.constant 48 : i32
        %add3A_757 = arith.addi %add3A_755, %add3A_756 : i32
        %get3A_758 = arith.index_cast %add3A_757 : i32 to index
        %get3A_759 = tpu.vector_load %arg6[%get3A_758] {strides = array<i32>} : memref<13312xf32, #tpu.memory_space<vmem>>, vector<16xf32>,
        %get3A_760 = vector.shape_cast %get3A_759 : vector<16xf32> to vector<16xf32>
        %mul3A_761 = arith.mulf %broadcast_in_dim3A_717, %get3A_760 : vector<16xf32>
        %swap3A_762 = arith.index_cast %add3A_757 : i32 to index
        %swap3A_763 = tpu.vector_load %arg7[%swap3A_762] {strides = array<i32>} : memref<13312xf32, #tpu.memory_space<vmem>>, vector<16xf32>,
        %swap3A_764 = vector.shape_cast %swap3A_763 : vector<16xf32> to vector<16xf32>
        %swap3A_765 = vector.shape_cast %mul3A_761 : vector<16xf32> to vector<16xf32>
        tpu.vector_store %arg7[%swap3A_762], %swap3A_765 {strides = array<i32>} : memref<13312xf32, #tpu.memory_space<vmem>>, vector<16xf32>,
        %slice3A_766 = vector.extract_strided_slice %select_n3A {offsets = [14], sizes = [1], strides = [1]} : vector<16xf32> to vector<1xf32>
        %squeeze3A_767 = vector.extract %slice3A_766[0] : f32 from vector<1xf32>
        %broadcast_in_dim3A_768 = vector.broadcast %squeeze3A_767 : f32 to vector<16xf32>
        %add3A_769 = arith.constant 896 : i32
        %add3A_770 = arith.addi %mul3A_54, %add3A_769 : i32
        %add3A_771 = arith.constant 0 : i32
        %add3A_772 = arith.addi %add3A_770, %add3A_771 : i32
        %get3A_773 = arith.index_cast %add3A_772 : i32 to index
        %get3A_774 = tpu.vector_load %arg6[%get3A_773] {strides = array<i32>} : memref<13312xf32, #tpu.memory_space<vmem>>, vector<16xf32>,
        %get3A_775 = vector.shape_cast %get3A_774 : vector<16xf32> to vector<16xf32>
        %mul3A_776 = arith.mulf %broadcast_in_dim3A_768, %get3A_775 : vector<16xf32>
        %swap3A_777 = arith.index_cast %add3A_772 : i32 to index
        %swap3A_778 = tpu.vector_load %arg7[%swap3A_777] {strides = array<i32>} : memref<13312xf32, #tpu.memory_space<vmem>>, vector<16xf32>,
        %swap3A_779 = vector.shape_cast %swap3A_778 : vector<16xf32> to vector<16xf32>
        %swap3A_780 = vector.shape_cast %mul3A_776 : vector<16xf32> to vector<16xf32>
        tpu.vector_store %arg7[%swap3A_777], %swap3A_780 {strides = array<i32>} : memref<13312xf32, #tpu.memory_space<vmem>>, vector<16xf32>,
        %add3A_781 = arith.constant 896 : i32
        %add3A_782 = arith.addi %mul3A_54, %add3A_781 : i32
        %add3A_783 = arith.constant 16 : i32
        %add3A_784 = arith.addi %add3A_782, %add3A_783 : i32
        %get3A_785 = arith.index_cast %add3A_784 : i32 to index
        %get3A_786 = tpu.vector_load %arg6[%get3A_785] {strides = array<i32>} : memref<13312xf32, #tpu.memory_space<vmem>>, vector<16xf32>,
        %get3A_787 = vector.shape_cast %get3A_786 : vector<16xf32> to vector<16xf32>
        %mul3A_788 = arith.mulf %broadcast_in_dim3A_768, %get3A_787 : vector<16xf32>
        %swap3A_789 = arith.index_cast %add3A_784 : i32 to index
        %swap3A_790 = tpu.vector_load %arg7[%swap3A_789] {strides = array<i32>} : memref<13312xf32, #tpu.memory_space<vmem>>, vector<16xf32>,
        %swap3A_791 = vector.shape_cast %swap3A_790 : vector<16xf32> to vector<16xf32>
        %swap3A_792 = vector.shape_cast %mul3A_788 : vector<16xf32> to vector<16xf32>
        tpu.vector_store %arg7[%swap3A_789], %swap3A_792 {strides = array<i32>} : memref<13312xf32, #tpu.memory_space<vmem>>, vector<16xf32>,
        %add3A_793 = arith.constant 896 : i32
        %add3A_794 = arith.addi %mul3A_54, %add3A_793 : i32
        %add3A_795 = arith.constant 32 : i32
        %add3A_796 = arith.addi %add3A_794, %add3A_795 : i32
        %get3A_797 = arith.index_cast %add3A_796 : i32 to index
        %get3A_798 = tpu.vector_load %arg6[%get3A_797] {strides = array<i32>} : memref<13312xf32, #tpu.memory_space<vmem>>, vector<16xf32>,
        %get3A_799 = vector.shape_cast %get3A_798 : vector<16xf32> to vector<16xf32>
        %mul3A_800 = arith.mulf %broadcast_in_dim3A_768, %get3A_799 : vector<16xf32>
        %swap3A_801 = arith.index_cast %add3A_796 : i32 to index
        %swap3A_802 = tpu.vector_load %arg7[%swap3A_801] {strides = array<i32>} : memref<13312xf32, #tpu.memory_space<vmem>>, vector<16xf32>,
        %swap3A_803 = vector.shape_cast %swap3A_802 : vector<16xf32> to vector<16xf32>
        %swap3A_804 = vector.shape_cast %mul3A_800 : vector<16xf32> to vector<16xf32>
        tpu.vector_store %arg7[%swap3A_801], %swap3A_804 {strides = array<i32>} : memref<13312xf32, #tpu.memory_space<vmem>>, vector<16xf32>,
        %add3A_805 = arith.constant 896 : i32
        %add3A_806 = arith.addi %mul3A_54, %add3A_805 : i32
        %add3A_807 = arith.constant 48 : i32
        %add3A_808 = arith.addi %add3A_806, %add3A_807 : i32
        %get3A_809 = arith.index_cast %add3A_808 : i32 to index
        %get3A_810 = tpu.vector_load %arg6[%get3A_809] {strides = array<i32>} : memref<13312xf32, #tpu.memory_space<vmem>>, vector<16xf32>,
        %get3A_811 = vector.shape_cast %get3A_810 : vector<16xf32> to vector<16xf32>
        %mul3A_812 = arith.mulf %broadcast_in_dim3A_768, %get3A_811 : vector<16xf32>
        %swap3A_813 = arith.index_cast %add3A_808 : i32 to index
        %swap3A_814 = tpu.vector_load %arg7[%swap3A_813] {strides = array<i32>} : memref<13312xf32, #tpu.memory_space<vmem>>, vector<16xf32>,
        %swap3A_815 = vector.shape_cast %swap3A_814 : vector<16xf32> to vector<16xf32>
        %swap3A_816 = vector.shape_cast %mul3A_812 : vector<16xf32> to vector<16xf32>
        tpu.vector_store %arg7[%swap3A_813], %swap3A_816 {strides = array<i32>} : memref<13312xf32, #tpu.memory_space<vmem>>, vector<16xf32>,
        %slice3A_817 = vector.extract_strided_slice %select_n3A {offsets = [15], sizes = [1], strides = [1]} : vector<16xf32> to vector<1xf32>
        %squeeze3A_818 = vector.extract %slice3A_817[0] : f32 from vector<1xf32>
        %broadcast_in_dim3A_819 = vector.broadcast %squeeze3A_818 : f32 to vector<16xf32>
        %add3A_820 = arith.constant 960 : i32
        %add3A_821 = arith.addi %mul3A_54, %add3A_820 : i32
        %add3A_822 = arith.constant 0 : i32
        %add3A_823 = arith.addi %add3A_821, %add3A_822 : i32
        %get3A_824 = arith.index_cast %add3A_823 : i32 to index
        %get3A_825 = tpu.vector_load %arg6[%get3A_824] {strides = array<i32>} : memref<13312xf32, #tpu.memory_space<vmem>>, vector<16xf32>,
        %get3A_826 = vector.shape_cast %get3A_825 : vector<16xf32> to vector<16xf32>
        %mul3A_827 = arith.mulf %broadcast_in_dim3A_819, %get3A_826 : vector<16xf32>
        %swap3A_828 = arith.index_cast %add3A_823 : i32 to index
        %swap3A_829 = tpu.vector_load %arg7[%swap3A_828] {strides = array<i32>} : memref<13312xf32, #tpu.memory_space<vmem>>, vector<16xf32>,
        %swap3A_830 = vector.shape_cast %swap3A_829 : vector<16xf32> to vector<16xf32>
        %swap3A_831 = vector.shape_cast %mul3A_827 : vector<16xf32> to vector<16xf32>
        tpu.vector_store %arg7[%swap3A_828], %swap3A_831 {strides = array<i32>} : memref<13312xf32, #tpu.memory_space<vmem>>, vector<16xf32>,
        %add3A_832 = arith.constant 960 : i32
        %add3A_833 = arith.addi %mul3A_54, %add3A_832 : i32
        %add3A_834 = arith.constant 16 : i32
        %add3A_835 = arith.addi %add3A_833, %add3A_834 : i32
        %get3A_836 = arith.index_cast %add3A_835 : i32 to index
        %get3A_837 = tpu.vector_load %arg6[%get3A_836] {strides = array<i32>} : memref<13312xf32, #tpu.memory_space<vmem>>, vector<16xf32>,
        %get3A_838 = vector.shape_cast %get3A_837 : vector<16xf32> to vector<16xf32>
        %mul3A_839 = arith.mulf %broadcast_in_dim3A_819, %get3A_838 : vector<16xf32>
        %swap3A_840 = arith.index_cast %add3A_835 : i32 to index
        %swap3A_841 = tpu.vector_load %arg7[%swap3A_840] {strides = array<i32>} : memref<13312xf32, #tpu.memory_space<vmem>>, vector<16xf32>,
        %swap3A_842 = vector.shape_cast %swap3A_841 : vector<16xf32> to vector<16xf32>
        %swap3A_843 = vector.shape_cast %mul3A_839 : vector<16xf32> to vector<16xf32>
        tpu.vector_store %arg7[%swap3A_840], %swap3A_843 {strides = array<i32>} : memref<13312xf32, #tpu.memory_space<vmem>>, vector<16xf32>,
        %add3A_844 = arith.constant 960 : i32
        %add3A_845 = arith.addi %mul3A_54, %add3A_844 : i32
        %add3A_846 = arith.constant 32 : i32
        %add3A_847 = arith.addi %add3A_845, %add3A_846 : i32
        %get3A_848 = arith.index_cast %add3A_847 : i32 to index
        %get3A_849 = tpu.vector_load %arg6[%get3A_848] {strides = array<i32>} : memref<13312xf32, #tpu.memory_space<vmem>>, vector<16xf32>,
        %get3A_850 = vector.shape_cast %get3A_849 : vector<16xf32> to vector<16xf32>
        %mul3A_851 = arith.mulf %broadcast_in_dim3A_819, %get3A_850 : vector<16xf32>
        %swap3A_852 = arith.index_cast %add3A_847 : i32 to index
        %swap3A_853 = tpu.vector_load %arg7[%swap3A_852] {strides = array<i32>} : memref<13312xf32, #tpu.memory_space<vmem>>, vector<16xf32>,
        %swap3A_854 = vector.shape_cast %swap3A_853 : vector<16xf32> to vector<16xf32>
        %swap3A_855 = vector.shape_cast %mul3A_851 : vector<16xf32> to vector<16xf32>
        tpu.vector_store %arg7[%swap3A_852], %swap3A_855 {strides = array<i32>} : memref<13312xf32, #tpu.memory_space<vmem>>, vector<16xf32>,
        %add3A_856 = arith.constant 960 : i32
        %add3A_857 = arith.addi %mul3A_54, %add3A_856 : i32
        %add3A_858 = arith.constant 48 : i32
        %add3A_859 = arith.addi %add3A_857, %add3A_858 : i32
        %get3A_860 = arith.index_cast %add3A_859 : i32 to index
        %get3A_861 = tpu.vector_load %arg6[%get3A_860] {strides = array<i32>} : memref<13312xf32, #tpu.memory_space<vmem>>, vector<16xf32>,
        %get3A_862 = vector.shape_cast %get3A_861 : vector<16xf32> to vector<16xf32>
        %mul3A_863 = arith.mulf %broadcast_in_dim3A_819, %get3A_862 : vector<16xf32>
        %swap3A_864 = arith.index_cast %add3A_859 : i32 to index
        %swap3A_865 = tpu.vector_load %arg7[%swap3A_864] {strides = array<i32>} : memref<13312xf32, #tpu.memory_space<vmem>>, vector<16xf32>,
        %swap3A_866 = vector.shape_cast %swap3A_865 : vector<16xf32> to vector<16xf32>
        %swap3A_867 = vector.shape_cast %mul3A_863 : vector<16xf32> to vector<16xf32>
        tpu.vector_store %arg7[%swap3A_864], %swap3A_867 {strides = array<i32>} : memref<13312xf32, #tpu.memory_space<vmem>>, vector<16xf32>,
      }
      %scan3A_34 = arith.constant 13 : i32
      %add3A_35 = arith.constant 1 : i32
      %add3A_36 = arith.addi %mul3A_28, %add3A_35 : i32
      %scan3A_37 = arith.constant 0 : i32
      %scan3A_38 = arith.constant 0 : i32
      %scan3A_39 = arith.constant 13 : i32
      %scan3A_40 = arith.addi %scan3A_38, %scan3A_39 : i32
      %scan3A_41 = arith.constant 1 : i32
      scf.for %scan3A_43 = %scan3A_38 to %scan3A_40 step %scan3A_41  : i32 {
        %mul3A_44 = arith.constant 208 : i32
        %mul3A_45 = arith.muli %add3A_36, %mul3A_44 : i32
        %mul3A_46 = arith.constant 16 : i32
        %mul3A_47 = arith.muli %scan3A_43, %mul3A_46 : i32
        %add3A_48 = arith.addi %mul3A_45, %mul3A_47 : i32
        %get3A = arith.index_cast %add3A_48 : i32 to index
        %get3A_49 = tpu.vector_load %arg5[%get3A] {strides = array<i32>} : memref<26624xf32, #tpu.memory_space<vmem>>, vector<16xf32>,
        %get3A_50 = vector.shape_cast %get3A_49 : vector<16xf32> to vector<16xf32>
        %ne3A = arith.cmpf one, %get3A_50, %get3A_50 : vector<16xf32>
        %jit3A = arith.constant 0.000000e+00 : f32
        %broadcast_in_dim3A = vector.broadcast %jit3A : f32 to vector<16xf32>
        %select_n3A = arith.select %ne3A, %broadcast_in_dim3A, %get3A_50 : vector<16xi1>, vector<16xf32>
        %mul3A_51 = arith.constant 16 : i32
        %mul3A_52 = arith.muli %scan3A_43, %mul3A_51 : i32
        %mul3A_53 = arith.constant 64 : i32
        %mul3A_54 = arith.muli %mul3A_52, %mul3A_53 : i32
        %slice3A = vector.extract_strided_slice %select_n3A {offsets = [0], sizes = [1], strides = [1]} : vector<16xf32> to vector<1xf32>
        %squeeze3A = vector.extract %slice3A[0] : f32 from vector<1xf32>
        %broadcast_in_dim3A_55 = vector.broadcast %squeeze3A : f32 to vector<16xf32>
        %add3A_56 = arith.constant 0 : i32
        %add3A_57 = arith.addi %mul3A_54, %add3A_56 : i32
        %add3A_58 = arith.constant 0 : i32
        %add3A_59 = arith.addi %add3A_57, %add3A_58 : i32
        %get3A_60 = arith.index_cast %add3A_59 : i32 to index
        %get3A_61 = tpu.vector_load %arg6[%get3A_60] {strides = array<i32>} : memref<13312xf32, #tpu.memory_space<vmem>>, vector<16xf32>,
        %get3A_62 = vector.shape_cast %get3A_61 : vector<16xf32> to vector<16xf32>
        %mul3A_63 = arith.mulf %broadcast_in_dim3A_55, %get3A_62 : vector<16xf32>
        %swap3A = arith.index_cast %add3A_59 : i32 to index
        %swap3A_64 = tpu.vector_load %arg8[%swap3A] {strides = array<i32>} : memref<13312xf32, #tpu.memory_space<vmem>>, vector<16xf32>,
        %swap3A_65 = vector.shape_cast %swap3A_64 : vector<16xf32> to vector<16xf32>
        %swap3A_66 = vector.shape_cast %mul3A_63 : vector<16xf32> to vector<16xf32>
        tpu.vector_store %arg8[%swap3A], %swap3A_66 {strides = array<i32>} : memref<13312xf32, #tpu.memory_space<vmem>>, vector<16xf32>,
        %add3A_67 = arith.constant 0 : i32
        %add3A_68 = arith.addi %mul3A_54, %add3A_67 : i32
        %add3A_69 = arith.constant 16 : i32
        %add3A_70 = arith.addi %add3A_68, %add3A_69 : i32
        %get3A_71 = arith.index_cast %add3A_70 : i32 to index
        %get3A_72 = tpu.vector_load %arg6[%get3A_71] {strides = array<i32>} : memref<13312xf32, #tpu.memory_space<vmem>>, vector<16xf32>,
        %get3A_73 = vector.shape_cast %get3A_72 : vector<16xf32> to vector<16xf32>
        %mul3A_74 = arith.mulf %broadcast_in_dim3A_55, %get3A_73 : vector<16xf32>
        %swap3A_75 = arith.index_cast %add3A_70 : i32 to index
        %swap3A_76 = tpu.vector_load %arg8[%swap3A_75] {strides = array<i32>} : memref<13312xf32, #tpu.memory_space<vmem>>, vector<16xf32>,
        %swap3A_77 = vector.shape_cast %swap3A_76 : vector<16xf32> to vector<16xf32>
        %swap3A_78 = vector.shape_cast %mul3A_74 : vector<16xf32> to vector<16xf32>
        tpu.vector_store %arg8[%swap3A_75], %swap3A_78 {strides = array<i32>} : memref<13312xf32, #tpu.memory_space<vmem>>, vector<16xf32>,
        %add3A_79 = arith.constant 0 : i32
        %add3A_80 = arith.addi %mul3A_54, %add3A_79 : i32
        %add3A_81 = arith.constant 32 : i32
        %add3A_82 = arith.addi %add3A_80, %add3A_81 : i32
        %get3A_83 = arith.index_cast %add3A_82 : i32 to index
        %get3A_84 = tpu.vector_load %arg6[%get3A_83] {strides = array<i32>} : memref<13312xf32, #tpu.memory_space<vmem>>, vector<16xf32>,
        %get3A_85 = vector.shape_cast %get3A_84 : vector<16xf32> to vector<16xf32>
        %mul3A_86 = arith.mulf %broadcast_in_dim3A_55, %get3A_85 : vector<16xf32>
        %swap3A_87 = arith.index_cast %add3A_82 : i32 to index
        %swap3A_88 = tpu.vector_load %arg8[%swap3A_87] {strides = array<i32>} : memref<13312xf32, #tpu.memory_space<vmem>>, vector<16xf32>,
        %swap3A_89 = vector.shape_cast %swap3A_88 : vector<16xf32> to vector<16xf32>
        %swap3A_90 = vector.shape_cast %mul3A_86 : vector<16xf32> to vector<16xf32>
        tpu.vector_store %arg8[%swap3A_87], %swap3A_90 {strides = array<i32>} : memref<13312xf32, #tpu.memory_space<vmem>>, vector<16xf32>,
        %add3A_91 = arith.constant 0 : i32
        %add3A_92 = arith.addi %mul3A_54, %add3A_91 : i32
        %add3A_93 = arith.constant 48 : i32
        %add3A_94 = arith.addi %add3A_92, %add3A_93 : i32
        %get3A_95 = arith.index_cast %add3A_94 : i32 to index
        %get3A_96 = tpu.vector_load %arg6[%get3A_95] {strides = array<i32>} : memref<13312xf32, #tpu.memory_space<vmem>>, vector<16xf32>,
        %get3A_97 = vector.shape_cast %get3A_96 : vector<16xf32> to vector<16xf32>
        %mul3A_98 = arith.mulf %broadcast_in_dim3A_55, %get3A_97 : vector<16xf32>
        %swap3A_99 = arith.index_cast %add3A_94 : i32 to index
        %swap3A_100 = tpu.vector_load %arg8[%swap3A_99] {strides = array<i32>} : memref<13312xf32, #tpu.memory_space<vmem>>, vector<16xf32>,
        %swap3A_101 = vector.shape_cast %swap3A_100 : vector<16xf32> to vector<16xf32>
        %swap3A_102 = vector.shape_cast %mul3A_98 : vector<16xf32> to vector<16xf32>
        tpu.vector_store %arg8[%swap3A_99], %swap3A_102 {strides = array<i32>} : memref<13312xf32, #tpu.memory_space<vmem>>, vector<16xf32>,
        %slice3A_103 = vector.extract_strided_slice %select_n3A {offsets = [1], sizes = [1], strides = [1]} : vector<16xf32> to vector<1xf32>
        %squeeze3A_104 = vector.extract %slice3A_103[0] : f32 from vector<1xf32>
        %broadcast_in_dim3A_105 = vector.broadcast %squeeze3A_104 : f32 to vector<16xf32>
        %add3A_106 = arith.constant 64 : i32
        %add3A_107 = arith.addi %mul3A_54, %add3A_106 : i32
        %add3A_108 = arith.constant 0 : i32
        %add3A_109 = arith.addi %add3A_107, %add3A_108 : i32
        %get3A_110 = arith.index_cast %add3A_109 : i32 to index
        %get3A_111 = tpu.vector_load %arg6[%get3A_110] {strides = array<i32>} : memref<13312xf32, #tpu.memory_space<vmem>>, vector<16xf32>,
        %get3A_112 = vector.shape_cast %get3A_111 : vector<16xf32> to vector<16xf32>
        %mul3A_113 = arith.mulf %broadcast_in_dim3A_105, %get3A_112 : vector<16xf32>
        %swap3A_114 = arith.index_cast %add3A_109 : i32 to index
        %swap3A_115 = tpu.vector_load %arg8[%swap3A_114] {strides = array<i32>} : memref<13312xf32, #tpu.memory_space<vmem>>, vector<16xf32>,
        %swap3A_116 = vector.shape_cast %swap3A_115 : vector<16xf32> to vector<16xf32>
        %swap3A_117 = vector.shape_cast %mul3A_113 : vector<16xf32> to vector<16xf32>
        tpu.vector_store %arg8[%swap3A_114], %swap3A_117 {strides = array<i32>} : memref<13312xf32, #tpu.memory_space<vmem>>, vector<16xf32>,
        %add3A_118 = arith.constant 64 : i32
        %add3A_119 = arith.addi %mul3A_54, %add3A_118 : i32
        %add3A_120 = arith.constant 16 : i32
        %add3A_121 = arith.addi %add3A_119, %add3A_120 : i32
        %get3A_122 = arith.index_cast %add3A_121 : i32 to index
        %get3A_123 = tpu.vector_load %arg6[%get3A_122] {strides = array<i32>} : memref<13312xf32, #tpu.memory_space<vmem>>, vector<16xf32>,
        %get3A_124 = vector.shape_cast %get3A_123 : vector<16xf32> to vector<16xf32>
        %mul3A_125 = arith.mulf %broadcast_in_dim3A_105, %get3A_124 : vector<16xf32>
        %swap3A_126 = arith.index_cast %add3A_121 : i32 to index
        %swap3A_127 = tpu.vector_load %arg8[%swap3A_126] {strides = array<i32>} : memref<13312xf32, #tpu.memory_space<vmem>>, vector<16xf32>,
        %swap3A_128 = vector.shape_cast %swap3A_127 : vector<16xf32> to vector<16xf32>
        %swap3A_129 = vector.shape_cast %mul3A_125 : vector<16xf32> to vector<16xf32>
        tpu.vector_store %arg8[%swap3A_126], %swap3A_129 {strides = array<i32>} : memref<13312xf32, #tpu.memory_space<vmem>>, vector<16xf32>,
        %add3A_130 = arith.constant 64 : i32
        %add3A_131 = arith.addi %mul3A_54, %add3A_130 : i32
        %add3A_132 = arith.constant 32 : i32
        %add3A_133 = arith.addi %add3A_131, %add3A_132 : i32
        %get3A_134 = arith.index_cast %add3A_133 : i32 to index
        %get3A_135 = tpu.vector_load %arg6[%get3A_134] {strides = array<i32>} : memref<13312xf32, #tpu.memory_space<vmem>>, vector<16xf32>,
        %get3A_136 = vector.shape_cast %get3A_135 : vector<16xf32> to vector<16xf32>
        %mul3A_137 = arith.mulf %broadcast_in_dim3A_105, %get3A_136 : vector<16xf32>
        %swap3A_138 = arith.index_cast %add3A_133 : i32 to index
        %swap3A_139 = tpu.vector_load %arg8[%swap3A_138] {strides = array<i32>} : memref<13312xf32, #tpu.memory_space<vmem>>, vector<16xf32>,
        %swap3A_140 = vector.shape_cast %swap3A_139 : vector<16xf32> to vector<16xf32>
        %swap3A_141 = vector.shape_cast %mul3A_137 : vector<16xf32> to vector<16xf32>
        tpu.vector_store %arg8[%swap3A_138], %swap3A_141 {strides = array<i32>} : memref<13312xf32, #tpu.memory_space<vmem>>, vector<16xf32>,
        %add3A_142 = arith.constant 64 : i32
        %add3A_143 = arith.addi %mul3A_54, %add3A_142 : i32
        %add3A_144 = arith.constant 48 : i32
        %add3A_145 = arith.addi %add3A_143, %add3A_144 : i32
        %get3A_146 = arith.index_cast %add3A_145 : i32 to index
        %get3A_147 = tpu.vector_load %arg6[%get3A_146] {strides = array<i32>} : memref<13312xf32, #tpu.memory_space<vmem>>, vector<16xf32>,
        %get3A_148 = vector.shape_cast %get3A_147 : vector<16xf32> to vector<16xf32>
        %mul3A_149 = arith.mulf %broadcast_in_dim3A_105, %get3A_148 : vector<16xf32>
        %swap3A_150 = arith.index_cast %add3A_145 : i32 to index
        %swap3A_151 = tpu.vector_load %arg8[%swap3A_150] {strides = array<i32>} : memref<13312xf32, #tpu.memory_space<vmem>>, vector<16xf32>,
        %swap3A_152 = vector.shape_cast %swap3A_151 : vector<16xf32> to vector<16xf32>
        %swap3A_153 = vector.shape_cast %mul3A_149 : vector<16xf32> to vector<16xf32>
        tpu.vector_store %arg8[%swap3A_150], %swap3A_153 {strides = array<i32>} : memref<13312xf32, #tpu.memory_space<vmem>>, vector<16xf32>,
        %slice3A_154 = vector.extract_strided_slice %select_n3A {offsets = [2], sizes = [1], strides = [1]} : vector<16xf32> to vector<1xf32>
        %squeeze3A_155 = vector.extract %slice3A_154[0] : f32 from vector<1xf32>
        %broadcast_in_dim3A_156 = vector.broadcast %squeeze3A_155 : f32 to vector<16xf32>
        %add3A_157 = arith.constant 128 : i32
        %add3A_158 = arith.addi %mul3A_54, %add3A_157 : i32
        %add3A_159 = arith.constant 0 : i32
        %add3A_160 = arith.addi %add3A_158, %add3A_159 : i32
        %get3A_161 = arith.index_cast %add3A_160 : i32 to index
        %get3A_162 = tpu.vector_load %arg6[%get3A_161] {strides = array<i32>} : memref<13312xf32, #tpu.memory_space<vmem>>, vector<16xf32>,
        %get3A_163 = vector.shape_cast %get3A_162 : vector<16xf32> to vector<16xf32>
        %mul3A_164 = arith.mulf %broadcast_in_dim3A_156, %get3A_163 : vector<16xf32>
        %swap3A_165 = arith.index_cast %add3A_160 : i32 to index
        %swap3A_166 = tpu.vector_load %arg8[%swap3A_165] {strides = array<i32>} : memref<13312xf32, #tpu.memory_space<vmem>>, vector<16xf32>,
        %swap3A_167 = vector.shape_cast %swap3A_166 : vector<16xf32> to vector<16xf32>
        %swap3A_168 = vector.shape_cast %mul3A_164 : vector<16xf32> to vector<16xf32>
        tpu.vector_store %arg8[%swap3A_165], %swap3A_168 {strides = array<i32>} : memref<13312xf32, #tpu.memory_space<vmem>>, vector<16xf32>,
        %add3A_169 = arith.constant 128 : i32
        %add3A_170 = arith.addi %mul3A_54, %add3A_169 : i32
        %add3A_171 = arith.constant 16 : i32
        %add3A_172 = arith.addi %add3A_170, %add3A_171 : i32
        %get3A_173 = arith.index_cast %add3A_172 : i32 to index
        %get3A_174 = tpu.vector_load %arg6[%get3A_173] {strides = array<i32>} : memref<13312xf32, #tpu.memory_space<vmem>>, vector<16xf32>,
        %get3A_175 = vector.shape_cast %get3A_174 : vector<16xf32> to vector<16xf32>
        %mul3A_176 = arith.mulf %broadcast_in_dim3A_156, %get3A_175 : vector<16xf32>
        %swap3A_177 = arith.index_cast %add3A_172 : i32 to index
        %swap3A_178 = tpu.vector_load %arg8[%swap3A_177] {strides = array<i32>} : memref<13312xf32, #tpu.memory_space<vmem>>, vector<16xf32>,
        %swap3A_179 = vector.shape_cast %swap3A_178 : vector<16xf32> to vector<16xf32>
        %swap3A_180 = vector.shape_cast %mul3A_176 : vector<16xf32> to vector<16xf32>
        tpu.vector_store %arg8[%swap3A_177], %swap3A_180 {strides = array<i32>} : memref<13312xf32, #tpu.memory_space<vmem>>, vector<16xf32>,
        %add3A_181 = arith.constant 128 : i32
        %add3A_182 = arith.addi %mul3A_54, %add3A_181 : i32
        %add3A_183 = arith.constant 32 : i32
        %add3A_184 = arith.addi %add3A_182, %add3A_183 : i32
        %get3A_185 = arith.index_cast %add3A_184 : i32 to index
        %get3A_186 = tpu.vector_load %arg6[%get3A_185] {strides = array<i32>} : memref<13312xf32, #tpu.memory_space<vmem>>, vector<16xf32>,
        %get3A_187 = vector.shape_cast %get3A_186 : vector<16xf32> to vector<16xf32>
        %mul3A_188 = arith.mulf %broadcast_in_dim3A_156, %get3A_187 : vector<16xf32>
        %swap3A_189 = arith.index_cast %add3A_184 : i32 to index
        %swap3A_190 = tpu.vector_load %arg8[%swap3A_189] {strides = array<i32>} : memref<13312xf32, #tpu.memory_space<vmem>>, vector<16xf32>,
        %swap3A_191 = vector.shape_cast %swap3A_190 : vector<16xf32> to vector<16xf32>
        %swap3A_192 = vector.shape_cast %mul3A_188 : vector<16xf32> to vector<16xf32>
        tpu.vector_store %arg8[%swap3A_189], %swap3A_192 {strides = array<i32>} : memref<13312xf32, #tpu.memory_space<vmem>>, vector<16xf32>,
        %add3A_193 = arith.constant 128 : i32
        %add3A_194 = arith.addi %mul3A_54, %add3A_193 : i32
        %add3A_195 = arith.constant 48 : i32
        %add3A_196 = arith.addi %add3A_194, %add3A_195 : i32
        %get3A_197 = arith.index_cast %add3A_196 : i32 to index
        %get3A_198 = tpu.vector_load %arg6[%get3A_197] {strides = array<i32>} : memref<13312xf32, #tpu.memory_space<vmem>>, vector<16xf32>,
        %get3A_199 = vector.shape_cast %get3A_198 : vector<16xf32> to vector<16xf32>
        %mul3A_200 = arith.mulf %broadcast_in_dim3A_156, %get3A_199 : vector<16xf32>
        %swap3A_201 = arith.index_cast %add3A_196 : i32 to index
        %swap3A_202 = tpu.vector_load %arg8[%swap3A_201] {strides = array<i32>} : memref<13312xf32, #tpu.memory_space<vmem>>, vector<16xf32>,
        %swap3A_203 = vector.shape_cast %swap3A_202 : vector<16xf32> to vector<16xf32>
        %swap3A_204 = vector.shape_cast %mul3A_200 : vector<16xf32> to vector<16xf32>
        tpu.vector_store %arg8[%swap3A_201], %swap3A_204 {strides = array<i32>} : memref<13312xf32, #tpu.memory_space<vmem>>, vector<16xf32>,
        %slice3A_205 = vector.extract_strided_slice %select_n3A {offsets = [3], sizes = [1], strides = [1]} : vector<16xf32> to vector<1xf32>
        %squeeze3A_206 = vector.extract %slice3A_205[0] : f32 from vector<1xf32>
        %broadcast_in_dim3A_207 = vector.broadcast %squeeze3A_206 : f32 to vector<16xf32>
        %add3A_208 = arith.constant 192 : i32
        %add3A_209 = arith.addi %mul3A_54, %add3A_208 : i32
        %add3A_210 = arith.constant 0 : i32
        %add3A_211 = arith.addi %add3A_209, %add3A_210 : i32
        %get3A_212 = arith.index_cast %add3A_211 : i32 to index
        %get3A_213 = tpu.vector_load %arg6[%get3A_212] {strides = array<i32>} : memref<13312xf32, #tpu.memory_space<vmem>>, vector<16xf32>,
        %get3A_214 = vector.shape_cast %get3A_213 : vector<16xf32> to vector<16xf32>
        %mul3A_215 = arith.mulf %broadcast_in_dim3A_207, %get3A_214 : vector<16xf32>
        %swap3A_216 = arith.index_cast %add3A_211 : i32 to index
        %swap3A_217 = tpu.vector_load %arg8[%swap3A_216] {strides = array<i32>} : memref<13312xf32, #tpu.memory_space<vmem>>, vector<16xf32>,
        %swap3A_218 = vector.shape_cast %swap3A_217 : vector<16xf32> to vector<16xf32>
        %swap3A_219 = vector.shape_cast %mul3A_215 : vector<16xf32> to vector<16xf32>
        tpu.vector_store %arg8[%swap3A_216], %swap3A_219 {strides = array<i32>} : memref<13312xf32, #tpu.memory_space<vmem>>, vector<16xf32>,
        %add3A_220 = arith.constant 192 : i32
        %add3A_221 = arith.addi %mul3A_54, %add3A_220 : i32
        %add3A_222 = arith.constant 16 : i32
        %add3A_223 = arith.addi %add3A_221, %add3A_222 : i32
        %get3A_224 = arith.index_cast %add3A_223 : i32 to index
        %get3A_225 = tpu.vector_load %arg6[%get3A_224] {strides = array<i32>} : memref<13312xf32, #tpu.memory_space<vmem>>, vector<16xf32>,
        %get3A_226 = vector.shape_cast %get3A_225 : vector<16xf32> to vector<16xf32>
        %mul3A_227 = arith.mulf %broadcast_in_dim3A_207, %get3A_226 : vector<16xf32>
        %swap3A_228 = arith.index_cast %add3A_223 : i32 to index
        %swap3A_229 = tpu.vector_load %arg8[%swap3A_228] {strides = array<i32>} : memref<13312xf32, #tpu.memory_space<vmem>>, vector<16xf32>,
        %swap3A_230 = vector.shape_cast %swap3A_229 : vector<16xf32> to vector<16xf32>
        %swap3A_231 = vector.shape_cast %mul3A_227 : vector<16xf32> to vector<16xf32>
        tpu.vector_store %arg8[%swap3A_228], %swap3A_231 {strides = array<i32>} : memref<13312xf32, #tpu.memory_space<vmem>>, vector<16xf32>,
        %add3A_232 = arith.constant 192 : i32
        %add3A_233 = arith.addi %mul3A_54, %add3A_232 : i32
        %add3A_234 = arith.constant 32 : i32
        %add3A_235 = arith.addi %add3A_233, %add3A_234 : i32
        %get3A_236 = arith.index_cast %add3A_235 : i32 to index
        %get3A_237 = tpu.vector_load %arg6[%get3A_236] {strides = array<i32>} : memref<13312xf32, #tpu.memory_space<vmem>>, vector<16xf32>,
        %get3A_238 = vector.shape_cast %get3A_237 : vector<16xf32> to vector<16xf32>
        %mul3A_239 = arith.mulf %broadcast_in_dim3A_207, %get3A_238 : vector<16xf32>
        %swap3A_240 = arith.index_cast %add3A_235 : i32 to index
        %swap3A_241 = tpu.vector_load %arg8[%swap3A_240] {strides = array<i32>} : memref<13312xf32, #tpu.memory_space<vmem>>, vector<16xf32>,
        %swap3A_242 = vector.shape_cast %swap3A_241 : vector<16xf32> to vector<16xf32>
        %swap3A_243 = vector.shape_cast %mul3A_239 : vector<16xf32> to vector<16xf32>
        tpu.vector_store %arg8[%swap3A_240], %swap3A_243 {strides = array<i32>} : memref<13312xf32, #tpu.memory_space<vmem>>, vector<16xf32>,
        %add3A_244 = arith.constant 192 : i32
        %add3A_245 = arith.addi %mul3A_54, %add3A_244 : i32
        %add3A_246 = arith.constant 48 : i32
        %add3A_247 = arith.addi %add3A_245, %add3A_246 : i32
        %get3A_248 = arith.index_cast %add3A_247 : i32 to index
        %get3A_249 = tpu.vector_load %arg6[%get3A_248] {strides = array<i32>} : memref<13312xf32, #tpu.memory_space<vmem>>, vector<16xf32>,
        %get3A_250 = vector.shape_cast %get3A_249 : vector<16xf32> to vector<16xf32>
        %mul3A_251 = arith.mulf %broadcast_in_dim3A_207, %get3A_250 : vector<16xf32>
        %swap3A_252 = arith.index_cast %add3A_247 : i32 to index
        %swap3A_253 = tpu.vector_load %arg8[%swap3A_252] {strides = array<i32>} : memref<13312xf32, #tpu.memory_space<vmem>>, vector<16xf32>,
        %swap3A_254 = vector.shape_cast %swap3A_253 : vector<16xf32> to vector<16xf32>
        %swap3A_255 = vector.shape_cast %mul3A_251 : vector<16xf32> to vector<16xf32>
        tpu.vector_store %arg8[%swap3A_252], %swap3A_255 {strides = array<i32>} : memref<13312xf32, #tpu.memory_space<vmem>>, vector<16xf32>,
        %slice3A_256 = vector.extract_strided_slice %select_n3A {offsets = [4], sizes = [1], strides = [1]} : vector<16xf32> to vector<1xf32>
        %squeeze3A_257 = vector.extract %slice3A_256[0] : f32 from vector<1xf32>
        %broadcast_in_dim3A_258 = vector.broadcast %squeeze3A_257 : f32 to vector<16xf32>
        %add3A_259 = arith.constant 256 : i32
        %add3A_260 = arith.addi %mul3A_54, %add3A_259 : i32
        %add3A_261 = arith.constant 0 : i32
        %add3A_262 = arith.addi %add3A_260, %add3A_261 : i32
        %get3A_263 = arith.index_cast %add3A_262 : i32 to index
        %get3A_264 = tpu.vector_load %arg6[%get3A_263] {strides = array<i32>} : memref<13312xf32, #tpu.memory_space<vmem>>, vector<16xf32>,
        %get3A_265 = vector.shape_cast %get3A_264 : vector<16xf32> to vector<16xf32>
        %mul3A_266 = arith.mulf %broadcast_in_dim3A_258, %get3A_265 : vector<16xf32>
        %swap3A_267 = arith.index_cast %add3A_262 : i32 to index
        %swap3A_268 = tpu.vector_load %arg8[%swap3A_267] {strides = array<i32>} : memref<13312xf32, #tpu.memory_space<vmem>>, vector<16xf32>,
        %swap3A_269 = vector.shape_cast %swap3A_268 : vector<16xf32> to vector<16xf32>
        %swap3A_270 = vector.shape_cast %mul3A_266 : vector<16xf32> to vector<16xf32>
        tpu.vector_store %arg8[%swap3A_267], %swap3A_270 {strides = array<i32>} : memref<13312xf32, #tpu.memory_space<vmem>>, vector<16xf32>,
        %add3A_271 = arith.constant 256 : i32
        %add3A_272 = arith.addi %mul3A_54, %add3A_271 : i32
        %add3A_273 = arith.constant 16 : i32
        %add3A_274 = arith.addi %add3A_272, %add3A_273 : i32
        %get3A_275 = arith.index_cast %add3A_274 : i32 to index
        %get3A_276 = tpu.vector_load %arg6[%get3A_275] {strides = array<i32>} : memref<13312xf32, #tpu.memory_space<vmem>>, vector<16xf32>,
        %get3A_277 = vector.shape_cast %get3A_276 : vector<16xf32> to vector<16xf32>
        %mul3A_278 = arith.mulf %broadcast_in_dim3A_258, %get3A_277 : vector<16xf32>
        %swap3A_279 = arith.index_cast %add3A_274 : i32 to index
        %swap3A_280 = tpu.vector_load %arg8[%swap3A_279] {strides = array<i32>} : memref<13312xf32, #tpu.memory_space<vmem>>, vector<16xf32>,
        %swap3A_281 = vector.shape_cast %swap3A_280 : vector<16xf32> to vector<16xf32>
        %swap3A_282 = vector.shape_cast %mul3A_278 : vector<16xf32> to vector<16xf32>
        tpu.vector_store %arg8[%swap3A_279], %swap3A_282 {strides = array<i32>} : memref<13312xf32, #tpu.memory_space<vmem>>, vector<16xf32>,
        %add3A_283 = arith.constant 256 : i32
        %add3A_284 = arith.addi %mul3A_54, %add3A_283 : i32
        %add3A_285 = arith.constant 32 : i32
        %add3A_286 = arith.addi %add3A_284, %add3A_285 : i32
        %get3A_287 = arith.index_cast %add3A_286 : i32 to index
        %get3A_288 = tpu.vector_load %arg6[%get3A_287] {strides = array<i32>} : memref<13312xf32, #tpu.memory_space<vmem>>, vector<16xf32>,
        %get3A_289 = vector.shape_cast %get3A_288 : vector<16xf32> to vector<16xf32>
        %mul3A_290 = arith.mulf %broadcast_in_dim3A_258, %get3A_289 : vector<16xf32>
        %swap3A_291 = arith.index_cast %add3A_286 : i32 to index
        %swap3A_292 = tpu.vector_load %arg8[%swap3A_291] {strides = array<i32>} : memref<13312xf32, #tpu.memory_space<vmem>>, vector<16xf32>,
        %swap3A_293 = vector.shape_cast %swap3A_292 : vector<16xf32> to vector<16xf32>
        %swap3A_294 = vector.shape_cast %mul3A_290 : vector<16xf32> to vector<16xf32>
        tpu.vector_store %arg8[%swap3A_291], %swap3A_294 {strides = array<i32>} : memref<13312xf32, #tpu.memory_space<vmem>>, vector<16xf32>,
        %add3A_295 = arith.constant 256 : i32
        %add3A_296 = arith.addi %mul3A_54, %add3A_295 : i32
        %add3A_297 = arith.constant 48 : i32
        %add3A_298 = arith.addi %add3A_296, %add3A_297 : i32
        %get3A_299 = arith.index_cast %add3A_298 : i32 to index
        %get3A_300 = tpu.vector_load %arg6[%get3A_299] {strides = array<i32>} : memref<13312xf32, #tpu.memory_space<vmem>>, vector<16xf32>,
        %get3A_301 = vector.shape_cast %get3A_300 : vector<16xf32> to vector<16xf32>
        %mul3A_302 = arith.mulf %broadcast_in_dim3A_258, %get3A_301 : vector<16xf32>
        %swap3A_303 = arith.index_cast %add3A_298 : i32 to index
        %swap3A_304 = tpu.vector_load %arg8[%swap3A_303] {strides = array<i32>} : memref<13312xf32, #tpu.memory_space<vmem>>, vector<16xf32>,
        %swap3A_305 = vector.shape_cast %swap3A_304 : vector<16xf32> to vector<16xf32>
        %swap3A_306 = vector.shape_cast %mul3A_302 : vector<16xf32> to vector<16xf32>
        tpu.vector_store %arg8[%swap3A_303], %swap3A_306 {strides = array<i32>} : memref<13312xf32, #tpu.memory_space<vmem>>, vector<16xf32>,
        %slice3A_307 = vector.extract_strided_slice %select_n3A {offsets = [5], sizes = [1], strides = [1]} : vector<16xf32> to vector<1xf32>
        %squeeze3A_308 = vector.extract %slice3A_307[0] : f32 from vector<1xf32>
        %broadcast_in_dim3A_309 = vector.broadcast %squeeze3A_308 : f32 to vector<16xf32>
        %add3A_310 = arith.constant 320 : i32
        %add3A_311 = arith.addi %mul3A_54, %add3A_310 : i32
        %add3A_312 = arith.constant 0 : i32
        %add3A_313 = arith.addi %add3A_311, %add3A_312 : i32
        %get3A_314 = arith.index_cast %add3A_313 : i32 to index
        %get3A_315 = tpu.vector_load %arg6[%get3A_314] {strides = array<i32>} : memref<13312xf32, #tpu.memory_space<vmem>>, vector<16xf32>,
        %get3A_316 = vector.shape_cast %get3A_315 : vector<16xf32> to vector<16xf32>
        %mul3A_317 = arith.mulf %broadcast_in_dim3A_309, %get3A_316 : vector<16xf32>
        %swap3A_318 = arith.index_cast %add3A_313 : i32 to index
        %swap3A_319 = tpu.vector_load %arg8[%swap3A_318] {strides = array<i32>} : memref<13312xf32, #tpu.memory_space<vmem>>, vector<16xf32>,
        %swap3A_320 = vector.shape_cast %swap3A_319 : vector<16xf32> to vector<16xf32>
        %swap3A_321 = vector.shape_cast %mul3A_317 : vector<16xf32> to vector<16xf32>
        tpu.vector_store %arg8[%swap3A_318], %swap3A_321 {strides = array<i32>} : memref<13312xf32, #tpu.memory_space<vmem>>, vector<16xf32>,
        %add3A_322 = arith.constant 320 : i32
        %add3A_323 = arith.addi %mul3A_54, %add3A_322 : i32
        %add3A_324 = arith.constant 16 : i32
        %add3A_325 = arith.addi %add3A_323, %add3A_324 : i32
        %get3A_326 = arith.index_cast %add3A_325 : i32 to index
        %get3A_327 = tpu.vector_load %arg6[%get3A_326] {strides = array<i32>} : memref<13312xf32, #tpu.memory_space<vmem>>, vector<16xf32>,
        %get3A_328 = vector.shape_cast %get3A_327 : vector<16xf32> to vector<16xf32>
        %mul3A_329 = arith.mulf %broadcast_in_dim3A_309, %get3A_328 : vector<16xf32>
        %swap3A_330 = arith.index_cast %add3A_325 : i32 to index
        %swap3A_331 = tpu.vector_load %arg8[%swap3A_330] {strides = array<i32>} : memref<13312xf32, #tpu.memory_space<vmem>>, vector<16xf32>,
        %swap3A_332 = vector.shape_cast %swap3A_331 : vector<16xf32> to vector<16xf32>
        %swap3A_333 = vector.shape_cast %mul3A_329 : vector<16xf32> to vector<16xf32>
        tpu.vector_store %arg8[%swap3A_330], %swap3A_333 {strides = array<i32>} : memref<13312xf32, #tpu.memory_space<vmem>>, vector<16xf32>,
        %add3A_334 = arith.constant 320 : i32
        %add3A_335 = arith.addi %mul3A_54, %add3A_334 : i32
        %add3A_336 = arith.constant 32 : i32
        %add3A_337 = arith.addi %add3A_335, %add3A_336 : i32
        %get3A_338 = arith.index_cast %add3A_337 : i32 to index
        %get3A_339 = tpu.vector_load %arg6[%get3A_338] {strides = array<i32>} : memref<13312xf32, #tpu.memory_space<vmem>>, vector<16xf32>,
        %get3A_340 = vector.shape_cast %get3A_339 : vector<16xf32> to vector<16xf32>
        %mul3A_341 = arith.mulf %broadcast_in_dim3A_309, %get3A_340 : vector<16xf32>
        %swap3A_342 = arith.index_cast %add3A_337 : i32 to index
        %swap3A_343 = tpu.vector_load %arg8[%swap3A_342] {strides = array<i32>} : memref<13312xf32, #tpu.memory_space<vmem>>, vector<16xf32>,
        %swap3A_344 = vector.shape_cast %swap3A_343 : vector<16xf32> to vector<16xf32>
        %swap3A_345 = vector.shape_cast %mul3A_341 : vector<16xf32> to vector<16xf32>
        tpu.vector_store %arg8[%swap3A_342], %swap3A_345 {strides = array<i32>} : memref<13312xf32, #tpu.memory_space<vmem>>, vector<16xf32>,
        %add3A_346 = arith.constant 320 : i32
        %add3A_347 = arith.addi %mul3A_54, %add3A_346 : i32
        %add3A_348 = arith.constant 48 : i32
        %add3A_349 = arith.addi %add3A_347, %add3A_348 : i32
        %get3A_350 = arith.index_cast %add3A_349 : i32 to index
        %get3A_351 = tpu.vector_load %arg6[%get3A_350] {strides = array<i32>} : memref<13312xf32, #tpu.memory_space<vmem>>, vector<16xf32>,
        %get3A_352 = vector.shape_cast %get3A_351 : vector<16xf32> to vector<16xf32>
        %mul3A_353 = arith.mulf %broadcast_in_dim3A_309, %get3A_352 : vector<16xf32>
        %swap3A_354 = arith.index_cast %add3A_349 : i32 to index
        %swap3A_355 = tpu.vector_load %arg8[%swap3A_354] {strides = array<i32>} : memref<13312xf32, #tpu.memory_space<vmem>>, vector<16xf32>,
        %swap3A_356 = vector.shape_cast %swap3A_355 : vector<16xf32> to vector<16xf32>
        %swap3A_357 = vector.shape_cast %mul3A_353 : vector<16xf32> to vector<16xf32>
        tpu.vector_store %arg8[%swap3A_354], %swap3A_357 {strides = array<i32>} : memref<13312xf32, #tpu.memory_space<vmem>>, vector<16xf32>,
        %slice3A_358 = vector.extract_strided_slice %select_n3A {offsets = [6], sizes = [1], strides = [1]} : vector<16xf32> to vector<1xf32>
        %squeeze3A_359 = vector.extract %slice3A_358[0] : f32 from vector<1xf32>
        %broadcast_in_dim3A_360 = vector.broadcast %squeeze3A_359 : f32 to vector<16xf32>
        %add3A_361 = arith.constant 384 : i32
        %add3A_362 = arith.addi %mul3A_54, %add3A_361 : i32
        %add3A_363 = arith.constant 0 : i32
        %add3A_364 = arith.addi %add3A_362, %add3A_363 : i32
        %get3A_365 = arith.index_cast %add3A_364 : i32 to index
        %get3A_366 = tpu.vector_load %arg6[%get3A_365] {strides = array<i32>} : memref<13312xf32, #tpu.memory_space<vmem>>, vector<16xf32>,
        %get3A_367 = vector.shape_cast %get3A_366 : vector<16xf32> to vector<16xf32>
        %mul3A_368 = arith.mulf %broadcast_in_dim3A_360, %get3A_367 : vector<16xf32>
        %swap3A_369 = arith.index_cast %add3A_364 : i32 to index
        %swap3A_370 = tpu.vector_load %arg8[%swap3A_369] {strides = array<i32>} : memref<13312xf32, #tpu.memory_space<vmem>>, vector<16xf32>,
        %swap3A_371 = vector.shape_cast %swap3A_370 : vector<16xf32> to vector<16xf32>
        %swap3A_372 = vector.shape_cast %mul3A_368 : vector<16xf32> to vector<16xf32>
        tpu.vector_store %arg8[%swap3A_369], %swap3A_372 {strides = array<i32>} : memref<13312xf32, #tpu.memory_space<vmem>>, vector<16xf32>,
        %add3A_373 = arith.constant 384 : i32
        %add3A_374 = arith.addi %mul3A_54, %add3A_373 : i32
        %add3A_375 = arith.constant 16 : i32
        %add3A_376 = arith.addi %add3A_374, %add3A_375 : i32
        %get3A_377 = arith.index_cast %add3A_376 : i32 to index
        %get3A_378 = tpu.vector_load %arg6[%get3A_377] {strides = array<i32>} : memref<13312xf32, #tpu.memory_space<vmem>>, vector<16xf32>,
        %get3A_379 = vector.shape_cast %get3A_378 : vector<16xf32> to vector<16xf32>
        %mul3A_380 = arith.mulf %broadcast_in_dim3A_360, %get3A_379 : vector<16xf32>
        %swap3A_381 = arith.index_cast %add3A_376 : i32 to index
        %swap3A_382 = tpu.vector_load %arg8[%swap3A_381] {strides = array<i32>} : memref<13312xf32, #tpu.memory_space<vmem>>, vector<16xf32>,
        %swap3A_383 = vector.shape_cast %swap3A_382 : vector<16xf32> to vector<16xf32>
        %swap3A_384 = vector.shape_cast %mul3A_380 : vector<16xf32> to vector<16xf32>
        tpu.vector_store %arg8[%swap3A_381], %swap3A_384 {strides = array<i32>} : memref<13312xf32, #tpu.memory_space<vmem>>, vector<16xf32>,
        %add3A_385 = arith.constant 384 : i32
        %add3A_386 = arith.addi %mul3A_54, %add3A_385 : i32
        %add3A_387 = arith.constant 32 : i32
        %add3A_388 = arith.addi %add3A_386, %add3A_387 : i32
        %get3A_389 = arith.index_cast %add3A_388 : i32 to index
        %get3A_390 = tpu.vector_load %arg6[%get3A_389] {strides = array<i32>} : memref<13312xf32, #tpu.memory_space<vmem>>, vector<16xf32>,
        %get3A_391 = vector.shape_cast %get3A_390 : vector<16xf32> to vector<16xf32>
        %mul3A_392 = arith.mulf %broadcast_in_dim3A_360, %get3A_391 : vector<16xf32>
        %swap3A_393 = arith.index_cast %add3A_388 : i32 to index
        %swap3A_394 = tpu.vector_load %arg8[%swap3A_393] {strides = array<i32>} : memref<13312xf32, #tpu.memory_space<vmem>>, vector<16xf32>,
        %swap3A_395 = vector.shape_cast %swap3A_394 : vector<16xf32> to vector<16xf32>
        %swap3A_396 = vector.shape_cast %mul3A_392 : vector<16xf32> to vector<16xf32>
        tpu.vector_store %arg8[%swap3A_393], %swap3A_396 {strides = array<i32>} : memref<13312xf32, #tpu.memory_space<vmem>>, vector<16xf32>,
        %add3A_397 = arith.constant 384 : i32
        %add3A_398 = arith.addi %mul3A_54, %add3A_397 : i32
        %add3A_399 = arith.constant 48 : i32
        %add3A_400 = arith.addi %add3A_398, %add3A_399 : i32
        %get3A_401 = arith.index_cast %add3A_400 : i32 to index
        %get3A_402 = tpu.vector_load %arg6[%get3A_401] {strides = array<i32>} : memref<13312xf32, #tpu.memory_space<vmem>>, vector<16xf32>,
        %get3A_403 = vector.shape_cast %get3A_402 : vector<16xf32> to vector<16xf32>
        %mul3A_404 = arith.mulf %broadcast_in_dim3A_360, %get3A_403 : vector<16xf32>
        %swap3A_405 = arith.index_cast %add3A_400 : i32 to index
        %swap3A_406 = tpu.vector_load %arg8[%swap3A_405] {strides = array<i32>} : memref<13312xf32, #tpu.memory_space<vmem>>, vector<16xf32>,
        %swap3A_407 = vector.shape_cast %swap3A_406 : vector<16xf32> to vector<16xf32>
        %swap3A_408 = vector.shape_cast %mul3A_404 : vector<16xf32> to vector<16xf32>
        tpu.vector_store %arg8[%swap3A_405], %swap3A_408 {strides = array<i32>} : memref<13312xf32, #tpu.memory_space<vmem>>, vector<16xf32>,
        %slice3A_409 = vector.extract_strided_slice %select_n3A {offsets = [7], sizes = [1], strides = [1]} : vector<16xf32> to vector<1xf32>
        %squeeze3A_410 = vector.extract %slice3A_409[0] : f32 from vector<1xf32>
        %broadcast_in_dim3A_411 = vector.broadcast %squeeze3A_410 : f32 to vector<16xf32>
        %add3A_412 = arith.constant 448 : i32
        %add3A_413 = arith.addi %mul3A_54, %add3A_412 : i32
        %add3A_414 = arith.constant 0 : i32
        %add3A_415 = arith.addi %add3A_413, %add3A_414 : i32
        %get3A_416 = arith.index_cast %add3A_415 : i32 to index
        %get3A_417 = tpu.vector_load %arg6[%get3A_416] {strides = array<i32>} : memref<13312xf32, #tpu.memory_space<vmem>>, vector<16xf32>,
        %get3A_418 = vector.shape_cast %get3A_417 : vector<16xf32> to vector<16xf32>
        %mul3A_419 = arith.mulf %broadcast_in_dim3A_411, %get3A_418 : vector<16xf32>
        %swap3A_420 = arith.index_cast %add3A_415 : i32 to index
        %swap3A_421 = tpu.vector_load %arg8[%swap3A_420] {strides = array<i32>} : memref<13312xf32, #tpu.memory_space<vmem>>, vector<16xf32>,
        %swap3A_422 = vector.shape_cast %swap3A_421 : vector<16xf32> to vector<16xf32>
        %swap3A_423 = vector.shape_cast %mul3A_419 : vector<16xf32> to vector<16xf32>
        tpu.vector_store %arg8[%swap3A_420], %swap3A_423 {strides = array<i32>} : memref<13312xf32, #tpu.memory_space<vmem>>, vector<16xf32>,
        %add3A_424 = arith.constant 448 : i32
        %add3A_425 = arith.addi %mul3A_54, %add3A_424 : i32
        %add3A_426 = arith.constant 16 : i32
        %add3A_427 = arith.addi %add3A_425, %add3A_426 : i32
        %get3A_428 = arith.index_cast %add3A_427 : i32 to index
        %get3A_429 = tpu.vector_load %arg6[%get3A_428] {strides = array<i32>} : memref<13312xf32, #tpu.memory_space<vmem>>, vector<16xf32>,
        %get3A_430 = vector.shape_cast %get3A_429 : vector<16xf32> to vector<16xf32>
        %mul3A_431 = arith.mulf %broadcast_in_dim3A_411, %get3A_430 : vector<16xf32>
        %swap3A_432 = arith.index_cast %add3A_427 : i32 to index
        %swap3A_433 = tpu.vector_load %arg8[%swap3A_432] {strides = array<i32>} : memref<13312xf32, #tpu.memory_space<vmem>>, vector<16xf32>,
        %swap3A_434 = vector.shape_cast %swap3A_433 : vector<16xf32> to vector<16xf32>
        %swap3A_435 = vector.shape_cast %mul3A_431 : vector<16xf32> to vector<16xf32>
        tpu.vector_store %arg8[%swap3A_432], %swap3A_435 {strides = array<i32>} : memref<13312xf32, #tpu.memory_space<vmem>>, vector<16xf32>,
        %add3A_436 = arith.constant 448 : i32
        %add3A_437 = arith.addi %mul3A_54, %add3A_436 : i32
        %add3A_438 = arith.constant 32 : i32
        %add3A_439 = arith.addi %add3A_437, %add3A_438 : i32
        %get3A_440 = arith.index_cast %add3A_439 : i32 to index
        %get3A_441 = tpu.vector_load %arg6[%get3A_440] {strides = array<i32>} : memref<13312xf32, #tpu.memory_space<vmem>>, vector<16xf32>,
        %get3A_442 = vector.shape_cast %get3A_441 : vector<16xf32> to vector<16xf32>
        %mul3A_443 = arith.mulf %broadcast_in_dim3A_411, %get3A_442 : vector<16xf32>
        %swap3A_444 = arith.index_cast %add3A_439 : i32 to index
        %swap3A_445 = tpu.vector_load %arg8[%swap3A_444] {strides = array<i32>} : memref<13312xf32, #tpu.memory_space<vmem>>, vector<16xf32>,
        %swap3A_446 = vector.shape_cast %swap3A_445 : vector<16xf32> to vector<16xf32>
        %swap3A_447 = vector.shape_cast %mul3A_443 : vector<16xf32> to vector<16xf32>
        tpu.vector_store %arg8[%swap3A_444], %swap3A_447 {strides = array<i32>} : memref<13312xf32, #tpu.memory_space<vmem>>, vector<16xf32>,
        %add3A_448 = arith.constant 448 : i32
        %add3A_449 = arith.addi %mul3A_54, %add3A_448 : i32
        %add3A_450 = arith.constant 48 : i32
        %add3A_451 = arith.addi %add3A_449, %add3A_450 : i32
        %get3A_452 = arith.index_cast %add3A_451 : i32 to index
        %get3A_453 = tpu.vector_load %arg6[%get3A_452] {strides = array<i32>} : memref<13312xf32, #tpu.memory_space<vmem>>, vector<16xf32>,
        %get3A_454 = vector.shape_cast %get3A_453 : vector<16xf32> to vector<16xf32>
        %mul3A_455 = arith.mulf %broadcast_in_dim3A_411, %get3A_454 : vector<16xf32>
        %swap3A_456 = arith.index_cast %add3A_451 : i32 to index
        %swap3A_457 = tpu.vector_load %arg8[%swap3A_456] {strides = array<i32>} : memref<13312xf32, #tpu.memory_space<vmem>>, vector<16xf32>,
        %swap3A_458 = vector.shape_cast %swap3A_457 : vector<16xf32> to vector<16xf32>
        %swap3A_459 = vector.shape_cast %mul3A_455 : vector<16xf32> to vector<16xf32>
        tpu.vector_store %arg8[%swap3A_456], %swap3A_459 {strides = array<i32>} : memref<13312xf32, #tpu.memory_space<vmem>>, vector<16xf32>,
        %slice3A_460 = vector.extract_strided_slice %select_n3A {offsets = [8], sizes = [1], strides = [1]} : vector<16xf32> to vector<1xf32>
        %squeeze3A_461 = vector.extract %slice3A_460[0] : f32 from vector<1xf32>
        %broadcast_in_dim3A_462 = vector.broadcast %squeeze3A_461 : f32 to vector<16xf32>
        %add3A_463 = arith.constant 512 : i32
        %add3A_464 = arith.addi %mul3A_54, %add3A_463 : i32
        %add3A_465 = arith.constant 0 : i32
        %add3A_466 = arith.addi %add3A_464, %add3A_465 : i32
        %get3A_467 = arith.index_cast %add3A_466 : i32 to index
        %get3A_468 = tpu.vector_load %arg6[%get3A_467] {strides = array<i32>} : memref<13312xf32, #tpu.memory_space<vmem>>, vector<16xf32>,
        %get3A_469 = vector.shape_cast %get3A_468 : vector<16xf32> to vector<16xf32>
        %mul3A_470 = arith.mulf %broadcast_in_dim3A_462, %get3A_469 : vector<16xf32>
        %swap3A_471 = arith.index_cast %add3A_466 : i32 to index
        %swap3A_472 = tpu.vector_load %arg8[%swap3A_471] {strides = array<i32>} : memref<13312xf32, #tpu.memory_space<vmem>>, vector<16xf32>,
        %swap3A_473 = vector.shape_cast %swap3A_472 : vector<16xf32> to vector<16xf32>
        %swap3A_474 = vector.shape_cast %mul3A_470 : vector<16xf32> to vector<16xf32>
        tpu.vector_store %arg8[%swap3A_471], %swap3A_474 {strides = array<i32>} : memref<13312xf32, #tpu.memory_space<vmem>>, vector<16xf32>,
        %add3A_475 = arith.constant 512 : i32
        %add3A_476 = arith.addi %mul3A_54, %add3A_475 : i32
        %add3A_477 = arith.constant 16 : i32
        %add3A_478 = arith.addi %add3A_476, %add3A_477 : i32
        %get3A_479 = arith.index_cast %add3A_478 : i32 to index
        %get3A_480 = tpu.vector_load %arg6[%get3A_479] {strides = array<i32>} : memref<13312xf32, #tpu.memory_space<vmem>>, vector<16xf32>,
        %get3A_481 = vector.shape_cast %get3A_480 : vector<16xf32> to vector<16xf32>
        %mul3A_482 = arith.mulf %broadcast_in_dim3A_462, %get3A_481 : vector<16xf32>
        %swap3A_483 = arith.index_cast %add3A_478 : i32 to index
        %swap3A_484 = tpu.vector_load %arg8[%swap3A_483] {strides = array<i32>} : memref<13312xf32, #tpu.memory_space<vmem>>, vector<16xf32>,
        %swap3A_485 = vector.shape_cast %swap3A_484 : vector<16xf32> to vector<16xf32>
        %swap3A_486 = vector.shape_cast %mul3A_482 : vector<16xf32> to vector<16xf32>
        tpu.vector_store %arg8[%swap3A_483], %swap3A_486 {strides = array<i32>} : memref<13312xf32, #tpu.memory_space<vmem>>, vector<16xf32>,
        %add3A_487 = arith.constant 512 : i32
        %add3A_488 = arith.addi %mul3A_54, %add3A_487 : i32
        %add3A_489 = arith.constant 32 : i32
        %add3A_490 = arith.addi %add3A_488, %add3A_489 : i32
        %get3A_491 = arith.index_cast %add3A_490 : i32 to index
        %get3A_492 = tpu.vector_load %arg6[%get3A_491] {strides = array<i32>} : memref<13312xf32, #tpu.memory_space<vmem>>, vector<16xf32>,
        %get3A_493 = vector.shape_cast %get3A_492 : vector<16xf32> to vector<16xf32>
        %mul3A_494 = arith.mulf %broadcast_in_dim3A_462, %get3A_493 : vector<16xf32>
        %swap3A_495 = arith.index_cast %add3A_490 : i32 to index
        %swap3A_496 = tpu.vector_load %arg8[%swap3A_495] {strides = array<i32>} : memref<13312xf32, #tpu.memory_space<vmem>>, vector<16xf32>,
        %swap3A_497 = vector.shape_cast %swap3A_496 : vector<16xf32> to vector<16xf32>
        %swap3A_498 = vector.shape_cast %mul3A_494 : vector<16xf32> to vector<16xf32>
        tpu.vector_store %arg8[%swap3A_495], %swap3A_498 {strides = array<i32>} : memref<13312xf32, #tpu.memory_space<vmem>>, vector<16xf32>,
        %add3A_499 = arith.constant 512 : i32
        %add3A_500 = arith.addi %mul3A_54, %add3A_499 : i32
        %add3A_501 = arith.constant 48 : i32
        %add3A_502 = arith.addi %add3A_500, %add3A_501 : i32
        %get3A_503 = arith.index_cast %add3A_502 : i32 to index
        %get3A_504 = tpu.vector_load %arg6[%get3A_503] {strides = array<i32>} : memref<13312xf32, #tpu.memory_space<vmem>>, vector<16xf32>,
        %get3A_505 = vector.shape_cast %get3A_504 : vector<16xf32> to vector<16xf32>
        %mul3A_506 = arith.mulf %broadcast_in_dim3A_462, %get3A_505 : vector<16xf32>
        %swap3A_507 = arith.index_cast %add3A_502 : i32 to index
        %swap3A_508 = tpu.vector_load %arg8[%swap3A_507] {strides = array<i32>} : memref<13312xf32, #tpu.memory_space<vmem>>, vector<16xf32>,
        %swap3A_509 = vector.shape_cast %swap3A_508 : vector<16xf32> to vector<16xf32>
        %swap3A_510 = vector.shape_cast %mul3A_506 : vector<16xf32> to vector<16xf32>
        tpu.vector_store %arg8[%swap3A_507], %swap3A_510 {strides = array<i32>} : memref<13312xf32, #tpu.memory_space<vmem>>, vector<16xf32>,
        %slice3A_511 = vector.extract_strided_slice %select_n3A {offsets = [9], sizes = [1], strides = [1]} : vector<16xf32> to vector<1xf32>
        %squeeze3A_512 = vector.extract %slice3A_511[0] : f32 from vector<1xf32>
        %broadcast_in_dim3A_513 = vector.broadcast %squeeze3A_512 : f32 to vector<16xf32>
        %add3A_514 = arith.constant 576 : i32
        %add3A_515 = arith.addi %mul3A_54, %add3A_514 : i32
        %add3A_516 = arith.constant 0 : i32
        %add3A_517 = arith.addi %add3A_515, %add3A_516 : i32
        %get3A_518 = arith.index_cast %add3A_517 : i32 to index
        %get3A_519 = tpu.vector_load %arg6[%get3A_518] {strides = array<i32>} : memref<13312xf32, #tpu.memory_space<vmem>>, vector<16xf32>,
        %get3A_520 = vector.shape_cast %get3A_519 : vector<16xf32> to vector<16xf32>
        %mul3A_521 = arith.mulf %broadcast_in_dim3A_513, %get3A_520 : vector<16xf32>
        %swap3A_522 = arith.index_cast %add3A_517 : i32 to index
        %swap3A_523 = tpu.vector_load %arg8[%swap3A_522] {strides = array<i32>} : memref<13312xf32, #tpu.memory_space<vmem>>, vector<16xf32>,
        %swap3A_524 = vector.shape_cast %swap3A_523 : vector<16xf32> to vector<16xf32>
        %swap3A_525 = vector.shape_cast %mul3A_521 : vector<16xf32> to vector<16xf32>
        tpu.vector_store %arg8[%swap3A_522], %swap3A_525 {strides = array<i32>} : memref<13312xf32, #tpu.memory_space<vmem>>, vector<16xf32>,
        %add3A_526 = arith.constant 576 : i32
        %add3A_527 = arith.addi %mul3A_54, %add3A_526 : i32
        %add3A_528 = arith.constant 16 : i32
        %add3A_529 = arith.addi %add3A_527, %add3A_528 : i32
        %get3A_530 = arith.index_cast %add3A_529 : i32 to index
        %get3A_531 = tpu.vector_load %arg6[%get3A_530] {strides = array<i32>} : memref<13312xf32, #tpu.memory_space<vmem>>, vector<16xf32>,
        %get3A_532 = vector.shape_cast %get3A_531 : vector<16xf32> to vector<16xf32>
        %mul3A_533 = arith.mulf %broadcast_in_dim3A_513, %get3A_532 : vector<16xf32>
        %swap3A_534 = arith.index_cast %add3A_529 : i32 to index
        %swap3A_535 = tpu.vector_load %arg8[%swap3A_534] {strides = array<i32>} : memref<13312xf32, #tpu.memory_space<vmem>>, vector<16xf32>,
        %swap3A_536 = vector.shape_cast %swap3A_535 : vector<16xf32> to vector<16xf32>
        %swap3A_537 = vector.shape_cast %mul3A_533 : vector<16xf32> to vector<16xf32>
        tpu.vector_store %arg8[%swap3A_534], %swap3A_537 {strides = array<i32>} : memref<13312xf32, #tpu.memory_space<vmem>>, vector<16xf32>,
        %add3A_538 = arith.constant 576 : i32
        %add3A_539 = arith.addi %mul3A_54, %add3A_538 : i32
        %add3A_540 = arith.constant 32 : i32
        %add3A_541 = arith.addi %add3A_539, %add3A_540 : i32
        %get3A_542 = arith.index_cast %add3A_541 : i32 to index
        %get3A_543 = tpu.vector_load %arg6[%get3A_542] {strides = array<i32>} : memref<13312xf32, #tpu.memory_space<vmem>>, vector<16xf32>,
        %get3A_544 = vector.shape_cast %get3A_543 : vector<16xf32> to vector<16xf32>
        %mul3A_545 = arith.mulf %broadcast_in_dim3A_513, %get3A_544 : vector<16xf32>
        %swap3A_546 = arith.index_cast %add3A_541 : i32 to index
        %swap3A_547 = tpu.vector_load %arg8[%swap3A_546] {strides = array<i32>} : memref<13312xf32, #tpu.memory_space<vmem>>, vector<16xf32>,
        %swap3A_548 = vector.shape_cast %swap3A_547 : vector<16xf32> to vector<16xf32>
        %swap3A_549 = vector.shape_cast %mul3A_545 : vector<16xf32> to vector<16xf32>
        tpu.vector_store %arg8[%swap3A_546], %swap3A_549 {strides = array<i32>} : memref<13312xf32, #tpu.memory_space<vmem>>, vector<16xf32>,
        %add3A_550 = arith.constant 576 : i32
        %add3A_551 = arith.addi %mul3A_54, %add3A_550 : i32
        %add3A_552 = arith.constant 48 : i32
        %add3A_553 = arith.addi %add3A_551, %add3A_552 : i32
        %get3A_554 = arith.index_cast %add3A_553 : i32 to index
        %get3A_555 = tpu.vector_load %arg6[%get3A_554] {strides = array<i32>} : memref<13312xf32, #tpu.memory_space<vmem>>, vector<16xf32>,
        %get3A_556 = vector.shape_cast %get3A_555 : vector<16xf32> to vector<16xf32>
        %mul3A_557 = arith.mulf %broadcast_in_dim3A_513, %get3A_556 : vector<16xf32>
        %swap3A_558 = arith.index_cast %add3A_553 : i32 to index
        %swap3A_559 = tpu.vector_load %arg8[%swap3A_558] {strides = array<i32>} : memref<13312xf32, #tpu.memory_space<vmem>>, vector<16xf32>,
        %swap3A_560 = vector.shape_cast %swap3A_559 : vector<16xf32> to vector<16xf32>
        %swap3A_561 = vector.shape_cast %mul3A_557 : vector<16xf32> to vector<16xf32>
        tpu.vector_store %arg8[%swap3A_558], %swap3A_561 {strides = array<i32>} : memref<13312xf32, #tpu.memory_space<vmem>>, vector<16xf32>,
        %slice3A_562 = vector.extract_strided_slice %select_n3A {offsets = [10], sizes = [1], strides = [1]} : vector<16xf32> to vector<1xf32>
        %squeeze3A_563 = vector.extract %slice3A_562[0] : f32 from vector<1xf32>
        %broadcast_in_dim3A_564 = vector.broadcast %squeeze3A_563 : f32 to vector<16xf32>
        %add3A_565 = arith.constant 640 : i32
        %add3A_566 = arith.addi %mul3A_54, %add3A_565 : i32
        %add3A_567 = arith.constant 0 : i32
        %add3A_568 = arith.addi %add3A_566, %add3A_567 : i32
        %get3A_569 = arith.index_cast %add3A_568 : i32 to index
        %get3A_570 = tpu.vector_load %arg6[%get3A_569] {strides = array<i32>} : memref<13312xf32, #tpu.memory_space<vmem>>, vector<16xf32>,
        %get3A_571 = vector.shape_cast %get3A_570 : vector<16xf32> to vector<16xf32>
        %mul3A_572 = arith.mulf %broadcast_in_dim3A_564, %get3A_571 : vector<16xf32>
        %swap3A_573 = arith.index_cast %add3A_568 : i32 to index
        %swap3A_574 = tpu.vector_load %arg8[%swap3A_573] {strides = array<i32>} : memref<13312xf32, #tpu.memory_space<vmem>>, vector<16xf32>,
        %swap3A_575 = vector.shape_cast %swap3A_574 : vector<16xf32> to vector<16xf32>
        %swap3A_576 = vector.shape_cast %mul3A_572 : vector<16xf32> to vector<16xf32>
        tpu.vector_store %arg8[%swap3A_573], %swap3A_576 {strides = array<i32>} : memref<13312xf32, #tpu.memory_space<vmem>>, vector<16xf32>,
        %add3A_577 = arith.constant 640 : i32
        %add3A_578 = arith.addi %mul3A_54, %add3A_577 : i32
        %add3A_579 = arith.constant 16 : i32
        %add3A_580 = arith.addi %add3A_578, %add3A_579 : i32
        %get3A_581 = arith.index_cast %add3A_580 : i32 to index
        %get3A_582 = tpu.vector_load %arg6[%get3A_581] {strides = array<i32>} : memref<13312xf32, #tpu.memory_space<vmem>>, vector<16xf32>,
        %get3A_583 = vector.shape_cast %get3A_582 : vector<16xf32> to vector<16xf32>
        %mul3A_584 = arith.mulf %broadcast_in_dim3A_564, %get3A_583 : vector<16xf32>
        %swap3A_585 = arith.index_cast %add3A_580 : i32 to index
        %swap3A_586 = tpu.vector_load %arg8[%swap3A_585] {strides = array<i32>} : memref<13312xf32, #tpu.memory_space<vmem>>, vector<16xf32>,
        %swap3A_587 = vector.shape_cast %swap3A_586 : vector<16xf32> to vector<16xf32>
        %swap3A_588 = vector.shape_cast %mul3A_584 : vector<16xf32> to vector<16xf32>
        tpu.vector_store %arg8[%swap3A_585], %swap3A_588 {strides = array<i32>} : memref<13312xf32, #tpu.memory_space<vmem>>, vector<16xf32>,
        %add3A_589 = arith.constant 640 : i32
        %add3A_590 = arith.addi %mul3A_54, %add3A_589 : i32
        %add3A_591 = arith.constant 32 : i32
        %add3A_592 = arith.addi %add3A_590, %add3A_591 : i32
        %get3A_593 = arith.index_cast %add3A_592 : i32 to index
        %get3A_594 = tpu.vector_load %arg6[%get3A_593] {strides = array<i32>} : memref<13312xf32, #tpu.memory_space<vmem>>, vector<16xf32>,
        %get3A_595 = vector.shape_cast %get3A_594 : vector<16xf32> to vector<16xf32>
        %mul3A_596 = arith.mulf %broadcast_in_dim3A_564, %get3A_595 : vector<16xf32>
        %swap3A_597 = arith.index_cast %add3A_592 : i32 to index
        %swap3A_598 = tpu.vector_load %arg8[%swap3A_597] {strides = array<i32>} : memref<13312xf32, #tpu.memory_space<vmem>>, vector<16xf32>,
        %swap3A_599 = vector.shape_cast %swap3A_598 : vector<16xf32> to vector<16xf32>
        %swap3A_600 = vector.shape_cast %mul3A_596 : vector<16xf32> to vector<16xf32>
        tpu.vector_store %arg8[%swap3A_597], %swap3A_600 {strides = array<i32>} : memref<13312xf32, #tpu.memory_space<vmem>>, vector<16xf32>,
        %add3A_601 = arith.constant 640 : i32
        %add3A_602 = arith.addi %mul3A_54, %add3A_601 : i32
        %add3A_603 = arith.constant 48 : i32
        %add3A_604 = arith.addi %add3A_602, %add3A_603 : i32
        %get3A_605 = arith.index_cast %add3A_604 : i32 to index
        %get3A_606 = tpu.vector_load %arg6[%get3A_605] {strides = array<i32>} : memref<13312xf32, #tpu.memory_space<vmem>>, vector<16xf32>,
        %get3A_607 = vector.shape_cast %get3A_606 : vector<16xf32> to vector<16xf32>
        %mul3A_608 = arith.mulf %broadcast_in_dim3A_564, %get3A_607 : vector<16xf32>
        %swap3A_609 = arith.index_cast %add3A_604 : i32 to index
        %swap3A_610 = tpu.vector_load %arg8[%swap3A_609] {strides = array<i32>} : memref<13312xf32, #tpu.memory_space<vmem>>, vector<16xf32>,
        %swap3A_611 = vector.shape_cast %swap3A_610 : vector<16xf32> to vector<16xf32>
        %swap3A_612 = vector.shape_cast %mul3A_608 : vector<16xf32> to vector<16xf32>
        tpu.vector_store %arg8[%swap3A_609], %swap3A_612 {strides = array<i32>} : memref<13312xf32, #tpu.memory_space<vmem>>, vector<16xf32>,
        %slice3A_613 = vector.extract_strided_slice %select_n3A {offsets = [11], sizes = [1], strides = [1]} : vector<16xf32> to vector<1xf32>
        %squeeze3A_614 = vector.extract %slice3A_613[0] : f32 from vector<1xf32>
        %broadcast_in_dim3A_615 = vector.broadcast %squeeze3A_614 : f32 to vector<16xf32>
        %add3A_616 = arith.constant 704 : i32
        %add3A_617 = arith.addi %mul3A_54, %add3A_616 : i32
        %add3A_618 = arith.constant 0 : i32
        %add3A_619 = arith.addi %add3A_617, %add3A_618 : i32
        %get3A_620 = arith.index_cast %add3A_619 : i32 to index
        %get3A_621 = tpu.vector_load %arg6[%get3A_620] {strides = array<i32>} : memref<13312xf32, #tpu.memory_space<vmem>>, vector<16xf32>,
        %get3A_622 = vector.shape_cast %get3A_621 : vector<16xf32> to vector<16xf32>
        %mul3A_623 = arith.mulf %broadcast_in_dim3A_615, %get3A_622 : vector<16xf32>
        %swap3A_624 = arith.index_cast %add3A_619 : i32 to index
        %swap3A_625 = tpu.vector_load %arg8[%swap3A_624] {strides = array<i32>} : memref<13312xf32, #tpu.memory_space<vmem>>, vector<16xf32>,
        %swap3A_626 = vector.shape_cast %swap3A_625 : vector<16xf32> to vector<16xf32>
        %swap3A_627 = vector.shape_cast %mul3A_623 : vector<16xf32> to vector<16xf32>
        tpu.vector_store %arg8[%swap3A_624], %swap3A_627 {strides = array<i32>} : memref<13312xf32, #tpu.memory_space<vmem>>, vector<16xf32>,
        %add3A_628 = arith.constant 704 : i32
        %add3A_629 = arith.addi %mul3A_54, %add3A_628 : i32
        %add3A_630 = arith.constant 16 : i32
        %add3A_631 = arith.addi %add3A_629, %add3A_630 : i32
        %get3A_632 = arith.index_cast %add3A_631 : i32 to index
        %get3A_633 = tpu.vector_load %arg6[%get3A_632] {strides = array<i32>} : memref<13312xf32, #tpu.memory_space<vmem>>, vector<16xf32>,
        %get3A_634 = vector.shape_cast %get3A_633 : vector<16xf32> to vector<16xf32>
        %mul3A_635 = arith.mulf %broadcast_in_dim3A_615, %get3A_634 : vector<16xf32>
        %swap3A_636 = arith.index_cast %add3A_631 : i32 to index
        %swap3A_637 = tpu.vector_load %arg8[%swap3A_636] {strides = array<i32>} : memref<13312xf32, #tpu.memory_space<vmem>>, vector<16xf32>,
        %swap3A_638 = vector.shape_cast %swap3A_637 : vector<16xf32> to vector<16xf32>
        %swap3A_639 = vector.shape_cast %mul3A_635 : vector<16xf32> to vector<16xf32>
        tpu.vector_store %arg8[%swap3A_636], %swap3A_639 {strides = array<i32>} : memref<13312xf32, #tpu.memory_space<vmem>>, vector<16xf32>,
        %add3A_640 = arith.constant 704 : i32
        %add3A_641 = arith.addi %mul3A_54, %add3A_640 : i32
        %add3A_642 = arith.constant 32 : i32
        %add3A_643 = arith.addi %add3A_641, %add3A_642 : i32
        %get3A_644 = arith.index_cast %add3A_643 : i32 to index
        %get3A_645 = tpu.vector_load %arg6[%get3A_644] {strides = array<i32>} : memref<13312xf32, #tpu.memory_space<vmem>>, vector<16xf32>,
        %get3A_646 = vector.shape_cast %get3A_645 : vector<16xf32> to vector<16xf32>
        %mul3A_647 = arith.mulf %broadcast_in_dim3A_615, %get3A_646 : vector<16xf32>
        %swap3A_648 = arith.index_cast %add3A_643 : i32 to index
        %swap3A_649 = tpu.vector_load %arg8[%swap3A_648] {strides = array<i32>} : memref<13312xf32, #tpu.memory_space<vmem>>, vector<16xf32>,
        %swap3A_650 = vector.shape_cast %swap3A_649 : vector<16xf32> to vector<16xf32>
        %swap3A_651 = vector.shape_cast %mul3A_647 : vector<16xf32> to vector<16xf32>
        tpu.vector_store %arg8[%swap3A_648], %swap3A_651 {strides = array<i32>} : memref<13312xf32, #tpu.memory_space<vmem>>, vector<16xf32>,
        %add3A_652 = arith.constant 704 : i32
        %add3A_653 = arith.addi %mul3A_54, %add3A_652 : i32
        %add3A_654 = arith.constant 48 : i32
        %add3A_655 = arith.addi %add3A_653, %add3A_654 : i32
        %get3A_656 = arith.index_cast %add3A_655 : i32 to index
        %get3A_657 = tpu.vector_load %arg6[%get3A_656] {strides = array<i32>} : memref<13312xf32, #tpu.memory_space<vmem>>, vector<16xf32>,
        %get3A_658 = vector.shape_cast %get3A_657 : vector<16xf32> to vector<16xf32>
        %mul3A_659 = arith.mulf %broadcast_in_dim3A_615, %get3A_658 : vector<16xf32>
        %swap3A_660 = arith.index_cast %add3A_655 : i32 to index
        %swap3A_661 = tpu.vector_load %arg8[%swap3A_660] {strides = array<i32>} : memref<13312xf32, #tpu.memory_space<vmem>>, vector<16xf32>,
        %swap3A_662 = vector.shape_cast %swap3A_661 : vector<16xf32> to vector<16xf32>
        %swap3A_663 = vector.shape_cast %mul3A_659 : vector<16xf32> to vector<16xf32>
        tpu.vector_store %arg8[%swap3A_660], %swap3A_663 {strides = array<i32>} : memref<13312xf32, #tpu.memory_space<vmem>>, vector<16xf32>,
        %slice3A_664 = vector.extract_strided_slice %select_n3A {offsets = [12], sizes = [1], strides = [1]} : vector<16xf32> to vector<1xf32>
        %squeeze3A_665 = vector.extract %slice3A_664[0] : f32 from vector<1xf32>
        %broadcast_in_dim3A_666 = vector.broadcast %squeeze3A_665 : f32 to vector<16xf32>
        %add3A_667 = arith.constant 768 : i32
        %add3A_668 = arith.addi %mul3A_54, %add3A_667 : i32
        %add3A_669 = arith.constant 0 : i32
        %add3A_670 = arith.addi %add3A_668, %add3A_669 : i32
        %get3A_671 = arith.index_cast %add3A_670 : i32 to index
        %get3A_672 = tpu.vector_load %arg6[%get3A_671] {strides = array<i32>} : memref<13312xf32, #tpu.memory_space<vmem>>, vector<16xf32>,
        %get3A_673 = vector.shape_cast %get3A_672 : vector<16xf32> to vector<16xf32>
        %mul3A_674 = arith.mulf %broadcast_in_dim3A_666, %get3A_673 : vector<16xf32>
        %swap3A_675 = arith.index_cast %add3A_670 : i32 to index
        %swap3A_676 = tpu.vector_load %arg8[%swap3A_675] {strides = array<i32>} : memref<13312xf32, #tpu.memory_space<vmem>>, vector<16xf32>,
        %swap3A_677 = vector.shape_cast %swap3A_676 : vector<16xf32> to vector<16xf32>
        %swap3A_678 = vector.shape_cast %mul3A_674 : vector<16xf32> to vector<16xf32>
        tpu.vector_store %arg8[%swap3A_675], %swap3A_678 {strides = array<i32>} : memref<13312xf32, #tpu.memory_space<vmem>>, vector<16xf32>,
        %add3A_679 = arith.constant 768 : i32
        %add3A_680 = arith.addi %mul3A_54, %add3A_679 : i32
        %add3A_681 = arith.constant 16 : i32
        %add3A_682 = arith.addi %add3A_680, %add3A_681 : i32
        %get3A_683 = arith.index_cast %add3A_682 : i32 to index
        %get3A_684 = tpu.vector_load %arg6[%get3A_683] {strides = array<i32>} : memref<13312xf32, #tpu.memory_space<vmem>>, vector<16xf32>,
        %get3A_685 = vector.shape_cast %get3A_684 : vector<16xf32> to vector<16xf32>
        %mul3A_686 = arith.mulf %broadcast_in_dim3A_666, %get3A_685 : vector<16xf32>
        %swap3A_687 = arith.index_cast %add3A_682 : i32 to index
        %swap3A_688 = tpu.vector_load %arg8[%swap3A_687] {strides = array<i32>} : memref<13312xf32, #tpu.memory_space<vmem>>, vector<16xf32>,
        %swap3A_689 = vector.shape_cast %swap3A_688 : vector<16xf32> to vector<16xf32>
        %swap3A_690 = vector.shape_cast %mul3A_686 : vector<16xf32> to vector<16xf32>
        tpu.vector_store %arg8[%swap3A_687], %swap3A_690 {strides = array<i32>} : memref<13312xf32, #tpu.memory_space<vmem>>, vector<16xf32>,
        %add3A_691 = arith.constant 768 : i32
        %add3A_692 = arith.addi %mul3A_54, %add3A_691 : i32
        %add3A_693 = arith.constant 32 : i32
        %add3A_694 = arith.addi %add3A_692, %add3A_693 : i32
        %get3A_695 = arith.index_cast %add3A_694 : i32 to index
        %get3A_696 = tpu.vector_load %arg6[%get3A_695] {strides = array<i32>} : memref<13312xf32, #tpu.memory_space<vmem>>, vector<16xf32>,
        %get3A_697 = vector.shape_cast %get3A_696 : vector<16xf32> to vector<16xf32>
        %mul3A_698 = arith.mulf %broadcast_in_dim3A_666, %get3A_697 : vector<16xf32>
        %swap3A_699 = arith.index_cast %add3A_694 : i32 to index
        %swap3A_700 = tpu.vector_load %arg8[%swap3A_699] {strides = array<i32>} : memref<13312xf32, #tpu.memory_space<vmem>>, vector<16xf32>,
        %swap3A_701 = vector.shape_cast %swap3A_700 : vector<16xf32> to vector<16xf32>
        %swap3A_702 = vector.shape_cast %mul3A_698 : vector<16xf32> to vector<16xf32>
        tpu.vector_store %arg8[%swap3A_699], %swap3A_702 {strides = array<i32>} : memref<13312xf32, #tpu.memory_space<vmem>>, vector<16xf32>,
        %add3A_703 = arith.constant 768 : i32
        %add3A_704 = arith.addi %mul3A_54, %add3A_703 : i32
        %add3A_705 = arith.constant 48 : i32
        %add3A_706 = arith.addi %add3A_704, %add3A_705 : i32
        %get3A_707 = arith.index_cast %add3A_706 : i32 to index
        %get3A_708 = tpu.vector_load %arg6[%get3A_707] {strides = array<i32>} : memref<13312xf32, #tpu.memory_space<vmem>>, vector<16xf32>,
        %get3A_709 = vector.shape_cast %get3A_708 : vector<16xf32> to vector<16xf32>
        %mul3A_710 = arith.mulf %broadcast_in_dim3A_666, %get3A_709 : vector<16xf32>
        %swap3A_711 = arith.index_cast %add3A_706 : i32 to index
        %swap3A_712 = tpu.vector_load %arg8[%swap3A_711] {strides = array<i32>} : memref<13312xf32, #tpu.memory_space<vmem>>, vector<16xf32>,
        %swap3A_713 = vector.shape_cast %swap3A_712 : vector<16xf32> to vector<16xf32>
        %swap3A_714 = vector.shape_cast %mul3A_710 : vector<16xf32> to vector<16xf32>
        tpu.vector_store %arg8[%swap3A_711], %swap3A_714 {strides = array<i32>} : memref<13312xf32, #tpu.memory_space<vmem>>, vector<16xf32>,
        %slice3A_715 = vector.extract_strided_slice %select_n3A {offsets = [13], sizes = [1], strides = [1]} : vector<16xf32> to vector<1xf32>
        %squeeze3A_716 = vector.extract %slice3A_715[0] : f32 from vector<1xf32>
        %broadcast_in_dim3A_717 = vector.broadcast %squeeze3A_716 : f32 to vector<16xf32>
        %add3A_718 = arith.constant 832 : i32
        %add3A_719 = arith.addi %mul3A_54, %add3A_718 : i32
        %add3A_720 = arith.constant 0 : i32
        %add3A_721 = arith.addi %add3A_719, %add3A_720 : i32
        %get3A_722 = arith.index_cast %add3A_721 : i32 to index
        %get3A_723 = tpu.vector_load %arg6[%get3A_722] {strides = array<i32>} : memref<13312xf32, #tpu.memory_space<vmem>>, vector<16xf32>,
        %get3A_724 = vector.shape_cast %get3A_723 : vector<16xf32> to vector<16xf32>
        %mul3A_725 = arith.mulf %broadcast_in_dim3A_717, %get3A_724 : vector<16xf32>
        %swap3A_726 = arith.index_cast %add3A_721 : i32 to index
        %swap3A_727 = tpu.vector_load %arg8[%swap3A_726] {strides = array<i32>} : memref<13312xf32, #tpu.memory_space<vmem>>, vector<16xf32>,
        %swap3A_728 = vector.shape_cast %swap3A_727 : vector<16xf32> to vector<16xf32>
        %swap3A_729 = vector.shape_cast %mul3A_725 : vector<16xf32> to vector<16xf32>
        tpu.vector_store %arg8[%swap3A_726], %swap3A_729 {strides = array<i32>} : memref<13312xf32, #tpu.memory_space<vmem>>, vector<16xf32>,
        %add3A_730 = arith.constant 832 : i32
        %add3A_731 = arith.addi %mul3A_54, %add3A_730 : i32
        %add3A_732 = arith.constant 16 : i32
        %add3A_733 = arith.addi %add3A_731, %add3A_732 : i32
        %get3A_734 = arith.index_cast %add3A_733 : i32 to index
        %get3A_735 = tpu.vector_load %arg6[%get3A_734] {strides = array<i32>} : memref<13312xf32, #tpu.memory_space<vmem>>, vector<16xf32>,
        %get3A_736 = vector.shape_cast %get3A_735 : vector<16xf32> to vector<16xf32>
        %mul3A_737 = arith.mulf %broadcast_in_dim3A_717, %get3A_736 : vector<16xf32>
        %swap3A_738 = arith.index_cast %add3A_733 : i32 to index
        %swap3A_739 = tpu.vector_load %arg8[%swap3A_738] {strides = array<i32>} : memref<13312xf32, #tpu.memory_space<vmem>>, vector<16xf32>,
        %swap3A_740 = vector.shape_cast %swap3A_739 : vector<16xf32> to vector<16xf32>
        %swap3A_741 = vector.shape_cast %mul3A_737 : vector<16xf32> to vector<16xf32>
        tpu.vector_store %arg8[%swap3A_738], %swap3A_741 {strides = array<i32>} : memref<13312xf32, #tpu.memory_space<vmem>>, vector<16xf32>,
        %add3A_742 = arith.constant 832 : i32
        %add3A_743 = arith.addi %mul3A_54, %add3A_742 : i32
        %add3A_744 = arith.constant 32 : i32
        %add3A_745 = arith.addi %add3A_743, %add3A_744 : i32
        %get3A_746 = arith.index_cast %add3A_745 : i32 to index
        %get3A_747 = tpu.vector_load %arg6[%get3A_746] {strides = array<i32>} : memref<13312xf32, #tpu.memory_space<vmem>>, vector<16xf32>,
        %get3A_748 = vector.shape_cast %get3A_747 : vector<16xf32> to vector<16xf32>
        %mul3A_749 = arith.mulf %broadcast_in_dim3A_717, %get3A_748 : vector<16xf32>
        %swap3A_750 = arith.index_cast %add3A_745 : i32 to index
        %swap3A_751 = tpu.vector_load %arg8[%swap3A_750] {strides = array<i32>} : memref<13312xf32, #tpu.memory_space<vmem>>, vector<16xf32>,
        %swap3A_752 = vector.shape_cast %swap3A_751 : vector<16xf32> to vector<16xf32>
        %swap3A_753 = vector.shape_cast %mul3A_749 : vector<16xf32> to vector<16xf32>
        tpu.vector_store %arg8[%swap3A_750], %swap3A_753 {strides = array<i32>} : memref<13312xf32, #tpu.memory_space<vmem>>, vector<16xf32>,
        %add3A_754 = arith.constant 832 : i32
        %add3A_755 = arith.addi %mul3A_54, %add3A_754 : i32
        %add3A_756 = arith.constant 48 : i32
        %add3A_757 = arith.addi %add3A_755, %add3A_756 : i32
        %get3A_758 = arith.index_cast %add3A_757 : i32 to index
        %get3A_759 = tpu.vector_load %arg6[%get3A_758] {strides = array<i32>} : memref<13312xf32, #tpu.memory_space<vmem>>, vector<16xf32>,
        %get3A_760 = vector.shape_cast %get3A_759 : vector<16xf32> to vector<16xf32>
        %mul3A_761 = arith.mulf %broadcast_in_dim3A_717, %get3A_760 : vector<16xf32>
        %swap3A_762 = arith.index_cast %add3A_757 : i32 to index
        %swap3A_763 = tpu.vector_load %arg8[%swap3A_762] {strides = array<i32>} : memref<13312xf32, #tpu.memory_space<vmem>>, vector<16xf32>,
        %swap3A_764 = vector.shape_cast %swap3A_763 : vector<16xf32> to vector<16xf32>
        %swap3A_765 = vector.shape_cast %mul3A_761 : vector<16xf32> to vector<16xf32>
        tpu.vector_store %arg8[%swap3A_762], %swap3A_765 {strides = array<i32>} : memref<13312xf32, #tpu.memory_space<vmem>>, vector<16xf32>,
        %slice3A_766 = vector.extract_strided_slice %select_n3A {offsets = [14], sizes = [1], strides = [1]} : vector<16xf32> to vector<1xf32>
        %squeeze3A_767 = vector.extract %slice3A_766[0] : f32 from vector<1xf32>
        %broadcast_in_dim3A_768 = vector.broadcast %squeeze3A_767 : f32 to vector<16xf32>
        %add3A_769 = arith.constant 896 : i32
        %add3A_770 = arith.addi %mul3A_54, %add3A_769 : i32
        %add3A_771 = arith.constant 0 : i32
        %add3A_772 = arith.addi %add3A_770, %add3A_771 : i32
        %get3A_773 = arith.index_cast %add3A_772 : i32 to index
        %get3A_774 = tpu.vector_load %arg6[%get3A_773] {strides = array<i32>} : memref<13312xf32, #tpu.memory_space<vmem>>, vector<16xf32>,
        %get3A_775 = vector.shape_cast %get3A_774 : vector<16xf32> to vector<16xf32>
        %mul3A_776 = arith.mulf %broadcast_in_dim3A_768, %get3A_775 : vector<16xf32>
        %swap3A_777 = arith.index_cast %add3A_772 : i32 to index
        %swap3A_778 = tpu.vector_load %arg8[%swap3A_777] {strides = array<i32>} : memref<13312xf32, #tpu.memory_space<vmem>>, vector<16xf32>,
        %swap3A_779 = vector.shape_cast %swap3A_778 : vector<16xf32> to vector<16xf32>
        %swap3A_780 = vector.shape_cast %mul3A_776 : vector<16xf32> to vector<16xf32>
        tpu.vector_store %arg8[%swap3A_777], %swap3A_780 {strides = array<i32>} : memref<13312xf32, #tpu.memory_space<vmem>>, vector<16xf32>,
        %add3A_781 = arith.constant 896 : i32
        %add3A_782 = arith.addi %mul3A_54, %add3A_781 : i32
        %add3A_783 = arith.constant 16 : i32
        %add3A_784 = arith.addi %add3A_782, %add3A_783 : i32
        %get3A_785 = arith.index_cast %add3A_784 : i32 to index
        %get3A_786 = tpu.vector_load %arg6[%get3A_785] {strides = array<i32>} : memref<13312xf32, #tpu.memory_space<vmem>>, vector<16xf32>,
        %get3A_787 = vector.shape_cast %get3A_786 : vector<16xf32> to vector<16xf32>
        %mul3A_788 = arith.mulf %broadcast_in_dim3A_768, %get3A_787 : vector<16xf32>
        %swap3A_789 = arith.index_cast %add3A_784 : i32 to index
        %swap3A_790 = tpu.vector_load %arg8[%swap3A_789] {strides = array<i32>} : memref<13312xf32, #tpu.memory_space<vmem>>, vector<16xf32>,
        %swap3A_791 = vector.shape_cast %swap3A_790 : vector<16xf32> to vector<16xf32>
        %swap3A_792 = vector.shape_cast %mul3A_788 : vector<16xf32> to vector<16xf32>
        tpu.vector_store %arg8[%swap3A_789], %swap3A_792 {strides = array<i32>} : memref<13312xf32, #tpu.memory_space<vmem>>, vector<16xf32>,
        %add3A_793 = arith.constant 896 : i32
        %add3A_794 = arith.addi %mul3A_54, %add3A_793 : i32
        %add3A_795 = arith.constant 32 : i32
        %add3A_796 = arith.addi %add3A_794, %add3A_795 : i32
        %get3A_797 = arith.index_cast %add3A_796 : i32 to index
        %get3A_798 = tpu.vector_load %arg6[%get3A_797] {strides = array<i32>} : memref<13312xf32, #tpu.memory_space<vmem>>, vector<16xf32>,
        %get3A_799 = vector.shape_cast %get3A_798 : vector<16xf32> to vector<16xf32>
        %mul3A_800 = arith.mulf %broadcast_in_dim3A_768, %get3A_799 : vector<16xf32>
        %swap3A_801 = arith.index_cast %add3A_796 : i32 to index
        %swap3A_802 = tpu.vector_load %arg8[%swap3A_801] {strides = array<i32>} : memref<13312xf32, #tpu.memory_space<vmem>>, vector<16xf32>,
        %swap3A_803 = vector.shape_cast %swap3A_802 : vector<16xf32> to vector<16xf32>
        %swap3A_804 = vector.shape_cast %mul3A_800 : vector<16xf32> to vector<16xf32>
        tpu.vector_store %arg8[%swap3A_801], %swap3A_804 {strides = array<i32>} : memref<13312xf32, #tpu.memory_space<vmem>>, vector<16xf32>,
        %add3A_805 = arith.constant 896 : i32
        %add3A_806 = arith.addi %mul3A_54, %add3A_805 : i32
        %add3A_807 = arith.constant 48 : i32
        %add3A_808 = arith.addi %add3A_806, %add3A_807 : i32
        %get3A_809 = arith.index_cast %add3A_808 : i32 to index
        %get3A_810 = tpu.vector_load %arg6[%get3A_809] {strides = array<i32>} : memref<13312xf32, #tpu.memory_space<vmem>>, vector<16xf32>,
        %get3A_811 = vector.shape_cast %get3A_810 : vector<16xf32> to vector<16xf32>
        %mul3A_812 = arith.mulf %broadcast_in_dim3A_768, %get3A_811 : vector<16xf32>
        %swap3A_813 = arith.index_cast %add3A_808 : i32 to index
        %swap3A_814 = tpu.vector_load %arg8[%swap3A_813] {strides = array<i32>} : memref<13312xf32, #tpu.memory_space<vmem>>, vector<16xf32>,
        %swap3A_815 = vector.shape_cast %swap3A_814 : vector<16xf32> to vector<16xf32>
        %swap3A_816 = vector.shape_cast %mul3A_812 : vector<16xf32> to vector<16xf32>
        tpu.vector_store %arg8[%swap3A_813], %swap3A_816 {strides = array<i32>} : memref<13312xf32, #tpu.memory_space<vmem>>, vector<16xf32>,
        %slice3A_817 = vector.extract_strided_slice %select_n3A {offsets = [15], sizes = [1], strides = [1]} : vector<16xf32> to vector<1xf32>
        %squeeze3A_818 = vector.extract %slice3A_817[0] : f32 from vector<1xf32>
        %broadcast_in_dim3A_819 = vector.broadcast %squeeze3A_818 : f32 to vector<16xf32>
        %add3A_820 = arith.constant 960 : i32
        %add3A_821 = arith.addi %mul3A_54, %add3A_820 : i32
        %add3A_822 = arith.constant 0 : i32
        %add3A_823 = arith.addi %add3A_821, %add3A_822 : i32
        %get3A_824 = arith.index_cast %add3A_823 : i32 to index
        %get3A_825 = tpu.vector_load %arg6[%get3A_824] {strides = array<i32>} : memref<13312xf32, #tpu.memory_space<vmem>>, vector<16xf32>,
        %get3A_826 = vector.shape_cast %get3A_825 : vector<16xf32> to vector<16xf32>
        %mul3A_827 = arith.mulf %broadcast_in_dim3A_819, %get3A_826 : vector<16xf32>
        %swap3A_828 = arith.index_cast %add3A_823 : i32 to index
        %swap3A_829 = tpu.vector_load %arg8[%swap3A_828] {strides = array<i32>} : memref<13312xf32, #tpu.memory_space<vmem>>, vector<16xf32>,
        %swap3A_830 = vector.shape_cast %swap3A_829 : vector<16xf32> to vector<16xf32>
        %swap3A_831 = vector.shape_cast %mul3A_827 : vector<16xf32> to vector<16xf32>
        tpu.vector_store %arg8[%swap3A_828], %swap3A_831 {strides = array<i32>} : memref<13312xf32, #tpu.memory_space<vmem>>, vector<16xf32>,
        %add3A_832 = arith.constant 960 : i32
        %add3A_833 = arith.addi %mul3A_54, %add3A_832 : i32
        %add3A_834 = arith.constant 16 : i32
        %add3A_835 = arith.addi %add3A_833, %add3A_834 : i32
        %get3A_836 = arith.index_cast %add3A_835 : i32 to index
        %get3A_837 = tpu.vector_load %arg6[%get3A_836] {strides = array<i32>} : memref<13312xf32, #tpu.memory_space<vmem>>, vector<16xf32>,
        %get3A_838 = vector.shape_cast %get3A_837 : vector<16xf32> to vector<16xf32>
        %mul3A_839 = arith.mulf %broadcast_in_dim3A_819, %get3A_838 : vector<16xf32>
        %swap3A_840 = arith.index_cast %add3A_835 : i32 to index
        %swap3A_841 = tpu.vector_load %arg8[%swap3A_840] {strides = array<i32>} : memref<13312xf32, #tpu.memory_space<vmem>>, vector<16xf32>,
        %swap3A_842 = vector.shape_cast %swap3A_841 : vector<16xf32> to vector<16xf32>
        %swap3A_843 = vector.shape_cast %mul3A_839 : vector<16xf32> to vector<16xf32>
        tpu.vector_store %arg8[%swap3A_840], %swap3A_843 {strides = array<i32>} : memref<13312xf32, #tpu.memory_space<vmem>>, vector<16xf32>,
        %add3A_844 = arith.constant 960 : i32
        %add3A_845 = arith.addi %mul3A_54, %add3A_844 : i32
        %add3A_846 = arith.constant 32 : i32
        %add3A_847 = arith.addi %add3A_845, %add3A_846 : i32
        %get3A_848 = arith.index_cast %add3A_847 : i32 to index
        %get3A_849 = tpu.vector_load %arg6[%get3A_848] {strides = array<i32>} : memref<13312xf32, #tpu.memory_space<vmem>>, vector<16xf32>,
        %get3A_850 = vector.shape_cast %get3A_849 : vector<16xf32> to vector<16xf32>
        %mul3A_851 = arith.mulf %broadcast_in_dim3A_819, %get3A_850 : vector<16xf32>
        %swap3A_852 = arith.index_cast %add3A_847 : i32 to index
        %swap3A_853 = tpu.vector_load %arg8[%swap3A_852] {strides = array<i32>} : memref<13312xf32, #tpu.memory_space<vmem>>, vector<16xf32>,
        %swap3A_854 = vector.shape_cast %swap3A_853 : vector<16xf32> to vector<16xf32>
        %swap3A_855 = vector.shape_cast %mul3A_851 : vector<16xf32> to vector<16xf32>
        tpu.vector_store %arg8[%swap3A_852], %swap3A_855 {strides = array<i32>} : memref<13312xf32, #tpu.memory_space<vmem>>, vector<16xf32>,
        %add3A_856 = arith.constant 960 : i32
        %add3A_857 = arith.addi %mul3A_54, %add3A_856 : i32
        %add3A_858 = arith.constant 48 : i32
        %add3A_859 = arith.addi %add3A_857, %add3A_858 : i32
        %get3A_860 = arith.index_cast %add3A_859 : i32 to index
        %get3A_861 = tpu.vector_load %arg6[%get3A_860] {strides = array<i32>} : memref<13312xf32, #tpu.memory_space<vmem>>, vector<16xf32>,
        %get3A_862 = vector.shape_cast %get3A_861 : vector<16xf32> to vector<16xf32>
        %mul3A_863 = arith.mulf %broadcast_in_dim3A_819, %get3A_862 : vector<16xf32>
        %swap3A_864 = arith.index_cast %add3A_859 : i32 to index
        %swap3A_865 = tpu.vector_load %arg8[%swap3A_864] {strides = array<i32>} : memref<13312xf32, #tpu.memory_space<vmem>>, vector<16xf32>,
        %swap3A_866 = vector.shape_cast %swap3A_865 : vector<16xf32> to vector<16xf32>
        %swap3A_867 = vector.shape_cast %mul3A_863 : vector<16xf32> to vector<16xf32>
        tpu.vector_store %arg8[%swap3A_864], %swap3A_867 {strides = array<i32>} : memref<13312xf32, #tpu.memory_space<vmem>>, vector<16xf32>,
      }
      %scan3A_42 = arith.constant 13 : i32
    }
    %scan3A_9 = arith.constant 64 : i32
    %add3A_10 = arith.constant 0 : i32
    %add3A_11 = arith.addi %mul3A_2, %add3A_10 : i32
    %mul3A_12 = arith.constant 12864 : i32
    %mul3A_13 = arith.muli %add3A_11, %mul3A_12 : i32
    %dma_start3A = arith.constant 0 : i32
    %dma_start3A_14 = tpu.memref_slice %arg7[%dma_start3A] : memref<13312xf32, #tpu.memory_space<vmem>> -> memref<12864xf32, #tpu.memory_space<vmem>>
    %dma_start3A_15 = tpu.memref_slice %arg4[%mul3A_13] : memref<52690944xf32, #tpu.memory_space<hbm>> -> memref<12864xf32, #tpu.memory_space<hbm>>
    %dma_start3A_16 = tpu.memref_slice %arg4[%mul3A_13] : memref<52690944xf32, #tpu.memory_space<hbm>> -> memref<12864xf32, #tpu.memory_space<hbm>>
    %dma_start3A_17 = arith.constant 0 : i32
    %dma_start3A_18 = tpu.memref_slice %arg7[%dma_start3A_17] : memref<13312xf32, #tpu.memory_space<vmem>> -> memref<12864xf32, #tpu.memory_space<vmem>>
    tpu.enqueue_dma source(%dma_start3A_18 : memref<12864xf32, #tpu.memory_space<vmem>>) target(%dma_start3A_16 : memref<12864xf32, #tpu.memory_space<hbm>>) target_semaphore(%arg9 : memref<!tpu.dma_semaphore, #tpu.memory_space<semaphore_mem>>)
    %dma_wait3A = arith.constant 0 : i32
    %dma_wait3A_19 = tpu.memref_slice %arg7[%dma_wait3A] : memref<13312xf32, #tpu.memory_space<vmem>> -> memref<12864xf32, #tpu.memory_space<vmem>>
    %dma_wait3A_20 = arith.constant 0 : i32
    %dma_wait3A_21 = tpu.memref_slice %arg4[%dma_wait3A_20] : memref<52690944xf32, #tpu.memory_space<hbm>> -> memref<12864xf32, #tpu.memory_space<hbm>>
    %dma_wait3A_22 = arith.constant 0 : i32
    %dma_wait3A_23 = tpu.memref_slice %arg4[%dma_wait3A_22] : memref<52690944xf32, #tpu.memory_space<hbm>> -> memref<12864xf32, #tpu.memory_space<hbm>>
    %dma_wait3A_24 = arith.constant 0 : i32
    %dma_wait3A_25 = tpu.memref_slice %arg7[%dma_wait3A_24] : memref<13312xf32, #tpu.memory_space<vmem>> -> memref<12864xf32, #tpu.memory_space<vmem>>
    tpu.wait_dma2 semaphore(%arg9 : memref<!tpu.dma_semaphore, #tpu.memory_space<semaphore_mem>>) src(%dma_wait3A_25 : memref<12864xf32, #tpu.memory_space<vmem>>) dst(%dma_wait3A_23 : memref<12864xf32, #tpu.memory_space<hbm>>)
    return
  }
}

</mosaic_0001>

<sc_bundles>
// kernel: kernel.3.cloned.1.call-start
scs
__scs_entry_jumppad:
0x0: {  	(pc) =	sbr.rel $0x88, $3  }
0x1: {  	(tag) =	ssettag $0x0;
	lr =	simm.s32 $0x1  }
0x2: {  	[smem:$0x3F9E] =	sst lr;
	_ =	strace $0xD0000000  }
0x3: {  	_ = 	snop  }
0x4: {  	_ = 	snop  }
0x5: {  	_ = 	snop  }
0x6: {  	_ = 	snop  }
0x7: {  	_ = 	snop  }
__scs_overlays_trampoline_lowered:
0x8: {  	[smem:$0x3FAD] =	sst s0  }
0x9: {  	[smem:$0x3FAE] =	sst s1  }
0xa: {  	[smem:$0x3FAF] =	sst s2  }
0xb: {  	[smem:$0x3FB0] =	sst s3  }
0xc: {  	[smem:$0x3FB1] =	sst s4  }
0xd: {  	[smem:$0x3FB2] =	sst s5  }
0xe: {  	[smem:$0x3FB3] =	sst s6  }
0xf: {  	[smem:$0x3FB4] =	sst s7  }
0x10: {  	[smem:$0x3FB5] =	sst s8  }
0x11: {  	[smem:$0x3FB6] =	sst s9;
	s0 =	simm.s32 @!p0 $0x0  }
0x12: {  	s1 =	sld [smem:$0x3F9C];
	s0 =	simm.s32 @p0 $0x1  }
0x13: {  	[smem:$0x3FB7] =	sst s0;
	s0 =	simm.s32 @!p1 $0x0  }
0x14: {  	s2 =	sld [smem:$0x3F9B];
	s0 =	simm.s32 @p1 $0x1  }
0x15: {  	[smem:$0x3FB8] =	sst s0;
	s0 =	simm.s32 @!p2 $0x0  }
0x16: {  	s3 =	sld [smem:$0x3FDB];
	s0 =	simm.s32 @p2 $0x1  }
0x17: {  	s4 =	simm.s32 $0x1BF5;
	[smem:$0x3FBA] =	sst s0  }
0x18: {  	s0 =	sld [smem:$0x3F9D];
	_ =	swait.ge [sflag:s4], $0x0  }
0x19: {  	s7 =	sld [smem:$0x3F9E]  }
0x1a: {  	s8 =	sadd.s32 $0xFFFFE003, lr  }
0x1b: {  	s9 =	sadd.s32 $0xFFFFFEF7, lr;
	s5 =	simm.s32 $0xFFFFFFFF;
	p2 =	slt.u32 s8, $0xFFFFF086  }
0x1c: {  	p1 =	slt.u32 s9, $0xF7A;
	s5 =	simm.s32 @!p2 $0x0  }
0x1d: {  	s5 =	simm.s32 @p1 $0x1;
	p0 =	seq.s32 s7, s2  }
0x1e: {  	s7 =	smul.u32 @!p0 $0xF7A, s2;
	p2 =	seq.s32 @!p0 s5, $0x0  }
0x1f: {  	s9 =	smul.u32 $0xF7A, s1;
	s8 =	simm.s32 @!p0 $0x1BF5;
	p2 =	por !p2, p0  }
0x20: {  	[sflag:s8] =	ssyncset.s32 @!p0 $0xFFFFF086;
	s6 =	sadd.s32 @!p0 s3, s7;
	s7 =	simm.s32 @!p0 $0x108  }
0x21: {  	s3 =	sadd.s32 s3, s9;
	s6 =	sadd.s32 @!p0 $0x88, s6;
	s7 =	simm.s32 @p2 $0x1082  }
0x22: {  	[simem:s7], [sflag:s8] =	dma.local @!p0 [hbm:s6], $0xF7A  }
0x23: {  	s9 =	sor.u32 $0xD0000000, s2;
	s6 =	simm.s32 $0x108;
	_ =	swait.ge @!p0 [sflag:s8], $0x0  }
0x24: {  	s3 =	sadd.s32 $0x88, s3;
	s6 =	simm.s32 @!p1 $0x1082;
	[sflag:s4] =	ssyncset.s32 $0xFFFFF086  }
0x25: {  	[simem:s6], [sflag:s4] =	dma.local [hbm:s3], $0xF7A  }
0x26: {  	[smem:$0x3F9E] =	sst s1;
	(tag) =	ssettag s2;
	_ =	strace s9  }
0x27: {  	s1 =	sld [smem:$0x3FAE]  }
0x28: {  	s2 =	sld [smem:$0x3FAF]  }
0x29: {  	s4 =	sld [smem:$0x3FB1]  }
0x2a: {  	p0 =	seq.s32 s5, $0x0;
	s5 =	sld [smem:$0x3FB2]  }
0x2b: {  	s6 =	sld [smem:$0x3FB3]  }
0x2c: {  	s7 =	sld [smem:$0x3FB4]  }
0x2d: {  	s3 =	simm.s32 $0x108;
	s8 =	sld [smem:$0x3FB5]  }
0x2e: {  	s3 =	simm.s32 @!p0 $0x1082;
	s9 =	sld [smem:$0x3FB6]  }
0x2f: {  	lr =	sadd.s32 s0, s3;
	s0 =	sld [smem:$0x3FAD]  }
0x30: {  	s3 =	sld [smem:$0x3FB0]  }
0x31: {  	[smem:$0x3FB9] =	sst s10  }
0x32: {  	s10 =	sld [smem:$0x3FB7];
	_ =	sdelay $0x3  }
0x33: {  	p0 =	seq.s32 s10, $0x1;
	s10 =	sld [smem:$0x3FB9];
	_ =	sdelay $0x3  }
0x34: {  	[smem:$0x3FB9] =	sst s10  }
0x35: {  	s10 =	sld [smem:$0x3FB8];
	_ =	sdelay $0x3  }
0x36: {  	p1 =	seq.s32 s10, $0x1;
	s10 =	sld [smem:$0x3FB9];
	_ =	sdelay $0x3  }
0x37: {  	[smem:$0x3FB9] =	sst s10  }
0x38: {  	s10 =	sld [smem:$0x3FBA]  }
0x39: {  	_ = 	snop;
	(pc) =	sbr.ind lr, $3  }
0x3a: {  	_ = 	snop  }
0x3b: {  	_ = 	snop  }
0x3c: {  	p2 =	seq.s32 s10, $0x1;
	s10 =	sld [smem:$0x3FB9]  }
0x3d: {  	_ =	shalt  }
0x3e: {  	_ =	shalt  }
0x3f: {  	_ =	shalt  }
0x40: {  	_ =	shalt  }
0x41: {  	_ =	shalt  }
0x42: {  	_ =	shalt  }
0x43: {  	_ =	shalt  }
0x44: {  	_ =	shalt  }
0x45: {  	_ =	shalt  }
0x46: {  	_ =	shalt  }
0x47: {  	_ =	shalt  }
0x48: {  	_ =	shalt  }
0x49: {  	_ =	shalt  }
0x4a: {  	_ =	shalt  }
0x4b: {  	_ =	shalt  }
0x4c: {  	_ =	shalt  }
0x4d: {  	_ =	shalt  }
0x4e: {  	_ =	shalt  }
0x4f: {  	_ =	shalt  }
0x50: {  	_ =	shalt  }
0x51: {  	_ =	shalt  }
0x52: {  	_ =	shalt  }
0x53: {  	_ =	shalt  }
0x54: {  	_ =	shalt  }
0x55: {  	_ =	shalt  }
0x56: {  	_ =	shalt  }
0x57: {  	_ =	shalt  }
0x58: {  	_ =	shalt  }
0x59: {  	_ =	shalt  }
0x5a: {  	_ =	shalt  }
0x5b: {  	_ =	shalt  }
0x5c: {  	_ =	shalt  }
0x5d: {  	_ =	shalt  }
0x5e: {  	_ =	shalt  }
0x5f: {  	_ =	shalt  }
0x60: {  	_ =	shalt  }
0x61: {  	_ =	shalt  }
0x62: {  	_ =	shalt  }
0x63: {  	_ =	shalt  }
0x64: {  	_ =	shalt  }
0x65: {  	_ =	shalt  }
0x66: {  	_ =	shalt  }
0x67: {  	_ =	shalt  }
0x68: {  	_ =	shalt  }
0x69: {  	_ =	shalt  }
0x6a: {  	_ =	shalt  }
0x6b: {  	_ =	shalt  }
0x6c: {  	_ =	shalt  }
0x6d: {  	_ =	shalt  }
0x6e: {  	_ =	shalt  }
0x6f: {  	_ =	shalt  }
0x70: {  	_ =	shalt  }
0x71: {  	_ =	shalt  }
0x72: {  	_ =	shalt  }
0x73: {  	_ =	shalt  }
0x74: {  	_ =	shalt  }
0x75: {  	_ =	shalt  }
0x76: {  	_ =	shalt  }
0x77: {  	_ =	shalt  }
0x78: {  	_ =	shalt  }
0x79: {  	_ =	shalt  }
0x7a: {  	_ =	shalt  }
0x7b: {  	_ =	shalt  }
0x7c: {  	_ =	shalt  }
0x7d: {  	_ =	shalt  }
0x7e: {  	_ =	shalt  }
0x7f: {  	_ =	shalt  }
0x80: {  	_ =	shalt  }
0x81: {  	_ =	shalt  }
0x82: {  	_ =	shalt  }
0x83: {  	_ =	shalt  }
0x84: {  	_ =	shalt  }
0x85: {  	_ =	shalt  }
0x86: {  	_ =	shalt  }
0x87: {  	_ =	shalt  }
.Lfunc_end0:
.L_simem_size_0:
called_computation.1_lowered:
.L_overlay_start_0:
0x88: {  	s2 =	sld [smem:$0x3FD9]  }
0x89: {  	s3 =	sld [smem:$0x3FFE];
	_ =	sdelay $0x1  }
0x8a: {  	s1 =	srdreg.scid  }
0x8b: {  	s0 =	sand.u32 $0x1, s1  }
0x8c: {  	s17 =	sshll.u32 s0, $0xA;
	s2 =	sadd.s32 s3, s2  }
0x8d: {  	s2 =	sadd.s32 s2, s17  }
0x8e: {  	[smem:$0x3FC5] =	sst s2  }
0x8f: {  	_ = 	snop  }
0x90: {  	s2 =	sld [smem:$0x3FD0];
	(tm) =	ssettm $0x1  }
0x91: {  	s18 =	sld [smem:$0x3FFB];
	_ =	sdelay $0x3  }
0x92: {  	_ =	strace s18  }
0x93: {  	s3 =	sld [smem:$0x3FFC];
	_ =	sdelay $0x3  }
0x94: {  	_ =	strace s3  }
0x95: {  	s3 =	sld [smem:$0x3FFD];
	_ =	sdelay $0x3  }
0x96: {  	_ =	strace s3  }
0x97: {  	_ =	strace $0x8FFFFFFF  }
0x98: {  	s19 =	sld [smem:$0x3FDB];
	_ =	sdelay $0x1  }
0x99: {  	s4 =	simm.s32 $_scs_section_size  }
0x9a: {  	s5 =	simm.s32 $_size__tile_overlayer_lowered;
	s6 =	simm.s32 $_tile_overlayer_lowered  }
0x9b: {  	s22 =	simm.s32 $0x1BFF;
	s21 =	sshll.u32 s6, $0x1;
	s3 =	sadd.s32 s4, s19  }
0x9c: {  	s7 =	simm.s32 $0x0;
	s20 =	sshll.u32 s5, $0x1;
	s5 =	sadd.s32 s21, s3  }
0x9d: {  	[timem:s7], [sflag:s22] =	dma.local [hbm:s5], s20  }
0x9e: {  	_ =	swait.ge [sflag:s22], s20  }
0x9f: {  	s4 =	ssub.s32 $0x0, s20;
	[sflag:s22] =	ssyncset.done $0x0  }
0xa0: {  	[sflag:s22] =	ssyncadd.s32 s4;
	_ =	sdelay $0x1  }
0xa1: {  	s23 =	simm.s32 $0x1B8B  }
0xa2: {  	_ =	swait.ge [sflag:s23], $0x1  }
0xa3: {  	[sflag:s23] =	ssyncset.done $0x0  }
0xa4: {  	s25 =	simm.s32 $0x1B8E;
	s24 =	sld [smem:$0x3FFE];
	[sflag:s23] =	ssyncadd.s32 $0xFFFFFFFF  }
0xa5: {  	s26 =	simm.s32 $execute0_lowered;
	[smem:$0x3FD2] =	sst s25  }
0xa6: {  	s5 =	sshll.u32 s26, $0x1;
	_ =	strace $0x80000046;
	[dreg:$0x1] =	wrdreg $0xFFFFFFFF  }
0xa7: {  	s28 =	simm.s32 $_size_execute0_lowered;
	s3 =	sadd.s32 s3, s5;
	[dreg:$0x0] =	wrdreg $0x0  }
0xa8: {  	s5 =	sshll.u32 s28, $0x1;
	[dreg:$0x2] =	wrdreg s3  }
0xa9: {  	[dreg:$0x3] =	wrdreg s5  }
0xaa: {  	[dreg:$0x4] =	wrdreg $0xC0  }
0xab: {  	_ =	task [dreg:s7], $0x5FFFF  }
0xac: {  	[dreg:$0x1] =	wrdreg $0xFFFFFFFF  }
0xad: {  	[dreg:$0x0] =	wrdreg $0x60  }
0xae: {  	[dreg:$0x2] =	wrdreg s24  }
0xaf: {  	[dreg:$0x3] =	wrdreg s2  }
0xb0: {  	[dreg:$0x4] =	wrdreg $0x9  }
0xb1: {  	_ =	task.clear_ibuf [dreg:s7], $0x5FFFF;
	_ =	strace $0x90000046  }
0xb2: {  	s29 =	simm.s32 $0x9;
	_ =	strace $0x80000048  }
0xb3: {  	_ =	swait.ge [sflag:s29], $0x1  }
0xb4: {  	[sflag:s29] =	ssyncadd.s32 $0xFFFFFFFF  }
0xb5: {  	_ =	strace $0x90000048  }
0xb6: {  	_ =	sfence  }
0xb7: {  	s30 =	sld [smem:$0x0];
	_ =	sdelay $0x2  }
0xb8: {  	s31 =	sshll.u32 s1, $0xD;
	s1 =	sshrl.u32 s1, $0x2  }
0xb9: {  	s3 =	sand.u32 $0x4000, s31;
	s1 =	sadd.s32 s1, s30  }
0xba: {  	s0 =	sor.u32 s3, s0;
	s1 =	sshll.u32 s1, $0x11  }
0xbb: {  	s0 =	sor.u32 s1, s0  }
0xbc: {  	s0 =	sadd.s32 $0x8F2B, s0  }
0xbd: {  	[sflag:s0] =	ssyncadd.remote.s32 $0x1  }
0xbe: {  	_ =	sfence.sel $0xFFFF  }
0xbf: {  	[dreg:$0x0] =	wrdreg $0xFFFFFFFF;
	(pc) =	sbr.abs _section_cstart, $3  }
0xc0: {  	[dreg:$0x1] =	wrdreg $0xFFFFFFFF  }
0xc1: {  	_ =	task.clear_ibuf [dreg:s7], $0x2FFFF;
	_ =	strace $0x9FFFFFFF  }
0xc2: {  	(tm) =	ssettm $0x7FFFFFFF  }
0xc3: {  	_ =	shalt  }
tec
execute0_lowered:
.L_overlay_start_1:
0x0: {  	(tag) =	ssettag $0x1  }
0x1: {  	s3 =	rddreg [dreg:$0x0];
	s1 =	srdreg.scid  }
0x2: {  	s0 =	stileid.u32;
	s5 =	rddreg [dreg:$0x1];
	s2 =	simm.s32 $0x0  }
0x3: {  	s9 =	simm.s32 $0x9C00;
	s4 =	sand.u32 $0x1, s1;
	s6 =	sshll.u32 s0, $0x1  }
0x4: {  	s10 =	simm.s32 $0x1;
	s11 =	simm.s32 $0x0;
	s6 =	sor.u32 s4, s6  }
0x5: {  	s1 =	rddreg [dreg:$0x2];
	s4 =	ssub.s32 $0x2, s4;
	s7 =	smul.u32 $0xD00, s6  }
0x6: {  	[smem:$0x7FF] =	sst s2;
	s6 =	smul.u32 $0x32400, s6;
	s8 =	sshrl.u32 s4, $0x1  }
0x7: {  	_ =	strace $0x80000047;
	s8 =	ssub.s32 s4, s8;
	s7 =	sadd.s32 s7, s3  }
0x8: {  	s3 =	sadd.s32 $0x1AA00, s3;
	s5 =	sadd.s32 s5, s6;
	s6 =	smax.u32 s8, $0x1  }
0x9: {  	s8 =	simm.s32 $0x6800;
	s4 =	sadd.s32 $0xA00, s7;
	s7 =	simm.s32 $0x2  }
.LBB2_1:
0xa: {  	[tilespmem:s2], [sflag:$0x2] =	stream.linear.gather [hbm4b:s4+s2], $0x6800, $0x38;
	[tilespmem:$0x10400] =	vst v63  }
0xb: {  	_ =	swait.ge [sflag:s7], $0x6800  }
0xc: {  	[sflag:s7] =	ssyncset.done $0x0  }
0xd: {  	[sflag:s7] =	ssyncadd.s32 $0xFFFF9800  }
0xe: {  	[tilespmem:s8], [sflag:$0x2] =	stream.linear.gather [hbm4b:s3+s2], $0x3400, $0x38;
	[tilespmem:$0x10400] =	vst v63  }
0xf: {  	_ =	swait.ge [sflag:s7], $0x3400  }
0x10: {  	s12 =	simm.s32 $0xD0;
	[sflag:s7] =	ssyncset.done $0x0  }
0x11: {  	s13 =	simm.s32 $0x0;
	s14 =	simm.s32 $0x0;
	[sflag:s7] =	ssyncadd.s32 $0xFFFFCC00  }
.LBB2_2:
0x12: {  	s15 =	simm.s32 $0x0;
	v0 =	vld [tilespmem:s13+$0x0]  }
0x13: {  	v24 =	vld [tilespmem:s15+$0x6800]  }
0x14: {  	v25 =	vld [tilespmem:s15+$0x6810]  }
0x15: {  	v23 =	vld [tilespmem:s15+$0x6820]  }
0x16: {  	v22 =	vld [tilespmem:s15+$0x6830]  }
0x17: {  	v20 =	vld [tilespmem:s15+$0x6840]  }
0x18: {  	v21 =	vld [tilespmem:s15+$0x6850]  }
0x19: {  	v19 =	vld [tilespmem:s15+$0x6860]  }
0x1a: {  	v18 =	vld [tilespmem:s15+$0x6870]  }
0x1b: {  	v16 =	vld [tilespmem:s15+$0x6880]  }
0x1c: {  	v17 =	vld [tilespmem:s15+$0x6890]  }
0x1d: {  	v15 =	vld [tilespmem:s15+$0x68A0]  }
0x1e: {  	v14 =	vld [tilespmem:s15+$0x68B0]  }
0x1f: {  	v12 =	vld [tilespmem:s15+$0x68C0]  }
0x20: {  	v13 =	vld [tilespmem:s15+$0x68D0]  }
0x21: {  	v10 =	vld [tilespmem:s15+$0x68E0]  }
0x22: {  	v11 =	vld [tilespmem:s15+$0x68F0]  }
0x23: {  	v8 =	vld [tilespmem:s15+$0x6900]  }
0x24: {  	v9 =	vld [tilespmem:s15+$0x6910]  }
0x25: {  	v7 =	vld [tilespmem:s15+$0x6920]  }
0x26: {  	v6 =	vld [tilespmem:s15+$0x6930]  }
0x27: {  	v4 =	vld [tilespmem:s15+$0x6940]  }
0x28: {  	v5 =	vld [tilespmem:s15+$0x6950]  }
0x29: {  	v3 =	vld [tilespmem:s15+$0x6960]  }
0x2a: {  	v2 =	vld [tilespmem:s15+$0x6970]  }
0x2b: {  	s17 =	simm.s32 $0x1000;
	s16 =	simm.s32 $0x0;
	s18 =	smov.u32 s13;
	v1 =	vld [tilespmem:s15+$0x6980]  }
.LBB2_3:
0x2c: {  	p0 =	sne.s32 s17, $0xC000;
	v26 =	vld [tilespmem:s16+$0x6990]  }
0x2d: {  	v27 =	vld [tilespmem:s16+$0x69A0]  }
0x2e: {  	v28 =	vld [tilespmem:s16+$0x69B0]  }
0x2f: {  	v29 =	vld [tilespmem:s16+$0x69C0]  }
0x30: {  	v30 =	vbroadcast v0, $0x0;
	v31 =	vbroadcast v0, $0x1;
	v32 =	vld [tilespmem:s16+$0x69D0]  }
0x31: {  	v33 =	vbroadcast v0, $0x2;
	v34 =	vbroadcast v0, $0x3;
	v35 =	vld [tilespmem:s16+$0x69E0]  }
0x32: {  	v24 =	vmul.f32 v24, v30;
	v25 =	vmul.f32 v25, v30;
	v36 =	vld [tilespmem:s16+$0x69F0]  }
0x33: {  	v23 =	vmul.f32 v23, v30;
	v22 =	vmul.f32 v22, v30;
	v30 =	vld [tilespmem:s16+$0x6A00]  }
0x34: {  	v20 =	vmul.f32 v20, v31;
	v21 =	vmul.f32 v21, v31;
	[tilespmem:s16+$0x9C00] =	vst v24;
	v24 =	vld [tilespmem:s16+$0x6A10]  }
0x35: {  	v19 =	vmul.f32 v19, v31;
	v18 =	vmul.f32 v18, v31;
	[tilespmem:s16+$0x9C10] =	vst v25;
	v25 =	vld [tilespmem:s16+$0x6A20]  }
0x36: {  	v16 =	vmul.f32 v16, v33;
	v17 =	vmul.f32 v17, v33;
	[tilespmem:s16+$0x9C20] =	vst v23;
	v23 =	vld [tilespmem:s16+$0x6A30]  }
0x37: {  	v15 =	vmul.f32 v15, v33;
	v14 =	vmul.f32 v14, v33;
	[tilespmem:s16+$0x9C30] =	vst v22;
	v22 =	vld [tilespmem:s16+$0x6A40]  }
0x38: {  	v12 =	vmul.f32 v12, v34;
	v13 =	vmul.f32 v13, v34;
	[tilespmem:s16+$0x9C40] =	vst v20;
	v20 =	vld [tilespmem:s16+$0x6A50]  }
0x39: {  	v10 =	vmul.f32 v10, v34;
	v11 =	vmul.f32 v11, v34;
	[tilespmem:s16+$0x9C50] =	vst v21;
	v21 =	vld [tilespmem:s16+$0x6A60]  }
0x3a: {  	v31 =	vbroadcast v0, $0x5;
	[tilespmem:s16+$0x9C60] =	vst v19;
	v19 =	vbroadcast v0, $0x4;
	v33 =	vld [tilespmem:s16+$0x6A70]  }
0x3b: {  	v34 =	vbroadcast v0, $0x7;
	[tilespmem:s16+$0x9C70] =	vst v18;
	v18 =	vbroadcast v0, $0x6;
	v37 =	vld [tilespmem:s16+$0x6A80]  }
0x3c: {  	[tilespmem:s16+$0x9C80] =	vst v16;
	v8 =	vmul.f32 v8, v19;
	v9 =	vmul.f32 v9, v19;
	v16 =	vld [tilespmem:s16+$0x6A90]  }
0x3d: {  	v7 =	vmul.f32 v7, v19;
	v6 =	vmul.f32 v6, v19;
	[tilespmem:s16+$0x9C90] =	vst v17;
	v17 =	vld [tilespmem:s16+$0x6AA0]  }
0x3e: {  	v4 =	vmul.f32 v4, v31;
	v5 =	vmul.f32 v5, v31;
	[tilespmem:s16+$0x9CA0] =	vst v15;
	v15 =	vld [tilespmem:s16+$0x6AB0]  }
0x3f: {  	v3 =	vmul.f32 v3, v31;
	v2 =	vmul.f32 v2, v31;
	[tilespmem:s16+$0x9CB0] =	vst v14;
	v14 =	vld [tilespmem:s16+$0x6AC0]  }
0x40: {  	v1 =	vmul.f32 v1, v18;
	[tilespmem:s16+$0x9CC0] =	vst v12;
	v12 =	vmul.f32 v26, v18;
	v19 =	vld [tilespmem:s16+$0x6AD0]  }
0x41: {  	[tilespmem:s16+$0x9CD0] =	vst v13;
	v13 =	vmul.f32 v27, v18;
	v18 =	vmul.f32 v28, v18;
	v26 =	vld [tilespmem:s16+$0x6AE0]  }
0x42: {  	v27 =	vmul.f32 v32, v34;
	[tilespmem:s16+$0x9CE0] =	vst v10;
	v10 =	vmul.f32 v29, v34;
	v28 =	vld [tilespmem:s16+$0x6AF0]  }
0x43: {  	v29 =	vmul.f32 v36, v34;
	[tilespmem:s16+$0x9CF0] =	vst v11;
	v11 =	vmul.f32 v35, v34;
	v31 =	vld [tilespmem:s16+$0x6B00]  }
0x44: {  	v32 =	vbroadcast v0, $0x9;
	[tilespmem:s16+$0x9D00] =	vst v8;
	v8 =	vbroadcast v0, $0x8;
	v34 =	vld [tilespmem:s16+$0x6B10]  }
0x45: {  	v35 =	vbroadcast v0, $0xB;
	[tilespmem:s16+$0x9D10] =	vst v9;
	v9 =	vbroadcast v0, $0xA;
	v36 =	vld [tilespmem:s16+$0x6B20]  }
0x46: {  	[tilespmem:s16+$0x9D20] =	vst v7;
	v7 =	vmul.f32 v30, v8;
	v24 =	vmul.f32 v24, v8;
	v30 =	vld [tilespmem:s16+$0x6B30]  }
0x47: {  	[tilespmem:s16+$0x9D30] =	vst v6;
	v6 =	vmul.f32 v25, v8;
	v8 =	vmul.f32 v23, v8;
	v23 =	vld [tilespmem:s16+$0x6B40]  }
0x48: {  	v20 =	vmul.f32 v20, v32;
	[tilespmem:s16+$0x9D40] =	vst v4;
	v4 =	vmul.f32 v22, v32;
	v22 =	vld [tilespmem:s16+$0x6B50]  }
0x49: {  	[tilespmem:s16+$0x9D50] =	vst v5;
	v5 =	vmul.f32 v21, v32;
	v21 =	vmul.f32 v33, v32;
	v25 =	vld [tilespmem:s16+$0x6B60]  }
0x4a: {  	v16 =	vmul.f32 v16, v9;
	[tilespmem:s16+$0x9D60] =	vst v3;
	v3 =	vmul.f32 v37, v9;
	v32 =	vld [tilespmem:s16+$0x6B70]  }
0x4b: {  	[tilespmem:s16+$0x9D70] =	vst v2;
	v2 =	vmul.f32 v17, v9;
	v9 =	vmul.f32 v15, v9;
	v15 =	vld [tilespmem:s16+$0x6B80]  }
0x4c: {  	[tilespmem:s16+$0x9D80] =	vst v1;
	v1 =	vmul.f32 v14, v35;
	v14 =	vmul.f32 v19, v35;
	v17 =	vld [tilespmem:s16+$0x6B90]  }
0x4d: {  	[tilespmem:s16+$0x9D90] =	vst v12;
	v12 =	vmul.f32 v26, v35;
	v26 =	vmul.f32 v28, v35;
	v19 =	vld [tilespmem:s16+$0x6BA0]  }
0x4e: {  	v28 =	vbroadcast v0, $0xD;
	[tilespmem:s16+$0x9DA0] =	vst v13;
	v13 =	vbroadcast v0, $0xC;
	v33 =	vld [tilespmem:s16+$0x6BB0]  }
0x4f: {  	[tilespmem:s16+$0x9DB0] =	vst v18;
	v18 =	vbroadcast v0, $0xE;
	v0 =	vbroadcast v0, $0xF;
	v35 =	vld [tilespmem:s16+$0x6BC0]  }
0x50: {  	[tilespmem:s16+$0x9DC0] =	vst v10;
	v10 =	vmul.f32 v31, v13;
	v31 =	vmul.f32 v34, v13;
	v34 =	vld [tilespmem:s16+$0x6BD0]  }
0x51: {  	[tilespmem:s16+$0x9DD0] =	vst v27;
	v27 =	vmul.f32 v36, v13;
	v13 =	vmul.f32 v30, v13;
	v30 =	vld [tilespmem:s16+$0x6BE0]  }
0x52: {  	v36 =	vmul.f32 v22, v28;
	[tilespmem:s16+$0x9DE0] =	vst v11;
	v11 =	vmul.f32 v23, v28;
	v22 =	vld [tilespmem:s16+$0x6BF0]  }
0x53: {  	[tilespmem:s16+$0x9DF0] =	vst v29;
	v29 =	vmul.f32 v25, v28;
	v28 =	vmul.f32 v32, v28  }
0x54: {  	v32 =	vmul.f32 v17, v18;
	[tilespmem:s16+$0x9E00] =	vst v7;
	v7 =	vmul.f32 v15, v18  }
0x55: {  	v37 =	vmul.f32 v19, v18;
	v33 =	vmul.f32 v33, v18;
	[tilespmem:s16+$0x9E10] =	vst v24  }
0x56: {  	v35 =	vmul.f32 v35, v0;
	v34 =	vmul.f32 v34, v0;
	[tilespmem:s16+$0x9E20] =	vst v6  }
0x57: {  	v30 =	vmul.f32 v30, v0;
	[tilespmem:s16+$0x9E30] =	vst v8;
	v0 =	vmul.f32 v22, v0  }
0x58: {  	[tilespmem:s16+$0x9E40] =	vst v4  }
0x59: {  	[tilespmem:s16+$0x9E50] =	vst v20  }
0x5a: {  	s19 =	sshra.s32 s17, $0x2;
	[tilespmem:s16+$0x9E60] =	vst v5  }
0x5b: {  	v24 =	vld [tilespmem:s19+$0x6800];
	[tilespmem:s16+$0x9E70] =	vst v21  }
0x5c: {  	v25 =	vld [tilespmem:s19+$0x6810];
	[tilespmem:s16+$0x9E80] =	vst v3  }
0x5d: {  	v23 =	vld [tilespmem:s19+$0x6820];
	[tilespmem:s16+$0x9E90] =	vst v16  }
0x5e: {  	v22 =	vld [tilespmem:s19+$0x6830];
	[tilespmem:s16+$0x9EA0] =	vst v2  }
0x5f: {  	v20 =	vld [tilespmem:s19+$0x6840];
	[tilespmem:s16+$0x9EB0] =	vst v9  }
0x60: {  	v21 =	vld [tilespmem:s19+$0x6850];
	[tilespmem:s16+$0x9EC0] =	vst v1  }
0x61: {  	v19 =	vld [tilespmem:s19+$0x6860];
	[tilespmem:s16+$0x9ED0] =	vst v14  }
0x62: {  	v18 =	vld [tilespmem:s19+$0x6870];
	[tilespmem:s16+$0x9EE0] =	vst v12  }
0x63: {  	v16 =	vld [tilespmem:s19+$0x6880];
	[tilespmem:s16+$0x9EF0] =	vst v26  }
0x64: {  	v17 =	vld [tilespmem:s19+$0x6890];
	[tilespmem:s16+$0x9F00] =	vst v10  }
0x65: {  	v15 =	vld [tilespmem:s19+$0x68A0];
	[tilespmem:s16+$0x9F10] =	vst v31  }
0x66: {  	v14 =	vld [tilespmem:s19+$0x68B0];
	[tilespmem:s16+$0x9F20] =	vst v27  }
0x67: {  	v12 =	vld [tilespmem:s19+$0x68C0];
	[tilespmem:s16+$0x9F30] =	vst v13  }
0x68: {  	v13 =	vld [tilespmem:s19+$0x68D0];
	[tilespmem:s16+$0x9F40] =	vst v11  }
0x69: {  	v10 =	vld [tilespmem:s19+$0x68E0];
	[tilespmem:s16+$0x9F50] =	vst v36  }
0x6a: {  	v11 =	vld [tilespmem:s19+$0x68F0];
	[tilespmem:s16+$0x9F60] =	vst v29  }
0x6b: {  	v8 =	vld [tilespmem:s19+$0x6900];
	[tilespmem:s16+$0x9F70] =	vst v28  }
0x6c: {  	v9 =	vld [tilespmem:s19+$0x6910];
	[tilespmem:s16+$0x9F80] =	vst v7  }
0x6d: {  	v7 =	vld [tilespmem:s19+$0x6920];
	[tilespmem:s16+$0x9F90] =	vst v32  }
0x6e: {  	v6 =	vld [tilespmem:s19+$0x6930];
	[tilespmem:s16+$0x9FA0] =	vst v37  }
0x6f: {  	v4 =	vld [tilespmem:s19+$0x6940];
	[tilespmem:s16+$0x9FB0] =	vst v33  }
.Ltmp0:
0x70: {  	v5 =	vld [tilespmem:s19+$0x6950];
	[tilespmem:s16+$0x9FC0] =	vst v35;
	(pc) =	sbr.rel @p0 .LBB2_3-.Ltmp0, $4  }
0x71: {  	v3 =	vld [tilespmem:s19+$0x6960];
	[tilespmem:s16+$0x9FD0] =	vst v34  }
0x72: {  	v2 =	vld [tilespmem:s19+$0x6970];
	[tilespmem:s16+$0x9FE0] =	vst v30  }
0x73: {  	s18 =	sadd.s32 $0x10, s18;
	v1 =	vld [tilespmem:s19+$0x6980];
	[tilespmem:s16+$0x9FF0] =	vst v0;
	s16 =	smov.u32 s19  }
0x74: {  	s17 =	sadd.s32 $0x1000, s17;
	v0 =	vld [tilespmem:s18+$0x0]  }
0x75: {  	_ =	sdelay $0x3  }
0x76: {  	v30 =	vbroadcast v0, $0x0;
	_ =	sdelay $0x1  }
0x77: {  	v24 =	vmul.f32 v24, v30  }
0x78: {  	v25 =	vmul.f32 v25, v30  }
0x79: {  	v35 =	vbroadcast v0, $0x1;
	v23 =	vmul.f32 v23, v30;
	[tilespmem:s16+$0x9C00] =	vst v24  }
0x7a: {  	v22 =	vmul.f32 v22, v30;
	[tilespmem:s16+$0x9C10] =	vst v25  }
0x7b: {  	v20 =	vmul.f32 v20, v35;
	[tilespmem:s16+$0x9C20] =	vst v23  }
0x7c: {  	v21 =	vmul.f32 v21, v35;
	[tilespmem:s16+$0x9C30] =	vst v22  }
0x7d: {  	v49 =	vbroadcast v0, $0x2;
	v19 =	vmul.f32 v19, v35;
	[tilespmem:s16+$0x9C40] =	vst v20  }
0x7e: {  	v18 =	vmul.f32 v18, v35;
	[tilespmem:s16+$0x9C50] =	vst v21  }
0x7f: {  	v16 =	vmul.f32 v16, v49;
	[tilespmem:s16+$0x9C60] =	vst v19  }
0x80: {  	v17 =	vmul.f32 v17, v49;
	[tilespmem:s16+$0x9C70] =	vst v18  }
0x81: {  	v50 =	vbroadcast v0, $0x3;
	v15 =	vmul.f32 v15, v49;
	[tilespmem:s16+$0x9C80] =	vst v16  }
0x82: {  	v14 =	vmul.f32 v14, v49;
	[tilespmem:s16+$0x9C90] =	vst v17  }
0x83: {  	v12 =	vmul.f32 v12, v50;
	[tilespmem:s16+$0x9CA0] =	vst v15  }
0x84: {  	v13 =	vmul.f32 v13, v50;
	[tilespmem:s16+$0x9CB0] =	vst v14  }
0x85: {  	v51 =	vbroadcast v0, $0x4;
	v10 =	vmul.f32 v10, v50;
	[tilespmem:s16+$0x9CC0] =	vst v12  }
0x86: {  	v11 =	vmul.f32 v11, v50;
	[tilespmem:s16+$0x9CD0] =	vst v13  }
0x87: {  	v8 =	vmul.f32 v8, v51;
	[tilespmem:s16+$0x9CE0] =	vst v10  }
0x88: {  	v9 =	vmul.f32 v9, v51;
	[tilespmem:s16+$0x9CF0] =	vst v11  }
0x89: {  	v52 =	vbroadcast v0, $0x5;
	v7 =	vmul.f32 v7, v51;
	[tilespmem:s16+$0x9D00] =	vst v8  }
0x8a: {  	v6 =	vmul.f32 v6, v51;
	[tilespmem:s16+$0x9D10] =	vst v9  }
0x8b: {  	v26 =	vld [tilespmem:s16+$0x6990];
	v4 =	vmul.f32 v4, v52;
	[tilespmem:s16+$0x9D20] =	vst v7  }
0x8c: {  	v27 =	vld [tilespmem:s16+$0x69A0];
	v5 =	vmul.f32 v5, v52;
	[tilespmem:s16+$0x9D30] =	vst v6  }
0x8d: {  	v28 =	vld [tilespmem:s16+$0x69B0];
	v53 =	vbroadcast v0, $0x6;
	v3 =	vmul.f32 v3, v52;
	[tilespmem:s16+$0x9D40] =	vst v4  }
0x8e: {  	v29 =	vld [tilespmem:s16+$0x69C0];
	v2 =	vmul.f32 v2, v52;
	[tilespmem:s16+$0x9D50] =	vst v5  }
0x8f: {  	v31 =	vld [tilespmem:s16+$0x69D0];
	v1 =	vmul.f32 v1, v53;
	[tilespmem:s16+$0x9D60] =	vst v3  }
0x90: {  	v32 =	vld [tilespmem:s16+$0x69E0];
	v26 =	vmul.f32 v26, v53;
	[tilespmem:s16+$0x9D70] =	vst v2  }
0x91: {  	v33 =	vld [tilespmem:s16+$0x69F0];
	v54 =	vbroadcast v0, $0x7;
	v27 =	vmul.f32 v27, v53;
	[tilespmem:s16+$0x9D80] =	vst v1  }
0x92: {  	v34 =	vld [tilespmem:s16+$0x6A00];
	v28 =	vmul.f32 v28, v53;
	[tilespmem:s16+$0x9D90] =	vst v26  }
0x93: {  	v29 =	vmul.f32 v29, v54;
	v24 =	vld [tilespmem:s16+$0x6A10];
	[tilespmem:s16+$0x9DA0] =	vst v27  }
0x94: {  	v56 =	vmul.f32 v31, v54;
	v25 =	vld [tilespmem:s16+$0x6A20];
	[tilespmem:s16+$0x9DB0] =	vst v28  }
0x95: {  	v59 =	vbroadcast v0, $0x8;
	v58 =	vmul.f32 v32, v54;
	v23 =	vld [tilespmem:s16+$0x6A30];
	[tilespmem:s16+$0x9DC0] =	vst v29  }
0x96: {  	v33 =	vmul.f32 v33, v54;
	v22 =	vld [tilespmem:s16+$0x6A40];
	[tilespmem:s16+$0x9DD0] =	vst v56  }
0x97: {  	v61 =	vmul.f32 v34, v59;
	v20 =	vld [tilespmem:s16+$0x6A50];
	[tilespmem:s16+$0x9DE0] =	vst v58  }
0x98: {  	v21 =	vld [tilespmem:s16+$0x6A60];
	[tilespmem:s16+$0x9DF0] =	vst v33;
	v24 =	vmul.f32 v24, v59  }
0x99: {  	v63 =	vbroadcast v0, $0x9;
	v19 =	vld [tilespmem:s16+$0x6A70];
	[tilespmem:s16+$0x9E00] =	vst v61;
	v25 =	vmul.f32 v25, v59  }
0x9a: {  	v18 =	vld [tilespmem:s16+$0x6A80];
	v23 =	vmul.f32 v23, v59;
	[tilespmem:s16+$0x9E10] =	vst v24  }
0x9b: {  	v16 =	vld [tilespmem:s16+$0x6A90];
	v22 =	vmul.f32 v22, v63;
	[tilespmem:s16+$0x9E20] =	vst v25  }
0x9c: {  	v17 =	vld [tilespmem:s16+$0x6AA0];
	v20 =	vmul.f32 v20, v63;
	[tilespmem:s16+$0x9E30] =	vst v23  }
0x9d: {  	v15 =	vld [tilespmem:s16+$0x6AB0];
	v21 =	vmul.f32 v21, v63;
	v23 =	vbroadcast v0, $0xA;
	[tilespmem:s16+$0x9E40] =	vst v22  }
0x9e: {  	v14 =	vld [tilespmem:s16+$0x6AC0];
	v19 =	vmul.f32 v19, v63;
	[tilespmem:s16+$0x9E50] =	vst v20  }
0x9f: {  	v12 =	vld [tilespmem:s16+$0x6AD0];
	[tilespmem:s16+$0x9E60] =	vst v21;
	v18 =	vmul.f32 v18, v23  }
0xa0: {  	v13 =	vld [tilespmem:s16+$0x6AE0];
	[tilespmem:s16+$0x9E70] =	vst v19;
	v16 =	vmul.f32 v16, v23  }
0xa1: {  	v10 =	vld [tilespmem:s16+$0x6AF0];
	v19 =	vbroadcast v0, $0xB;
	v17 =	vmul.f32 v17, v23;
	[tilespmem:s16+$0x9E80] =	vst v18  }
0xa2: {  	v11 =	vld [tilespmem:s16+$0x6B00];
	v15 =	vmul.f32 v15, v23;
	[tilespmem:s16+$0x9E90] =	vst v16  }
0xa3: {  	v8 =	vld [tilespmem:s16+$0x6B10];
	v14 =	vmul.f32 v14, v19;
	[tilespmem:s16+$0x9EA0] =	vst v17  }
0xa4: {  	v9 =	vld [tilespmem:s16+$0x6B20];
	v12 =	vmul.f32 v12, v19;
	[tilespmem:s16+$0x9EB0] =	vst v15  }
0xa5: {  	v7 =	vld [tilespmem:s16+$0x6B30];
	v13 =	vmul.f32 v13, v19;
	v15 =	vbroadcast v0, $0xC;
	[tilespmem:s16+$0x9EC0] =	vst v14  }
0xa6: {  	v6 =	vld [tilespmem:s16+$0x6B40];
	v10 =	vmul.f32 v10, v19;
	[tilespmem:s16+$0x9ED0] =	vst v12  }
0xa7: {  	v4 =	vld [tilespmem:s16+$0x6B50];
	[tilespmem:s16+$0x9EE0] =	vst v13;
	v11 =	vmul.f32 v11, v15  }
0xa8: {  	v5 =	vld [tilespmem:s16+$0x6B60];
	[tilespmem:s16+$0x9EF0] =	vst v10;
	v8 =	vmul.f32 v8, v15  }
0xa9: {  	v3 =	vld [tilespmem:s16+$0x6B70];
	v10 =	vbroadcast v0, $0xD;
	v9 =	vmul.f32 v9, v15;
	[tilespmem:s16+$0x9F00] =	vst v11  }
0xaa: {  	v2 =	vld [tilespmem:s16+$0x6B80];
	v7 =	vmul.f32 v7, v15;
	[tilespmem:s16+$0x9F10] =	vst v8  }
0xab: {  	v1 =	vld [tilespmem:s16+$0x6B90];
	v6 =	vmul.f32 v6, v10;
	[tilespmem:s16+$0x9F20] =	vst v9  }
0xac: {  	v26 =	vld [tilespmem:s16+$0x6BA0];
	v4 =	vmul.f32 v4, v10;
	[tilespmem:s16+$0x9F30] =	vst v7  }
0xad: {  	v27 =	vld [tilespmem:s16+$0x6BB0];
	v5 =	vmul.f32 v5, v10;
	v7 =	vbroadcast v0, $0xE;
	[tilespmem:s16+$0x9F40] =	vst v6  }
0xae: {  	v55 =	vld [tilespmem:s16+$0x6BC0];
	v3 =	vmul.f32 v3, v10;
	[tilespmem:s16+$0x9F50] =	vst v4  }
0xaf: {  	v57 =	vld [tilespmem:s16+$0x6BD0];
	[tilespmem:s16+$0x9F60] =	vst v5;
	v2 =	vmul.f32 v2, v7  }
0xb0: {  	v60 =	vld [tilespmem:s16+$0x6BE0];
	[tilespmem:s16+$0x9F70] =	vst v3;
	v1 =	vmul.f32 v1, v7  }
0xb1: {  	v62 =	vld [tilespmem:s16+$0x6BF0];
	v0 =	vbroadcast v0, $0xF;
	v3 =	vmul.f32 v26, v7;
	[tilespmem:s16+$0x9F80] =	vst v2  }
0xb2: {  	v2 =	vmul.f32 v27, v7;
	[tilespmem:s16+$0x9F90] =	vst v1  }
0xb3: {  	v1 =	vmul.f32 v55, v0;
	[tilespmem:s16+$0x9FA0] =	vst v3  }
0xb4: {  	v3 =	vmul.f32 v57, v0;
	[tilespmem:s16+$0x9FB0] =	vst v2  }
0xb5: {  	v2 =	vmul.f32 v60, v0;
	[tilespmem:s16+$0x9FC0] =	vst v1  }
0xb6: {  	v0 =	vmul.f32 v62, v0;
	[tilespmem:s16+$0x9FD0] =	vst v3  }
0xb7: {  	[tilespmem:s16+$0x9FE0] =	vst v2  }
0xb8: {  	[tilespmem:s16+$0x9FF0] =	vst v0  }
0xb9: {  	v24 =	vld [tilespmem:s15+$0x6800]  }
0xba: {  	v25 =	vld [tilespmem:s15+$0x6810]  }
0xbb: {  	v23 =	vld [tilespmem:s15+$0x6820]  }
0xbc: {  	v22 =	vld [tilespmem:s15+$0x6830]  }
0xbd: {  	v20 =	vld [tilespmem:s15+$0x6840]  }
0xbe: {  	v21 =	vld [tilespmem:s15+$0x6850]  }
0xbf: {  	v19 =	vld [tilespmem:s15+$0x6860]  }
0xc0: {  	v18 =	vld [tilespmem:s15+$0x6870]  }
0xc1: {  	v16 =	vld [tilespmem:s15+$0x6880]  }
0xc2: {  	v17 =	vld [tilespmem:s15+$0x6890]  }
0xc3: {  	v15 =	vld [tilespmem:s15+$0x68A0]  }
0xc4: {  	v14 =	vld [tilespmem:s15+$0x68B0]  }
0xc5: {  	v12 =	vld [tilespmem:s15+$0x68C0]  }
0xc6: {  	v13 =	vld [tilespmem:s15+$0x68D0]  }
0xc7: {  	v10 =	vld [tilespmem:s15+$0x68E0]  }
0xc8: {  	v11 =	vld [tilespmem:s15+$0x68F0]  }
0xc9: {  	v8 =	vld [tilespmem:s15+$0x6900]  }
0xca: {  	v9 =	vld [tilespmem:s15+$0x6910]  }
0xcb: {  	v7 =	vld [tilespmem:s15+$0x6920]  }
0xcc: {  	v6 =	vld [tilespmem:s15+$0x6930]  }
0xcd: {  	v4 =	vld [tilespmem:s15+$0x6940]  }
0xce: {  	v5 =	vld [tilespmem:s15+$0x6950]  }
0xcf: {  	v3 =	vld [tilespmem:s15+$0x6960]  }
0xd0: {  	v2 =	vld [tilespmem:s15+$0x6970]  }
0xd1: {  	v1 =	vld [tilespmem:s15+$0x6980]  }
0xd2: {  	s17 =	smov.u32 s12;
	s16 =	simm.s32 $0x1000;
	v0 =	vld [tilespmem:s12+$0x0]  }
.LBB2_5:
0xd3: {  	p0 =	sne.s32 s16, $0xC000;
	v26 =	vld [tilespmem:s15+$0x6990]  }
0xd4: {  	v27 =	vld [tilespmem:s15+$0x69A0]  }
0xd5: {  	v28 =	vld [tilespmem:s15+$0x69B0]  }
0xd6: {  	v29 =	vld [tilespmem:s15+$0x69C0]  }
0xd7: {  	v30 =	vbroadcast v0, $0x0;
	v31 =	vbroadcast v0, $0x1;
	v32 =	vld [tilespmem:s15+$0x69D0]  }
0xd8: {  	v33 =	vbroadcast v0, $0x2;
	v34 =	vbroadcast v0, $0x3;
	v35 =	vld [tilespmem:s15+$0x69E0]  }
0xd9: {  	v24 =	vmul.f32 v24, v30;
	v25 =	vmul.f32 v25, v30;
	v36 =	vld [tilespmem:s15+$0x69F0]  }
0xda: {  	v23 =	vmul.f32 v23, v30;
	v22 =	vmul.f32 v22, v30;
	v30 =	vld [tilespmem:s15+$0x6A00]  }
0xdb: {  	v20 =	vmul.f32 v20, v31;
	v21 =	vmul.f32 v21, v31;
	[tilespmem:s15+$0xD000] =	vst v24;
	v24 =	vld [tilespmem:s15+$0x6A10]  }
0xdc: {  	v19 =	vmul.f32 v19, v31;
	v18 =	vmul.f32 v18, v31;
	[tilespmem:s15+$0xD010] =	vst v25;
	v25 =	vld [tilespmem:s15+$0x6A20]  }
0xdd: {  	v16 =	vmul.f32 v16, v33;
	v17 =	vmul.f32 v17, v33;
	[tilespmem:s15+$0xD020] =	vst v23;
	v23 =	vld [tilespmem:s15+$0x6A30]  }
0xde: {  	v15 =	vmul.f32 v15, v33;
	v14 =	vmul.f32 v14, v33;
	[tilespmem:s15+$0xD030] =	vst v22;
	v22 =	vld [tilespmem:s15+$0x6A40]  }
0xdf: {  	v12 =	vmul.f32 v12, v34;
	v13 =	vmul.f32 v13, v34;
	[tilespmem:s15+$0xD040] =	vst v20;
	v20 =	vld [tilespmem:s15+$0x6A50]  }
0xe0: {  	v10 =	vmul.f32 v10, v34;
	v11 =	vmul.f32 v11, v34;
	[tilespmem:s15+$0xD050] =	vst v21;
	v21 =	vld [tilespmem:s15+$0x6A60]  }
0xe1: {  	v31 =	vbroadcast v0, $0x5;
	[tilespmem:s15+$0xD060] =	vst v19;
	v19 =	vbroadcast v0, $0x4;
	v33 =	vld [tilespmem:s15+$0x6A70]  }
0xe2: {  	v34 =	vbroadcast v0, $0x7;
	[tilespmem:s15+$0xD070] =	vst v18;
	v18 =	vbroadcast v0, $0x6;
	v37 =	vld [tilespmem:s15+$0x6A80]  }
0xe3: {  	[tilespmem:s15+$0xD080] =	vst v16;
	v8 =	vmul.f32 v8, v19;
	v9 =	vmul.f32 v9, v19;
	v16 =	vld [tilespmem:s15+$0x6A90]  }
0xe4: {  	v7 =	vmul.f32 v7, v19;
	v6 =	vmul.f32 v6, v19;
	[tilespmem:s15+$0xD090] =	vst v17;
	v17 =	vld [tilespmem:s15+$0x6AA0]  }
0xe5: {  	v4 =	vmul.f32 v4, v31;
	v5 =	vmul.f32 v5, v31;
	[tilespmem:s15+$0xD0A0] =	vst v15;
	v15 =	vld [tilespmem:s15+$0x6AB0]  }
0xe6: {  	v3 =	vmul.f32 v3, v31;
	v2 =	vmul.f32 v2, v31;
	[tilespmem:s15+$0xD0B0] =	vst v14;
	v14 =	vld [tilespmem:s15+$0x6AC0]  }
0xe7: {  	v1 =	vmul.f32 v1, v18;
	[tilespmem:s15+$0xD0C0] =	vst v12;
	v12 =	vmul.f32 v26, v18;
	v19 =	vld [tilespmem:s15+$0x6AD0]  }
0xe8: {  	[tilespmem:s15+$0xD0D0] =	vst v13;
	v13 =	vmul.f32 v27, v18;
	v18 =	vmul.f32 v28, v18;
	v26 =	vld [tilespmem:s15+$0x6AE0]  }
0xe9: {  	v27 =	vmul.f32 v32, v34;
	[tilespmem:s15+$0xD0E0] =	vst v10;
	v10 =	vmul.f32 v29, v34;
	v28 =	vld [tilespmem:s15+$0x6AF0]  }
0xea: {  	v29 =	vmul.f32 v36, v34;
	[tilespmem:s15+$0xD0F0] =	vst v11;
	v11 =	vmul.f32 v35, v34;
	v31 =	vld [tilespmem:s15+$0x6B00]  }
0xeb: {  	v32 =	vbroadcast v0, $0x9;
	[tilespmem:s15+$0xD100] =	vst v8;
	v8 =	vbroadcast v0, $0x8;
	v34 =	vld [tilespmem:s15+$0x6B10]  }
0xec: {  	v35 =	vbroadcast v0, $0xB;
	[tilespmem:s15+$0xD110] =	vst v9;
	v9 =	vbroadcast v0, $0xA;
	v36 =	vld [tilespmem:s15+$0x6B20]  }
0xed: {  	[tilespmem:s15+$0xD120] =	vst v7;
	v7 =	vmul.f32 v30, v8;
	v24 =	vmul.f32 v24, v8;
	v30 =	vld [tilespmem:s15+$0x6B30]  }
0xee: {  	[tilespmem:s15+$0xD130] =	vst v6;
	v6 =	vmul.f32 v25, v8;
	v8 =	vmul.f32 v23, v8;
	v23 =	vld [tilespmem:s15+$0x6B40]  }
0xef: {  	v20 =	vmul.f32 v20, v32;
	[tilespmem:s15+$0xD140] =	vst v4;
	v4 =	vmul.f32 v22, v32;
	v22 =	vld [tilespmem:s15+$0x6B50]  }
0xf0: {  	[tilespmem:s15+$0xD150] =	vst v5;
	v5 =	vmul.f32 v21, v32;
	v21 =	vmul.f32 v33, v32;
	v25 =	vld [tilespmem:s15+$0x6B60]  }
0xf1: {  	v16 =	vmul.f32 v16, v9;
	[tilespmem:s15+$0xD160] =	vst v3;
	v3 =	vmul.f32 v37, v9;
	v32 =	vld [tilespmem:s15+$0x6B70]  }
0xf2: {  	[tilespmem:s15+$0xD170] =	vst v2;
	v2 =	vmul.f32 v17, v9;
	v9 =	vmul.f32 v15, v9;
	v15 =	vld [tilespmem:s15+$0x6B80]  }
0xf3: {  	[tilespmem:s15+$0xD180] =	vst v1;
	v1 =	vmul.f32 v14, v35;
	v14 =	vmul.f32 v19, v35;
	v17 =	vld [tilespmem:s15+$0x6B90]  }
0xf4: {  	[tilespmem:s15+$0xD190] =	vst v12;
	v12 =	vmul.f32 v26, v35;
	v26 =	vmul.f32 v28, v35;
	v19 =	vld [tilespmem:s15+$0x6BA0]  }
0xf5: {  	v28 =	vbroadcast v0, $0xD;
	[tilespmem:s15+$0xD1A0] =	vst v13;
	v13 =	vbroadcast v0, $0xC;
	v33 =	vld [tilespmem:s15+$0x6BB0]  }
0xf6: {  	[tilespmem:s15+$0xD1B0] =	vst v18;
	v18 =	vbroadcast v0, $0xE;
	v0 =	vbroadcast v0, $0xF;
	v35 =	vld [tilespmem:s15+$0x6BC0]  }
0xf7: {  	[tilespmem:s15+$0xD1C0] =	vst v10;
	v10 =	vmul.f32 v31, v13;
	v31 =	vmul.f32 v34, v13;
	v34 =	vld [tilespmem:s15+$0x6BD0]  }
0xf8: {  	[tilespmem:s15+$0xD1D0] =	vst v27;
	v27 =	vmul.f32 v36, v13;
	v13 =	vmul.f32 v30, v13;
	v30 =	vld [tilespmem:s15+$0x6BE0]  }
0xf9: {  	v36 =	vmul.f32 v22, v28;
	[tilespmem:s15+$0xD1E0] =	vst v11;
	v11 =	vmul.f32 v23, v28;
	v22 =	vld [tilespmem:s15+$0x6BF0]  }
0xfa: {  	[tilespmem:s15+$0xD1F0] =	vst v29;
	v29 =	vmul.f32 v25, v28;
	v28 =	vmul.f32 v32, v28  }
0xfb: {  	v32 =	vmul.f32 v17, v18;
	[tilespmem:s15+$0xD200] =	vst v7;
	v7 =	vmul.f32 v15, v18  }
0xfc: {  	v37 =	vmul.f32 v19, v18;
	v33 =	vmul.f32 v33, v18;
	[tilespmem:s15+$0xD210] =	vst v24  }
0xfd: {  	v35 =	vmul.f32 v35, v0;
	v34 =	vmul.f32 v34, v0;
	[tilespmem:s15+$0xD220] =	vst v6  }
0xfe: {  	v30 =	vmul.f32 v30, v0;
	[tilespmem:s15+$0xD230] =	vst v8;
	v0 =	vmul.f32 v22, v0  }
0xff: {  	[tilespmem:s15+$0xD240] =	vst v4  }
0x100: {  	[tilespmem:s15+$0xD250] =	vst v20  }
0x101: {  	s18 =	sshra.s32 s16, $0x2;
	[tilespmem:s15+$0xD260] =	vst v5  }
0x102: {  	v24 =	vld [tilespmem:s18+$0x6800];
	[tilespmem:s15+$0xD270] =	vst v21  }
0x103: {  	v25 =	vld [tilespmem:s18+$0x6810];
	[tilespmem:s15+$0xD280] =	vst v3  }
0x104: {  	v23 =	vld [tilespmem:s18+$0x6820];
	[tilespmem:s15+$0xD290] =	vst v16  }
0x105: {  	v22 =	vld [tilespmem:s18+$0x6830];
	[tilespmem:s15+$0xD2A0] =	vst v2  }
0x106: {  	v20 =	vld [tilespmem:s18+$0x6840];
	[tilespmem:s15+$0xD2B0] =	vst v9  }
0x107: {  	v21 =	vld [tilespmem:s18+$0x6850];
	[tilespmem:s15+$0xD2C0] =	vst v1  }
0x108: {  	v19 =	vld [tilespmem:s18+$0x6860];
	[tilespmem:s15+$0xD2D0] =	vst v14  }
0x109: {  	v18 =	vld [tilespmem:s18+$0x6870];
	[tilespmem:s15+$0xD2E0] =	vst v12  }
0x10a: {  	v16 =	vld [tilespmem:s18+$0x6880];
	[tilespmem:s15+$0xD2F0] =	vst v26  }
0x10b: {  	v17 =	vld [tilespmem:s18+$0x6890];
	[tilespmem:s15+$0xD300] =	vst v10  }
0x10c: {  	v15 =	vld [tilespmem:s18+$0x68A0];
	[tilespmem:s15+$0xD310] =	vst v31  }
0x10d: {  	v14 =	vld [tilespmem:s18+$0x68B0];
	[tilespmem:s15+$0xD320] =	vst v27  }
0x10e: {  	v12 =	vld [tilespmem:s18+$0x68C0];
	[tilespmem:s15+$0xD330] =	vst v13  }
0x10f: {  	v13 =	vld [tilespmem:s18+$0x68D0];
	[tilespmem:s15+$0xD340] =	vst v11  }
0x110: {  	v10 =	vld [tilespmem:s18+$0x68E0];
	[tilespmem:s15+$0xD350] =	vst v36  }
0x111: {  	v11 =	vld [tilespmem:s18+$0x68F0];
	[tilespmem:s15+$0xD360] =	vst v29  }
0x112: {  	v8 =	vld [tilespmem:s18+$0x6900];
	[tilespmem:s15+$0xD370] =	vst v28  }
0x113: {  	v9 =	vld [tilespmem:s18+$0x6910];
	[tilespmem:s15+$0xD380] =	vst v7  }
0x114: {  	v7 =	vld [tilespmem:s18+$0x6920];
	[tilespmem:s15+$0xD390] =	vst v32  }
0x115: {  	v6 =	vld [tilespmem:s18+$0x6930];
	[tilespmem:s15+$0xD3A0] =	vst v37  }
0x116: {  	v4 =	vld [tilespmem:s18+$0x6940];
	[tilespmem:s15+$0xD3B0] =	vst v33  }
.Ltmp1:
0x117: {  	v5 =	vld [tilespmem:s18+$0x6950];
	[tilespmem:s15+$0xD3C0] =	vst v35;
	(pc) =	sbr.rel @p0 .LBB2_5-.Ltmp1, $4  }
0x118: {  	v3 =	vld [tilespmem:s18+$0x6960];
	[tilespmem:s15+$0xD3D0] =	vst v34  }
0x119: {  	v2 =	vld [tilespmem:s18+$0x6970];
	[tilespmem:s15+$0xD3E0] =	vst v30  }
0x11a: {  	s17 =	sadd.s32 $0x10, s17;
	v1 =	vld [tilespmem:s18+$0x6980];
	[tilespmem:s15+$0xD3F0] =	vst v0;
	s15 =	smov.u32 s18  }
0x11b: {  	s16 =	sadd.s32 $0x1000, s16;
	v0 =	vld [tilespmem:s17+$0x0]  }
0x11c: {  	_ =	sdelay $0x3  }
0x11d: {  	v30 =	vbroadcast v0, $0x0;
	_ =	sdelay $0x1  }
0x11e: {  	v24 =	vmul.f32 v24, v30  }
0x11f: {  	v25 =	vmul.f32 v25, v30  }
0x120: {  	v35 =	vbroadcast v0, $0x1;
	v23 =	vmul.f32 v23, v30;
	[tilespmem:s15+$0xD000] =	vst v24  }
0x121: {  	v22 =	vmul.f32 v22, v30;
	[tilespmem:s15+$0xD010] =	vst v25  }
0x122: {  	v20 =	vmul.f32 v20, v35;
	[tilespmem:s15+$0xD020] =	vst v23  }
0x123: {  	v21 =	vmul.f32 v21, v35;
	[tilespmem:s15+$0xD030] =	vst v22  }
0x124: {  	v53 =	vbroadcast v0, $0x2;
	v19 =	vmul.f32 v19, v35;
	[tilespmem:s15+$0xD040] =	vst v20  }
0x125: {  	v18 =	vmul.f32 v18, v35;
	[tilespmem:s15+$0xD050] =	vst v21  }
0x126: {  	v16 =	vmul.f32 v16, v53;
	[tilespmem:s15+$0xD060] =	vst v19  }
0x127: {  	v17 =	vmul.f32 v17, v53;
	[tilespmem:s15+$0xD070] =	vst v18  }
0x128: {  	v54 =	vbroadcast v0, $0x3;
	v15 =	vmul.f32 v15, v53;
	[tilespmem:s15+$0xD080] =	vst v16  }
0x129: {  	v14 =	vmul.f32 v14, v53;
	[tilespmem:s15+$0xD090] =	vst v17  }
0x12a: {  	v12 =	vmul.f32 v12, v54;
	[tilespmem:s15+$0xD0A0] =	vst v15  }
0x12b: {  	v13 =	vmul.f32 v13, v54;
	[tilespmem:s15+$0xD0B0] =	vst v14  }
0x12c: {  	v55 =	vbroadcast v0, $0x4;
	v10 =	vmul.f32 v10, v54;
	[tilespmem:s15+$0xD0C0] =	vst v12  }
0x12d: {  	v11 =	vmul.f32 v11, v54;
	[tilespmem:s15+$0xD0D0] =	vst v13  }
0x12e: {  	v8 =	vmul.f32 v8, v55;
	[tilespmem:s15+$0xD0E0] =	vst v10  }
0x12f: {  	v9 =	vmul.f32 v9, v55;
	[tilespmem:s15+$0xD0F0] =	vst v11  }
0x130: {  	v60 =	vbroadcast v0, $0x5;
	v7 =	vmul.f32 v7, v55;
	[tilespmem:s15+$0xD100] =	vst v8  }
0x131: {  	v6 =	vmul.f32 v6, v55;
	[tilespmem:s15+$0xD110] =	vst v9  }
0x132: {  	v26 =	vld [tilespmem:s15+$0x6990];
	v4 =	vmul.f32 v4, v60;
	[tilespmem:s15+$0xD120] =	vst v7  }
0x133: {  	v27 =	vld [tilespmem:s15+$0x69A0];
	v5 =	vmul.f32 v5, v60;
	[tilespmem:s15+$0xD130] =	vst v6  }
0x134: {  	v28 =	vld [tilespmem:s15+$0x69B0];
	v37 =	vbroadcast v0, $0x6;
	v3 =	vmul.f32 v3, v60;
	[tilespmem:s15+$0xD140] =	vst v4  }
0x135: {  	v29 =	vld [tilespmem:s15+$0x69C0];
	v2 =	vmul.f32 v2, v60;
	[tilespmem:s15+$0xD150] =	vst v5  }
0x136: {  	v31 =	vld [tilespmem:s15+$0x69D0];
	v1 =	vmul.f32 v1, v37;
	[tilespmem:s15+$0xD160] =	vst v3  }
0x137: {  	v32 =	vld [tilespmem:s15+$0x69E0];
	v26 =	vmul.f32 v26, v37;
	[tilespmem:s15+$0xD170] =	vst v2  }
0x138: {  	v33 =	vld [tilespmem:s15+$0x69F0];
	v42 =	vbroadcast v0, $0x7;
	v27 =	vmul.f32 v27, v37;
	[tilespmem:s15+$0xD180] =	vst v1  }
0x139: {  	v34 =	vld [tilespmem:s15+$0x6A00];
	v28 =	vmul.f32 v28, v37;
	[tilespmem:s15+$0xD190] =	vst v26  }
0x13a: {  	v52 =	vld [tilespmem:s15+$0x6A10];
	v29 =	vmul.f32 v29, v42;
	[tilespmem:s15+$0xD1A0] =	vst v27  }
0x13b: {  	v56 =	vld [tilespmem:s15+$0x6AF0];
	v45 =	vmul.f32 v31, v42;
	[tilespmem:s15+$0xD1B0] =	vst v28  }
0x13c: {  	v57 =	vld [tilespmem:s15+$0x6B00];
	v48 =	vbroadcast v0, $0x8;
	v47 =	vmul.f32 v32, v42;
	[tilespmem:s15+$0xD1C0] =	vst v29  }
0x13d: {  	v58 =	vld [tilespmem:s15+$0x6B10];
	v33 =	vmul.f32 v33, v42;
	[tilespmem:s15+$0xD1D0] =	vst v45  }
0x13e: {  	v59 =	vld [tilespmem:s15+$0x6B20];
	v50 =	vmul.f32 v34, v48;
	v54 =	vbroadcast v0, $0xB;
	[tilespmem:s15+$0xD1E0] =	vst v47  }
0x13f: {  	v61 =	vld [tilespmem:s15+$0x6B30];
	v55 =	vbroadcast v0, $0xC;
	v24 =	vmul.f32 v52, v48;
	[tilespmem:s15+$0xD1F0] =	vst v33  }
0x140: {  	v62 =	vld [tilespmem:s15+$0x6B40];
	[tilespmem:s15+$0xD200] =	vst v50;
	v10 =	vmul.f32 v56, v54  }
0x141: {  	v63 =	vld [tilespmem:s15+$0x6B50];
	v11 =	vmul.f32 v57, v55;
	[tilespmem:s15+$0xD210] =	vst v24  }
0x142: {  	v36 =	vld [tilespmem:s15+$0x6B60];
	v8 =	vmul.f32 v58, v55;
	[tilespmem:s15+$0xD2F0] =	vst v10  }
0x143: {  	v38 =	vld [tilespmem:s15+$0x6B70];
	v56 =	vbroadcast v0, $0xD;
	v9 =	vmul.f32 v59, v55;
	[tilespmem:s15+$0xD300] =	vst v11  }
0x144: {  	v39 =	vld [tilespmem:s15+$0x6B80];
	v7 =	vmul.f32 v61, v55;
	[tilespmem:s15+$0xD310] =	vst v8  }
0x145: {  	v40 =	vld [tilespmem:s15+$0x6B90];
	v6 =	vmul.f32 v62, v56;
	[tilespmem:s15+$0xD320] =	vst v9  }
0x146: {  	v41 =	vld [tilespmem:s15+$0x6BA0];
	v4 =	vmul.f32 v63, v56;
	[tilespmem:s15+$0xD330] =	vst v7  }
0x147: {  	v43 =	vld [tilespmem:s15+$0x6BB0];
	v57 =	vbroadcast v0, $0xE;
	v5 =	vmul.f32 v36, v56;
	[tilespmem:s15+$0xD340] =	vst v6  }
0x148: {  	v44 =	vld [tilespmem:s15+$0x6BC0];
	v3 =	vmul.f32 v38, v56;
	[tilespmem:s15+$0xD350] =	vst v4  }
0x149: {  	v46 =	vld [tilespmem:s15+$0x6BD0];
	v2 =	vmul.f32 v39, v57;
	[tilespmem:s15+$0xD360] =	vst v5  }
0x14a: {  	v49 =	vld [tilespmem:s15+$0x6BE0];
	v1 =	vmul.f32 v40, v57;
	[tilespmem:s15+$0xD370] =	vst v3  }
0x14b: {  	v51 =	vld [tilespmem:s15+$0x6BF0];
	v58 =	vbroadcast v0, $0xF;
	v59 =	vmul.f32 v41, v57;
	[tilespmem:s15+$0xD380] =	vst v2  }
0x14c: {  	v25 =	vld [tilespmem:s15+$0x6A20];
	v60 =	vmul.f32 v43, v57;
	[tilespmem:s15+$0xD390] =	vst v1  }
0x14d: {  	v23 =	vld [tilespmem:s15+$0x6A30];
	v61 =	vmul.f32 v44, v58;
	[tilespmem:s15+$0xD3A0] =	vst v59  }
0x14e: {  	v22 =	vld [tilespmem:s15+$0x6A40];
	v62 =	vmul.f32 v46, v58;
	[tilespmem:s15+$0xD3B0] =	vst v60  }
0x14f: {  	v53 =	vbroadcast v0, $0xA;
	v20 =	vld [tilespmem:s15+$0x6A50];
	v63 =	vmul.f32 v49, v58;
	[tilespmem:s15+$0xD3C0] =	vst v61  }
0x150: {  	v21 =	vld [tilespmem:s15+$0x6A60];
	v52 =	vbroadcast v0, $0x9;
	v0 =	vmul.f32 v51, v58;
	[tilespmem:s15+$0xD3D0] =	vst v62  }
0x151: {  	v19 =	vld [tilespmem:s15+$0x6A70];
	[tilespmem:s15+$0xD3E0] =	vst v63;
	v25 =	vmul.f32 v25, v48  }
0x152: {  	v18 =	vld [tilespmem:s15+$0x6A80];
	[tilespmem:s15+$0xD3F0] =	vst v0;
	v23 =	vmul.f32 v23, v48  }
0x153: {  	v16 =	vld [tilespmem:s15+$0x6A90];
	v22 =	vmul.f32 v22, v52;
	[tilespmem:s15+$0xD220] =	vst v25  }
0x154: {  	v17 =	vld [tilespmem:s15+$0x6AA0];
	v20 =	vmul.f32 v20, v52;
	[tilespmem:s15+$0xD230] =	vst v23  }
0x155: {  	v15 =	vld [tilespmem:s15+$0x6AB0];
	v21 =	vmul.f32 v21, v52;
	[tilespmem:s15+$0xD240] =	vst v22  }
0x156: {  	v14 =	vld [tilespmem:s15+$0x6AC0];
	v19 =	vmul.f32 v19, v52;
	[tilespmem:s15+$0xD250] =	vst v20  }
0x157: {  	v12 =	vld [tilespmem:s15+$0x6AD0];
	v18 =	vmul.f32 v18, v53;
	[tilespmem:s15+$0xD260] =	vst v21  }
0x158: {  	v13 =	vld [tilespmem:s15+$0x6AE0];
	v16 =	vmul.f32 v16, v53;
	[tilespmem:s15+$0xD270] =	vst v19  }
0x159: {  	s14 =	sadd.s32 $0x1, s14;
	v17 =	vmul.f32 v17, v53;
	[tilespmem:s15+$0xD280] =	vst v18  }
0x15a: {  	p0 =	sne.s32 s14, $0x40;
	v15 =	vmul.f32 v15, v53;
	[tilespmem:s15+$0xD290] =	vst v16  }
.Ltmp2:
0x15b: {  	v14 =	vmul.f32 v14, v54;
	[tilespmem:s15+$0xD2A0] =	vst v17;
	(pc) =	sbr.rel @p0 .LBB2_2-.Ltmp2, $4  }
0x15c: {  	v12 =	vmul.f32 v12, v54;
	[tilespmem:s15+$0xD2B0] =	vst v15  }
0x15d: {  	v13 =	vmul.f32 v13, v54;
	[tilespmem:s15+$0xD2C0] =	vst v14  }
0x15e: {  	[tilespmem:s15+$0xD2D0] =	vst v12  }
0x15f: {  	s13 =	sadd.s32 $0x1A0, s13;
	s12 =	sadd.s32 $0x1A0, s12;
	[tilespmem:s15+$0xD2E0] =	vst v13  }
0x160: {  	s11 =	sadd.s32 $0x1, s11  }
0x161: {  	p0 =	sne.s32 s11, s6  }
.Ltmp3:
0x162: {  	_ = 	snop;
	(pc) =	sbr.rel @p0 .LBB2_1-.Ltmp3, $4  }
0x163: {  	[hbm4b:s5+s2] =	stream.linear.scatter [tilespmem:s9], [sflag:$0x1], $0x3240, $0x38;
	[tilespmem:$0x10400] =	vst v63  }
0x164: {  	_ =	swait.ge [sflag:s10], $0x3240  }
0x165: {  	[sflag:s10] =	ssyncset.done $0x0  }
0x166: {  	[sflag:s10] =	ssyncadd.s32 $0xFFFFCDC0  }
0x167: {  	_ =	sfence.sel $0x180000  }
0x168: {  	[bflag:$0x0] =	sbarrier.arrive $0xFFFF  }
0x169: {  	p0 =	sne.s32 s0, $0x0;
	_ =	strace $0x90000047  }
0x16a: {  	s0 =	sadd.s32 @!p0 $0x100000, s1;
	[bflag:$0x2] =	sbarrier.arrive $0xFFFF  }
0x16b: {  	[sflag:s0] =	ssyncadd.tile.s32 @!p0 $0x1;
	_ =	shalt  }
.Lfunc_end2:
_tile_overlayer_lowered:
.L_overlay_start_2:
0x16c: {  	(tag) =	ssettag $0x2  }
0x16d: {  	s0 =	rddreg [dreg:$0x0];
	s2 =	stileid.u32  }
0x16e: {  	s1 =	rddreg [dreg:$0x1];
	p0 =	sne.s32 s2, $0x0  }
0x16f: {  	s3 =	rddreg [dreg:$0x2];
	[bflag:$0x3] =	sbarrier.arrive $0xFFFF;
	s2 =	simm.s32 @!p0 $0x1C02  }
0x170: {  	[timem:s3], [sflag:s2] =	dma.local @!p0 [hbm:s0], s1  }
0x171: {  	s0 =	simm.s32 @!p0 $0x2  }
0x172: {  	_ =	swait.ge @!p0 [sflag:s0], s1  }
0x173: {  	s1 =	ssub.s32 @!p0 $0x0, s1;
	[sflag:s0] =	ssyncset.done @!p0 $0x0  }
0x174: {  	[sflag:s0] =	ssyncadd.s32 @!p0 s1  }
0x175: {  	[bflag:$0x3] =	sbarrier.arrive $0xFFFF  }
0x176: {  	_ =	shalt  }

// kernel: sparse-core-data-format-call.cloned.1.call-start
scs
called_computation_lowered:
.L_overlay_start_0:
0x0: {  	s2 =	sld [smem:$0x3FD9]  }
0x1: {  	s3 =	sld [smem:$0x3FFE];
	_ =	sdelay $0x1  }
0x2: {  	s1 =	srdreg.scid  }
0x3: {  	s0 =	sand.u32 $0x1, s1  }
0x4: {  	s18 =	sshll.u32 s0, $0xA;
	s2 =	sadd.s32 s3, s2  }
0x5: {  	s2 =	sadd.s32 s2, s18  }
0x6: {  	[smem:$0x3FC5] =	sst s2  }
0x7: {  	_ = 	snop  }
0x8: {  	s2 =	sld [smem:$0x3FD0];
	(tm) =	ssettm $0x1  }
0x9: {  	s19 =	sld [smem:$0x3FFB];
	_ =	sdelay $0x3  }
0xa: {  	_ =	strace s19  }
0xb: {  	s3 =	sld [smem:$0x3FFC];
	_ =	sdelay $0x3  }
0xc: {  	_ =	strace s3  }
0xd: {  	s3 =	sld [smem:$0x3FFD];
	_ =	sdelay $0x3  }
0xe: {  	_ =	strace s3  }
0xf: {  	_ =	strace $0x8FFFFFFF  }
0x10: {  	s20 =	sld [smem:$0x3FDB];
	_ =	sdelay $0x1  }
0x11: {  	s4 =	simm.s32 $_scs_section_size  }
0x12: {  	s5 =	simm.s32 $_size__tile_overlayer_lowered;
	s6 =	simm.s32 $_tile_overlayer_lowered  }
0x13: {  	s23 =	simm.s32 $0x1BFF;
	s22 =	sshll.u32 s6, $0x1;
	s3 =	sadd.s32 s4, s20  }
0x14: {  	s7 =	simm.s32 $0x0;
	s21 =	sshll.u32 s5, $0x1;
	s5 =	sadd.s32 s22, s3  }
0x15: {  	[timem:s7], [sflag:s23] =	dma.local [hbm:s5], s21  }
0x16: {  	_ =	swait.ge [sflag:s23], s21  }
0x17: {  	s4 =	ssub.s32 $0x0, s21;
	[sflag:s23] =	ssyncset.done $0x0  }
0x18: {  	[sflag:s23] =	ssyncadd.s32 s4;
	_ =	sdelay $0x1  }
0x19: {  	s24 =	simm.s32 $0x1B8B  }
0x1a: {  	_ =	swait.ge [sflag:s24], $0x1  }
0x1b: {  	[sflag:s24] =	ssyncset.done $0x0  }
0x1c: {  	s26 =	simm.s32 $0x1B8E;
	s25 =	sld [smem:$0x3FFE];
	[sflag:s24] =	ssyncadd.s32 $0xFFFFFFFF  }
0x1d: {  	s27 =	simm.s32 $execute0_lowered;
	[smem:$0x3FD2] =	sst s26  }
0x1e: {  	s5 =	sshll.u32 s27, $0x1;
	_ =	strace $0x80000049;
	[dreg:$0x1] =	wrdreg $0xFFFFFFFF  }
0x1f: {  	s28 =	simm.s32 $_size_execute0_lowered;
	s3 =	sadd.s32 s3, s5;
	[dreg:$0x0] =	wrdreg $0x0  }
0x20: {  	s5 =	sshll.u32 s28, $0x1;
	[dreg:$0x2] =	wrdreg s3  }
0x21: {  	[dreg:$0x3] =	wrdreg s5  }
0x22: {  	[dreg:$0x4] =	wrdreg $0xC0  }
0x23: {  	_ =	task [dreg:s7], $0x5FFFF  }
0x24: {  	[dreg:$0x1] =	wrdreg $0xFFFFFFFF  }
0x25: {  	[dreg:$0x0] =	wrdreg $0x60  }
0x26: {  	[dreg:$0x2] =	wrdreg s25  }
0x27: {  	[dreg:$0x3] =	wrdreg s2  }
0x28: {  	[dreg:$0x4] =	wrdreg $0x9  }
0x29: {  	_ =	task.clear_ibuf [dreg:s7], $0x5FFFF;
	_ =	strace $0x90000049  }
0x2a: {  	s29 =	simm.s32 $0x9;
	_ =	strace $0x8000004B  }
0x2b: {  	_ =	swait.ge [sflag:s29], $0x1  }
0x2c: {  	[sflag:s29] =	ssyncadd.s32 $0xFFFFFFFF  }
0x2d: {  	_ =	strace $0x9000004B  }
0x2e: {  	_ =	sfence  }
0x2f: {  	s30 =	sld [smem:$0x0];
	_ =	sdelay $0x2  }
0x30: {  	s31 =	sshll.u32 s1, $0xD;
	s1 =	sshrl.u32 s1, $0x2  }
0x31: {  	s3 =	sand.u32 $0x4000, s31;
	s1 =	sadd.s32 s1, s30  }
0x32: {  	s0 =	sor.u32 s3, s0;
	s1 =	sshll.u32 s1, $0x11  }
0x33: {  	s0 =	sor.u32 s1, s0  }
0x34: {  	s0 =	sadd.s32 $0x8F2B, s0  }
0x35: {  	[sflag:s0] =	ssyncadd.remote.s32 $0x1  }
0x36: {  	_ =	sfence.sel $0xFFFF  }
0x37: {  	[dreg:$0x0] =	wrdreg $0xFFFFFFFF;
	(pc) =	sbr.abs _section_cstart, $3  }
0x38: {  	[dreg:$0x1] =	wrdreg $0xFFFFFFFF  }
0x39: {  	_ =	task.clear_ibuf [dreg:s7], $0x2FFFF;
	_ =	strace $0x9FFFFFFF  }
0x3a: {  	(tm) =	ssettm $0x7FFFFFFF  }
0x3b: {  	_ =	shalt  }
tec
execute0_lowered:
.L_overlay_start_1:
0x0: {  	(tag) =	ssettag $0x1  }
0x1: {  	s0 =	srdreg.scid  }
0x2: {  	s1 =	sshll.u32 s0, $0x4  }
0x3: {  	s0 =	stileid.u32;
	s1 =	sand.u32 $0x10, s1  }
0x4: {  	s1 =	sor.u32 s0, s1  }
0x5: {  	s6 =	rddreg [dreg:$0x0];
	s4 =	simm.s32 $0x1;
	s2 =	sshll.u32 s1, $0x7  }
0x6: {  	s7 =	simm.s32 $0x2;
	s12 =	simm.s32 $0x0;
	s1 =	ssub.s32 $0x1000, s2  }
0x7: {  	s8 =	simm.s32 $0x8000;
	s13 =	simm.s32 $0x0;
	s3 =	sand.u32 $0xF80, s1  }
0x8: {  	s9 =	simm.s32 $0x0;
	s5 =	sshrl.u32 s1, $0xC;
	p0 =	sne.s32 s3, $0x0  }
.Ltmp0:
0x9: {  	s1 =	rddreg [dreg:$0x2];
	s4 =	simm.s32 @!p0 $0x0;
	(pc) =	sbr.rel .LBB1_1-.Ltmp0, $4  }
0xa: {  	s11 =	simm.s32 $0x0;
	s3 =	rddreg [dreg:$0x1];
	s5 =	sadd.s32 s4, s5  }
0xb: {  	_ =	strace $0x8000004A;
	s4 =	simm.s32 $0x1;
	s5 =	smul.u32 $0xC9, s5  }
0xc: {  	s6 =	sadd.s32 $0xA00, s6;
	s10 =	smov.u32 s2;
	[sflag:s4] =	ssyncpa.u1 $0x0  }
0xd: {  	p0 =	por $0x0, $0x0;
	[sflag:s7] =	ssyncpa.u1 $0x0;
	s7 =	sadd.s32 $0x1, s5  }
.LBB1_4:
0xe: {  	s16 =	sshll.u32 s13, $0x3;
	s17 =	sand.u32 $0x78, s13  }
0xf: {  	s30 =	sand.u32 $0x7E00, s13;
	s12 =	sshll.u32 s12, $0xF;
	s16 =	sand.u32 $0xC00, s16  }
0x10: {  	[tilespmem:s15+$0x810 ss:$0x81] =	vst.msk $0xffff, v2;
	s31 =	sand.u32 $0x7, s13;
	s16 =	sor.u32 s17, s16;
	s17 =	sadd.s32 s3, s30  }
0x11: {  	[tilespmem:s15+$0x1020 ss:$0x81] =	vst.msk $0xffff, v0;
	s13 =	sshll.u32 s31, $0x12;
	s12 =	sadd.s32 s12, s17;
	s16 =	sshrl.u32 s16, $0x3  }
0x12: {  	[tilespmem:s15+$0x0 ss:$0x81] =	vst.msk $0xffff, v1;
	s13 =	sor.u32 $0x400, s13;
	s12 =	sadd.s32 s16, s12  }
0x13: {  	[hbm4b:s12+s13] =	stream.strided.scatter [tilespmem:s14], [sflag:$0x2], $0x2000, s8, s13, $0x20;
	[tilespmem:$0x8080] =	vst v63  }
.LBB1_5:
0x14: {  	s14 =	sadd.s32 $0x1, s9  }
0x15: {  	s12 =	sadd.s32 $0x1000, s10;
	s16 =	smov.u32 s10;
	p2 =	sgt.s32 s14, $0xC8  }
0x16: {  	s16 =	smov.u32 @p2 s12  }
0x17: {  	s14 =	simm.s32 @p2 $0x0;
	p2 =	sgt.s32 s16, $0xFFF  }
0x18: {  	s16 =	smov.u32 @p2 s2;
	p2 =	sne.s32 s11, s7  }
.Ltmp1:
0x19: {  	p1 =	slt.u32 s11, $0x2;
	(pc) =	sbr.rel @!p2 .LBB1_6-.Ltmp1, $4  }
0x1a: {  	s15 =	simm.s32 @!p1 $0x2  }
0x1b: {  	s13 =	smov.u32 s10;
	p0 =	por !p0, !p0;
	_ =	swait.ge @!p1 [sflag:s15], $0x2000  }
0x1c: {  	s12 =	smov.u32 s9;
	[sflag:s15] =	ssyncset.done @!p1 $0x0;
	s9 =	smov.u32 s14  }
0x1d: {  	s11 =	sadd.s32 $0x1, s11;
	[sflag:s15] =	ssyncadd.s32 @!p1 $0xFFFFE000;
	s10 =	smov.u32 s16  }
.LBB1_1:
0x1e: {  	p1 =	sge.u32 s11, s5  }
0x1f: {  	s14 =	sand.u32 @!p1 $0x1FFFFFF, s9  }
0x20: {  	s15 =	smulhi.u32 @!p1 $0x2762763, s14;
	_ =	sdelay $0x1  }
0x21: {  	s15 =	sshrl.u32 @!p1 s15, $0x1  }
0x22: {  	s15 =	smul.u32 @!p1 $0xD0, s15  }
0x23: {  	s16 =	sxor.u32 @!p1 $0xFFFFFFFF, s11;
	s17 =	smul.u32 @!p1 $0xD00, s10  }
0x24: {  	s31 =	sadd.s32 $0xFFFFFFFF, s11;
	s16 =	sshll.u32 @!p1 s16, $0xD;
	s14 =	ssub.s32 @!p1 s14, s15  }
0x25: {  	s15 =	sand.u32 @!p1 $0x2000, s16;
	s16 =	sadd.s32 @!p1 s6, s17;
	s14 =	sshll.u32 @!p1 s14, $0x4  }
0x26: {  	s17 =	simm.s32 @!p1 $0x6800;
	s14 =	sadd.s32 @!p1 s14, s16;
	s16 =	simm.s32 @!p1 $0x40  }
0x27: {  	[tilespmem:s15], [sflag:$0x1] =	stream.strided.gather @!p1 [hbm4b:s14+s16], $0x2000, s17, s16, $0x38;
	[tilespmem:$0x8080] =	vst v63  }
0x28: {  	p1 =	sge.u32 s31, s5  }
.Ltmp2:
0x29: {  	_ = 	snop;
	(pc) =	sbr.rel @p1 .LBB1_5-.Ltmp2, $1  }
0x2a: {  	_ =	sdelay $0x3  }
0x2b: {  	s14 =	simm.s32 $0x1  }
0x2c: {  	_ =	swait.ge [sflag:s4], $0x2000;
	s14 =	simm.s32 @!p0 $0x0  }
0x2d: {  	[sflag:s4] =	ssyncset.done $0x0;
	s15 =	sshll.u32 s14, $0xD  }
0x2e: {  	[sflag:s4] =	ssyncadd.s32 $0xFFFFE000;
	s18 =	sor.u32 $0x20, s15  }
0x2f: {  	s14 =	smul.u32 $0x8100, s14;
	v3 =	vld [tilespmem:s18+$0x10]  }
0x30: {  	s30 =	sand.u32 $0x1, s11;
	v2 =	vld [tilespmem:s18+$0xFFFFFFF0]  }
0x31: {  	s15 =	smul.u32 $0x8100, s30;
	s14 =	sshrl.u32 s14, $0x2;
	v0 =	vld [tilespmem:s18+$0x0]  }
0x32: {  	v1 =	vld [tilespmem:s18+$0xFFFFFFE0];
	s16 =	sor.u32 $0x4000, s14  }
0x33: {  	s31 =	sshrl.u32 s15, $0x2;
	s15 =	sadd.s32 $0x0, s16  }
0x34: {  	s17 =	simm.s32 $0x4;
	s18 =	sadd.s32 $0x40, s18;
	s14 =	sor.u32 $0x4000, s31;
	[tilespmem:s15+$0x1830 ss:$0x81] =	vst.msk $0xffff, v3  }
.LBB1_3:
0x35: {  	v3 =	vld [tilespmem:s18+$0x10];
	p1 =	sne.s32 s17, $0x1FC;
	[tilespmem:s15+$0x810 ss:$0x81] =	vst.msk $0xffff, v2;
	s19 =	smov.u32 s17;
	s17 =	sadd.s32 $0x4, s17  }
.Ltmp3:
0x36: {  	v2 =	vld [tilespmem:s18+$0xFFFFFFF0];
	[tilespmem:s15+$0x1020 ss:$0x81] =	vst.msk $0xffff, v0;
	(pc) =	sbr.rel @p1 .LBB1_3-.Ltmp3, $4  }
0x37: {  	v0 =	vld [tilespmem:s18+$0x0];
	[tilespmem:s15+$0x0 ss:$0x81] =	vst.msk $0xffff, v1  }
0x38: {  	s15 =	sshra.s32 s19, $0x2;
	v1 =	vld [tilespmem:s18+$0xFFFFFFE0]  }
0x39: {  	s15 =	sadd.s32 s15, s16  }
0x3a: {  	s18 =	sadd.s32 $0x40, s18;
	[tilespmem:s15+$0x1830 ss:$0x81] =	vst.msk $0xffff, v3  }
.Ltmp4:
0x3b: {  	_ = 	snop;
	(pc) =	sbr.rel .LBB1_4-.Ltmp4, $1  }
0x3c: {  	_ =	sdelay $0x3  }
.LBB1_6:
0x3d: {  	_ =	sfence.sel $0x180000  }
0x3e: {  	s2 =	simm.s32 $0x1;
	[bflag:$0x0] =	sbarrier.arrive $0xFFFF  }
0x3f: {  	s31 =	simm.s32 $0x2;
	[sflag:s2] =	ssyncpa.u1 $0x1  }
0x40: {  	[sflag:s31] =	ssyncpa.u1 $0x1  }
0x41: {  	p0 =	sne.s32 s0, $0x0;
	_ =	strace $0x9000004A  }
0x42: {  	s0 =	sadd.s32 @!p0 $0x100000, s1;
	[bflag:$0x2] =	sbarrier.arrive $0xFFFF  }
0x43: {  	[sflag:s0] =	ssyncadd.tile.s32 @!p0 $0x1;
	_ =	shalt  }
.Lfunc_end1:
_tile_overlayer_lowered:
.L_overlay_start_2:
0x44: {  	(tag) =	ssettag $0x2  }
0x45: {  	s0 =	rddreg [dreg:$0x0];
	s2 =	stileid.u32  }
0x46: {  	s1 =	rddreg [dreg:$0x1];
	p0 =	sne.s32 s2, $0x0  }
0x47: {  	s3 =	rddreg [dreg:$0x2];
	[bflag:$0x3] =	sbarrier.arrive $0xFFFF;
	s2 =	simm.s32 @!p0 $0x1C01  }
0x48: {  	[timem:s3], [sflag:s2] =	dma.local @!p0 [hbm:s0], s1  }
0x49: {  	s0 =	simm.s32 @!p0 $0x1  }
0x4a: {  	_ =	swait.ge @!p0 [sflag:s0], s1  }
0x4b: {  	s1 =	ssub.s32 @!p0 $0x0, s1;
	[sflag:s0] =	ssyncset.done @!p0 $0x0  }
0x4c: {  	[sflag:s0] =	ssyncadd.s32 @!p0 s1  }
0x4d: {  	[bflag:$0x3] =	sbarrier.arrive $0xFFFF  }
0x4e: {  	_ =	shalt  }

</sc_bundles>
